<compile_context>
chip_gen: v7x
topology: tpu7x:2x2x1
jax: 0.10.2.dev20260603
libtpu: 0.0.44.dev20260713+nightly
codegen_flags: <defaults>
</compile_context>

<pallas_src>
import functools

import jax
import jax.numpy as jnp
from jax import lax
from jax.experimental import pallas as pl
from jax.experimental.pallas import tpu as pltpu
from jax.experimental.pallas import tpu_sc as plsc

_BATCH = 4
_SEQ = 8192
_D = 768
_NW = 32
_ROWS_PER_W = _SEQ // _NW
_R = 8
_N_CHUNKS = _ROWS_PER_W // _R
_L = 16
_NSLOT = 4


def _sc_body(x_hbm, t_hbm, out_hbm, *scratch):
    bufx = scratch[:_NSLOT]
    buft = scratch[_NSLOT:_NSLOT + 2]
    sx = scratch[_NSLOT + 2:2 * _NSLOT + 2]
    st = scratch[2 * _NSLOT + 2:2 * _NSLOT + 4]
    so = scratch[2 * _NSLOT + 4:3 * _NSLOT + 4]

    wid = lax.axis_index("s") * 2 + lax.axis_index("c")
    r0 = wid * _ROWS_PER_W

    def x_copy(g, s):
        row = r0 + g * _R
        return pltpu.make_async_copy(
            x_hbm.at[:, pl.ds(row, _R), :], bufx[s], sx[s])

    def t_copy(g, s):
        row = r0 + g * _R
        return pltpu.make_async_copy(
            t_hbm.at[pl.ds(row, _R), :], buft[s], st[s])

    def out_copy(g, s):
        row = r0 + g * _R
        return pltpu.make_async_copy(
            bufx[s], out_hbm.at[:, pl.ds(row, _R), :], so[s])

    def accumulate(s, ts):
        half = _D // 2

        @plsc.parallel_loop(0, 2 * _R * _BATCH, 1, unroll=2)
        def _(idx):
            bb = idx >> 4
            r2 = idx & (2 * _R - 1)
            r = r2 >> 1
            c0 = (r2 & 1) * half
            vs = [buft[ts][r, pl.ds(c0 + j * _L, _L)]
                  for j in range(half // _L)]
            for j, v in enumerate(vs):
                plsc.addupdate(bufx[s].at[bb, r, pl.ds(c0 + j * _L, _L)], v)

    t_copy(0, 0).start()
    x_copy(0, 0).start()
    x_copy(1, 1).start()

    def block(i, carry):
        for gp in range(4):
            g = 4 * i + gp
            s = gp
            ps = (gp + 2) % 4

            @pl.when(g + 1 < _N_CHUNKS)
            def _():
                t_copy(g + 1, (gp + 1) % 2).start()

            t_copy(g, gp % 2).wait()

            @pl.when(g >= 2)
            def _():
                out_copy(g - 2, ps).wait()

            @pl.when(g + 2 < _N_CHUNKS)
            def _():
                x_copy(g + 2, ps).start()

            x_copy(g, s).wait()
            accumulate(s, gp % 2)
            out_copy(g, s).start()
        return carry

    lax.fori_loop(0, _N_CHUNKS // 4, block, 0)
    out_copy(_N_CHUNKS - 2, 2).wait()
    out_copy(_N_CHUNKS - 1, 3).wait()


_sc_add = functools.partial(
    pl.kernel,
    out_type=jax.ShapeDtypeStruct((_BATCH, _SEQ, _D), jnp.float32),
    mesh=plsc.VectorSubcoreMesh(core_axis_name="c", subcore_axis_name="s"),
    compiler_params=pltpu.CompilerParams(use_tc_tiling_on_sc=True),
    scratch_types=(
        [pltpu.VMEM((_BATCH, _R, _D), jnp.float32)] * _NSLOT
        + [pltpu.VMEM((_R, _D), jnp.float32)] * 2
        + [pltpu.SemaphoreType.DMA] * (2 * _NSLOT + 2)
    ),
)(_sc_body)


def kernel(x, pos_table):
    return _sc_add(x, pos_table)

# --- scband reference (transcript-rebuilt; emitter-appended) ---
"""Pipeline reference for scband-positional-embedding-86277303042659 (READ-ONLY COPY).

The authoritative reference and input builder live on the scoring server;
editing this copy changes nothing except your own understanding.
"""

import jax, jax.numpy as jnp
import numpy as np

MAX_LEN = 8192
D_MODEL = 768
BATCH = 4
SEQ_LEN = 8192

def setup_inputs(seed: int = 0) -> dict:
    key = jax.random.key(seed)
    k1, k2 = jax.random.split(key)
    x = jax.random.normal(k1, (BATCH, SEQ_LEN, D_MODEL), dtype=jnp.float32)
    # Keras Embedding default initializer is uniform(-0.05, 0.05)
    pos_table = jax.random.uniform(k2, (MAX_LEN, D_MODEL), dtype=jnp.float32, minval=-0.05, maxval=0.05)
    return {"x": x, "pos_table": pos_table}

def reference(x, pos_table):
    seq_len = x.shape[1]
    positions = jnp.arange(seq_len)
    pos_emb = jnp.take(pos_table, positions, axis=0)  # [seq_len, d_model]
    return x + pos_emb[None, :, :]

if __name__ == "__main__":
    import jax
    _d = setup_inputs()
    print(jax.jit(kernel)(*tuple(_d.values())))

</pallas_src>

<mosaic_0001>
#map = affine_map<(d0, d1) -> (0, 0, 0)>
#map1 = affine_map<(d0, d1) -> (0, 0)>
module attributes {stable_mosaic.version = 14 : i64} {
  func.func @_sc_body(%arg0: i32, %arg1: i32, %arg2: memref<4x8192x768xf32, #tpu.memory_space<hbm>>, %arg3: memref<8192x768xf32, #tpu.memory_space<hbm>>, %arg4: memref<4x8192x768xf32, #tpu.memory_space<hbm>>, %arg5: memref<4x8x768xf32, #tpu.memory_space<vmem>>, %arg6: memref<4x8x768xf32, #tpu.memory_space<vmem>>, %arg7: memref<4x8x768xf32, #tpu.memory_space<vmem>>, %arg8: memref<4x8x768xf32, #tpu.memory_space<vmem>>, %arg9: memref<8x768xf32, #tpu.memory_space<vmem>>, %arg10: memref<8x768xf32, #tpu.memory_space<vmem>>, %arg11: memref<!tpu.dma_semaphore, #tpu.memory_space<semaphore_mem>>, %arg12: memref<!tpu.dma_semaphore, #tpu.memory_space<semaphore_mem>>, %arg13: memref<!tpu.dma_semaphore, #tpu.memory_space<semaphore_mem>>, %arg14: memref<!tpu.dma_semaphore, #tpu.memory_space<semaphore_mem>>, %arg15: memref<!tpu.dma_semaphore, #tpu.memory_space<semaphore_mem>>, %arg16: memref<!tpu.dma_semaphore, #tpu.memory_space<semaphore_mem>>, %arg17: memref<!tpu.dma_semaphore, #tpu.memory_space<semaphore_mem>>, %arg18: memref<!tpu.dma_semaphore, #tpu.memory_space<semaphore_mem>>, %arg19: memref<!tpu.dma_semaphore, #tpu.memory_space<semaphore_mem>>, %arg20: memref<!tpu.dma_semaphore, #tpu.memory_space<semaphore_mem>>) attributes {dimension_semantics = [#tpu.dimension_semantics<core_parallel>, #tpu.dimension_semantics<subcore_parallel>], iteration_bounds = array<i64: 2, 16>, scalar_prefetch = 0 : i64, scratch_operands = 16 : i64, tpu.core_type = #tpu.core_type<sc_vector_subcore>, window_params = [{transform_indices = #map}, {transform_indices = #map1}, {transform_indices = #map}]} {
    %mul3A = arith.constant 2 : i32
    %mul3A_0 = arith.muli %arg1, %mul3A : i32
    %add3A = arith.addi %mul3A_0, %arg0 : i32
    %mul3A_1 = arith.constant 256 : i32
    %mul3A_2 = arith.muli %add3A, %mul3A_1 : i32
    %add3A_3 = arith.constant 0 : i32
    %add3A_4 = arith.addi %mul3A_2, %add3A_3 : i32
    %dma_start3A = arith.constant 0 : i32
    %dma_start3A_5 = tpu.memref_slice %arg3[%add3A_4, %dma_start3A] : memref<8192x768xf32, #tpu.memory_space<hbm>> -> memref<8x768xf32, #tpu.memory_space<hbm>>
    %dma_start3A_6 = arith.constant 0 : i32
    %dma_start3A_7 = tpu.memref_slice %arg3[%add3A_4, %dma_start3A_6] : memref<8192x768xf32, #tpu.memory_space<hbm>> -> memref<8x768xf32, #tpu.memory_space<hbm>>
    tpu.enqueue_dma source(%dma_start3A_7 : memref<8x768xf32, #tpu.memory_space<hbm>>) target(%arg9 : memref<8x768xf32, #tpu.memory_space<vmem>>) target_semaphore(%arg15 : memref<!tpu.dma_semaphore, #tpu.memory_space<semaphore_mem>>)
    %add3A_8 = arith.constant 0 : i32
    %add3A_9 = arith.addi %mul3A_2, %add3A_8 : i32
    %dma_start3A_10 = arith.constant 0 : i32
    %dma_start3A_11 = arith.constant 0 : i32
    %dma_start3A_12 = tpu.memref_slice %arg2[%dma_start3A_10, %add3A_9, %dma_start3A_11] : memref<4x8192x768xf32, #tpu.memory_space<hbm>> -> memref<4x8x768xf32, #tpu.memory_space<hbm>>
    %dma_start3A_13 = arith.constant 0 : i32
    %dma_start3A_14 = arith.constant 0 : i32
    %dma_start3A_15 = tpu.memref_slice %arg2[%dma_start3A_13, %add3A_9, %dma_start3A_14] : memref<4x8192x768xf32, #tpu.memory_space<hbm>> -> memref<4x8x768xf32, #tpu.memory_space<hbm>>
    tpu.enqueue_dma source(%dma_start3A_15 : memref<4x8x768xf32, #tpu.memory_space<hbm>>) target(%arg5 : memref<4x8x768xf32, #tpu.memory_space<vmem>>) target_semaphore(%arg11 : memref<!tpu.dma_semaphore, #tpu.memory_space<semaphore_mem>>)
    %add3A_16 = arith.constant 8 : i32
    %add3A_17 = arith.addi %mul3A_2, %add3A_16 : i32
    %dma_start3A_18 = arith.constant 0 : i32
    %dma_start3A_19 = arith.constant 0 : i32
    %dma_start3A_20 = tpu.memref_slice %arg2[%dma_start3A_18, %add3A_17, %dma_start3A_19] : memref<4x8192x768xf32, #tpu.memory_space<hbm>> -> memref<4x8x768xf32, #tpu.memory_space<hbm>>
    %dma_start3A_21 = arith.constant 0 : i32
    %dma_start3A_22 = arith.constant 0 : i32
    %dma_start3A_23 = tpu.memref_slice %arg2[%dma_start3A_21, %add3A_17, %dma_start3A_22] : memref<4x8192x768xf32, #tpu.memory_space<hbm>> -> memref<4x8x768xf32, #tpu.memory_space<hbm>>
    tpu.enqueue_dma source(%dma_start3A_23 : memref<4x8x768xf32, #tpu.memory_space<hbm>>) target(%arg6 : memref<4x8x768xf32, #tpu.memory_space<vmem>>) target_semaphore(%arg12 : memref<!tpu.dma_semaphore, #tpu.memory_space<semaphore_mem>>)
    %scan3A = arith.constant 0 : i32
    %scan3A_24 = arith.constant 0 : i32
    %scan3A_25 = arith.constant 8 : i32
    %scan3A_26 = arith.addi %scan3A_24, %scan3A_25 : i32
    %scan3A_27 = arith.constant 1 : i32
    scf.for %scan3A_44 = %scan3A_24 to %scan3A_26 step %scan3A_27  : i32 {
      %mul3A_45 = arith.constant 4 : i32
      %mul3A_46 = arith.muli %mul3A_45, %scan3A_44 : i32
      %add3A_47 = arith.constant 0 : i32
      %add3A_48 = arith.addi %mul3A_46, %add3A_47 : i32
      %add3A_49 = arith.constant 1 : i32
      %add3A_50 = arith.addi %add3A_48, %add3A_49 : i32
      %lt3A = arith.constant 32 : i32
      %lt3A_51 = arith.cmpi slt, %add3A_50, %lt3A : i32
      %convert_element_type3A = arith.extui %lt3A_51 : i1 to i32
      %cond3A = arith.constant 0 : i32
      %cond3A_52 = arith.cmpi ne, %convert_element_type3A, %cond3A : i32
      scf.if %cond3A_52 {
        %add3A_244 = arith.constant 1 : i32
        %add3A_245 = arith.addi %add3A_48, %add3A_244 : i32
        %mul3A_246 = arith.constant 8 : i32
        %mul3A_247 = arith.muli %add3A_245, %mul3A_246 : i32
        %add3A_248 = arith.addi %mul3A_2, %mul3A_247 : i32
        %dma_start3A_249 = arith.constant 0 : i32
        %dma_start3A_250 = tpu.memref_slice %arg3[%add3A_248, %dma_start3A_249] : memref<8192x768xf32, #tpu.memory_space<hbm>> -> memref<8x768xf32, #tpu.memory_space<hbm>>
        %dma_start3A_251 = arith.constant 0 : i32
        %dma_start3A_252 = tpu.memref_slice %arg3[%add3A_248, %dma_start3A_251] : memref<8192x768xf32, #tpu.memory_space<hbm>> -> memref<8x768xf32, #tpu.memory_space<hbm>>
        tpu.enqueue_dma source(%dma_start3A_252 : memref<8x768xf32, #tpu.memory_space<hbm>>) target(%arg10 : memref<8x768xf32, #tpu.memory_space<vmem>>) target_semaphore(%arg16 : memref<!tpu.dma_semaphore, #tpu.memory_space<semaphore_mem>>)
      } else {
      }
      %mul3A_53 = arith.constant 8 : i32
      %mul3A_54 = arith.muli %add3A_48, %mul3A_53 : i32
      %add3A_55 = arith.addi %mul3A_2, %mul3A_54 : i32
      %dma_wait3A_56 = arith.constant 0 : i32
      %dma_wait3A_57 = tpu.memref_slice %arg3[%add3A_55, %dma_wait3A_56] : memref<8192x768xf32, #tpu.memory_space<hbm>> -> memref<8x768xf32, #tpu.memory_space<hbm>>
      %dma_wait3A_58 = arith.constant 0 : i32
      %dma_wait3A_59 = tpu.memref_slice %arg3[%add3A_55, %dma_wait3A_58] : memref<8192x768xf32, #tpu.memory_space<hbm>> -> memref<8x768xf32, #tpu.memory_space<hbm>>
      tpu.wait_dma2 semaphore(%arg15 : memref<!tpu.dma_semaphore, #tpu.memory_space<semaphore_mem>>) src(%dma_wait3A_59 : memref<8x768xf32, #tpu.memory_space<hbm>>) dst(%arg9 : memref<8x768xf32, #tpu.memory_space<vmem>>)
      %ge3A = arith.constant 2 : i32
      %ge3A_60 = arith.cmpi sge, %add3A_48, %ge3A : i32
      %convert_element_type3A_61 = arith.extui %ge3A_60 : i1 to i32
      %cond3A_62 = arith.constant 0 : i32
      %cond3A_63 = arith.cmpi ne, %convert_element_type3A_61, %cond3A_62 : i32
      scf.if %cond3A_63 {
        %sub3A = arith.constant 2 : i32
        %sub3A_244 = arith.subi %add3A_48, %sub3A : i32
        %mul3A_245 = arith.constant 8 : i32
        %mul3A_246 = arith.muli %sub3A_244, %mul3A_245 : i32
        %add3A_247 = arith.addi %mul3A_2, %mul3A_246 : i32
        %dma_wait3A_248 = arith.constant 0 : i32
        %dma_wait3A_249 = arith.constant 0 : i32
        %dma_wait3A_250 = tpu.memref_slice %arg4[%dma_wait3A_248, %add3A_247, %dma_wait3A_249] : memref<4x8192x768xf32, #tpu.memory_space<hbm>> -> memref<4x8x768xf32, #tpu.memory_space<hbm>>
        %dma_wait3A_251 = arith.constant 0 : i32
        %dma_wait3A_252 = arith.constant 0 : i32
        %dma_wait3A_253 = tpu.memref_slice %arg4[%dma_wait3A_251, %add3A_247, %dma_wait3A_252] : memref<4x8192x768xf32, #tpu.memory_space<hbm>> -> memref<4x8x768xf32, #tpu.memory_space<hbm>>
        tpu.wait_dma2 semaphore(%arg19 : memref<!tpu.dma_semaphore, #tpu.memory_space<semaphore_mem>>) src(%arg7 : memref<4x8x768xf32, #tpu.memory_space<vmem>>) dst(%dma_wait3A_253 : memref<4x8x768xf32, #tpu.memory_space<hbm>>)
      } else {
      }
      %add3A_64 = arith.constant 2 : i32
      %add3A_65 = arith.addi %add3A_48, %add3A_64 : i32
      %lt3A_66 = arith.constant 32 : i32
      %lt3A_67 = arith.cmpi slt, %add3A_65, %lt3A_66 : i32
      %convert_element_type3A_68 = arith.extui %lt3A_67 : i1 to i32
      %cond3A_69 = arith.constant 0 : i32
      %cond3A_70 = arith.cmpi ne, %convert_element_type3A_68, %cond3A_69 : i32
      scf.if %cond3A_70 {
        %add3A_244 = arith.constant 2 : i32
        %add3A_245 = arith.addi %add3A_48, %add3A_244 : i32
        %mul3A_246 = arith.constant 8 : i32
        %mul3A_247 = arith.muli %add3A_245, %mul3A_246 : i32
        %add3A_248 = arith.addi %mul3A_2, %mul3A_247 : i32
        %dma_start3A_249 = arith.constant 0 : i32
        %dma_start3A_250 = arith.constant 0 : i32
        %dma_start3A_251 = tpu.memref_slice %arg2[%dma_start3A_249, %add3A_248, %dma_start3A_250] : memref<4x8192x768xf32, #tpu.memory_space<hbm>> -> memref<4x8x768xf32, #tpu.memory_space<hbm>>
        %dma_start3A_252 = arith.constant 0 : i32
        %dma_start3A_253 = arith.constant 0 : i32
        %dma_start3A_254 = tpu.memref_slice %arg2[%dma_start3A_252, %add3A_248, %dma_start3A_253] : memref<4x8192x768xf32, #tpu.memory_space<hbm>> -> memref<4x8x768xf32, #tpu.memory_space<hbm>>
        tpu.enqueue_dma source(%dma_start3A_254 : memref<4x8x768xf32, #tpu.memory_space<hbm>>) target(%arg7 : memref<4x8x768xf32, #tpu.memory_space<vmem>>) target_semaphore(%arg13 : memref<!tpu.dma_semaphore, #tpu.memory_space<semaphore_mem>>)
      } else {
      }
      %mul3A_71 = arith.constant 8 : i32
      %mul3A_72 = arith.muli %add3A_48, %mul3A_71 : i32
      %add3A_73 = arith.addi %mul3A_2, %mul3A_72 : i32
      %dma_wait3A_74 = arith.constant 0 : i32
      %dma_wait3A_75 = arith.constant 0 : i32
      %dma_wait3A_76 = tpu.memref_slice %arg2[%dma_wait3A_74, %add3A_73, %dma_wait3A_75] : memref<4x8192x768xf32, #tpu.memory_space<hbm>> -> memref<4x8x768xf32, #tpu.memory_space<hbm>>
      %dma_wait3A_77 = arith.constant 0 : i32
      %dma_wait3A_78 = arith.constant 0 : i32
      %dma_wait3A_79 = tpu.memref_slice %arg2[%dma_wait3A_77, %add3A_73, %dma_wait3A_78] : memref<4x8192x768xf32, #tpu.memory_space<hbm>> -> memref<4x8x768xf32, #tpu.memory_space<hbm>>
      tpu.wait_dma2 semaphore(%arg11 : memref<!tpu.dma_semaphore, #tpu.memory_space<semaphore_mem>>) src(%dma_wait3A_79 : memref<4x8x768xf32, #tpu.memory_space<hbm>>) dst(%arg5 : memref<4x8x768xf32, #tpu.memory_space<vmem>>)
      %parallel_loop3A = arith.constant 0 : i32
      %parallel_loop3A_80 = arith.constant 64 : i32
      %parallel_loop3A_81 = arith.constant 1 : i32
      scf.for %parallel_loop3A_244 = %parallel_loop3A to %parallel_loop3A_80 step %parallel_loop3A_81  : i32 {
        %parallel_loop3A_245 = arith.constant 4 : i32
        %parallel_loop3A_246 = arith.shrsi %parallel_loop3A_244, %parallel_loop3A_245 : i32
        %parallel_loop3A_247 = arith.constant 15 : i32
        %parallel_loop3A_248 = arith.andi %parallel_loop3A_244, %parallel_loop3A_247 : i32
        %parallel_loop3A_249 = arith.constant 1 : i32
        %parallel_loop3A_250 = arith.shrsi %parallel_loop3A_248, %parallel_loop3A_249 : i32
        %parallel_loop3A_251 = arith.constant 1 : i32
        %parallel_loop3A_252 = arith.andi %parallel_loop3A_248, %parallel_loop3A_251 : i32
        %parallel_loop3A_253 = arith.constant 384 : i32
        %parallel_loop3A_254 = arith.muli %parallel_loop3A_252, %parallel_loop3A_253 : i32
        %parallel_loop3A_255 = arith.constant 0 : i32
        %parallel_loop3A_256 = arith.addi %parallel_loop3A_254, %parallel_loop3A_255 : i32
        %parallel_loop3A_257 = arith.index_cast %parallel_loop3A_250 : i32 to index
        %parallel_loop3A_258 = arith.index_cast %parallel_loop3A_256 : i32 to index
        %parallel_loop3A_259 = tpu.vector_load %arg9[%parallel_loop3A_257, %parallel_loop3A_258] {strides = array<i32>} : memref<8x768xf32, #tpu.memory_space<vmem>>, vector<1x16xf32>,
        %parallel_loop3A_260 = vector.shape_cast %parallel_loop3A_259 : vector<1x16xf32> to vector<16xf32>
        %parallel_loop3A_261 = arith.constant 16 : i32
        %parallel_loop3A_262 = arith.addi %parallel_loop3A_254, %parallel_loop3A_261 : i32
        %parallel_loop3A_263 = arith.index_cast %parallel_loop3A_250 : i32 to index
        %parallel_loop3A_264 = arith.index_cast %parallel_loop3A_262 : i32 to index
        %parallel_loop3A_265 = tpu.vector_load %arg9[%parallel_loop3A_263, %parallel_loop3A_264] {strides = array<i32>} : memref<8x768xf32, #tpu.memory_space<vmem>>, vector<1x16xf32>,
        %parallel_loop3A_266 = vector.shape_cast %parallel_loop3A_265 : vector<1x16xf32> to vector<16xf32>
        %parallel_loop3A_267 = arith.constant 32 : i32
        %parallel_loop3A_268 = arith.addi %parallel_loop3A_254, %parallel_loop3A_267 : i32
        %parallel_loop3A_269 = arith.index_cast %parallel_loop3A_250 : i32 to index
        %parallel_loop3A_270 = arith.index_cast %parallel_loop3A_268 : i32 to index
        %parallel_loop3A_271 = tpu.vector_load %arg9[%parallel_loop3A_269, %parallel_loop3A_270] {strides = array<i32>} : memref<8x768xf32, #tpu.memory_space<vmem>>, vector<1x16xf32>,
        %parallel_loop3A_272 = vector.shape_cast %parallel_loop3A_271 : vector<1x16xf32> to vector<16xf32>
        %parallel_loop3A_273 = arith.constant 48 : i32
        %parallel_loop3A_274 = arith.addi %parallel_loop3A_254, %parallel_loop3A_273 : i32
        %parallel_loop3A_275 = arith.index_cast %parallel_loop3A_250 : i32 to index
        %parallel_loop3A_276 = arith.index_cast %parallel_loop3A_274 : i32 to index
        %parallel_loop3A_277 = tpu.vector_load %arg9[%parallel_loop3A_275, %parallel_loop3A_276] {strides = array<i32>} : memref<8x768xf32, #tpu.memory_space<vmem>>, vector<1x16xf32>,
        %parallel_loop3A_278 = vector.shape_cast %parallel_loop3A_277 : vector<1x16xf32> to vector<16xf32>
        %parallel_loop3A_279 = arith.constant 64 : i32
        %parallel_loop3A_280 = arith.addi %parallel_loop3A_254, %parallel_loop3A_279 : i32
        %parallel_loop3A_281 = arith.index_cast %parallel_loop3A_250 : i32 to index
        %parallel_loop3A_282 = arith.index_cast %parallel_loop3A_280 : i32 to index
        %parallel_loop3A_283 = tpu.vector_load %arg9[%parallel_loop3A_281, %parallel_loop3A_282] {strides = array<i32>} : memref<8x768xf32, #tpu.memory_space<vmem>>, vector<1x16xf32>,
        %parallel_loop3A_284 = vector.shape_cast %parallel_loop3A_283 : vector<1x16xf32> to vector<16xf32>
        %parallel_loop3A_285 = arith.constant 80 : i32
        %parallel_loop3A_286 = arith.addi %parallel_loop3A_254, %parallel_loop3A_285 : i32
        %parallel_loop3A_287 = arith.index_cast %parallel_loop3A_250 : i32 to index
        %parallel_loop3A_288 = arith.index_cast %parallel_loop3A_286 : i32 to index
        %parallel_loop3A_289 = tpu.vector_load %arg9[%parallel_loop3A_287, %parallel_loop3A_288] {strides = array<i32>} : memref<8x768xf32, #tpu.memory_space<vmem>>, vector<1x16xf32>,
        %parallel_loop3A_290 = vector.shape_cast %parallel_loop3A_289 : vector<1x16xf32> to vector<16xf32>
        %parallel_loop3A_291 = arith.constant 96 : i32
        %parallel_loop3A_292 = arith.addi %parallel_loop3A_254, %parallel_loop3A_291 : i32
        %parallel_loop3A_293 = arith.index_cast %parallel_loop3A_250 : i32 to index
        %parallel_loop3A_294 = arith.index_cast %parallel_loop3A_292 : i32 to index
        %parallel_loop3A_295 = tpu.vector_load %arg9[%parallel_loop3A_293, %parallel_loop3A_294] {strides = array<i32>} : memref<8x768xf32, #tpu.memory_space<vmem>>, vector<1x16xf32>,
        %parallel_loop3A_296 = vector.shape_cast %parallel_loop3A_295 : vector<1x16xf32> to vector<16xf32>
        %parallel_loop3A_297 = arith.constant 112 : i32
        %parallel_loop3A_298 = arith.addi %parallel_loop3A_254, %parallel_loop3A_297 : i32
        %parallel_loop3A_299 = arith.index_cast %parallel_loop3A_250 : i32 to index
        %parallel_loop3A_300 = arith.index_cast %parallel_loop3A_298 : i32 to index
        %parallel_loop3A_301 = tpu.vector_load %arg9[%parallel_loop3A_299, %parallel_loop3A_300] {strides = array<i32>} : memref<8x768xf32, #tpu.memory_space<vmem>>, vector<1x16xf32>,
        %parallel_loop3A_302 = vector.shape_cast %parallel_loop3A_301 : vector<1x16xf32> to vector<16xf32>
        %parallel_loop3A_303 = arith.constant 128 : i32
        %parallel_loop3A_304 = arith.addi %parallel_loop3A_254, %parallel_loop3A_303 : i32
        %parallel_loop3A_305 = arith.index_cast %parallel_loop3A_250 : i32 to index
        %parallel_loop3A_306 = arith.index_cast %parallel_loop3A_304 : i32 to index
        %parallel_loop3A_307 = tpu.vector_load %arg9[%parallel_loop3A_305, %parallel_loop3A_306] {strides = array<i32>} : memref<8x768xf32, #tpu.memory_space<vmem>>, vector<1x16xf32>,
        %parallel_loop3A_308 = vector.shape_cast %parallel_loop3A_307 : vector<1x16xf32> to vector<16xf32>
        %parallel_loop3A_309 = arith.constant 144 : i32
        %parallel_loop3A_310 = arith.addi %parallel_loop3A_254, %parallel_loop3A_309 : i32
        %parallel_loop3A_311 = arith.index_cast %parallel_loop3A_250 : i32 to index
        %parallel_loop3A_312 = arith.index_cast %parallel_loop3A_310 : i32 to index
        %parallel_loop3A_313 = tpu.vector_load %arg9[%parallel_loop3A_311, %parallel_loop3A_312] {strides = array<i32>} : memref<8x768xf32, #tpu.memory_space<vmem>>, vector<1x16xf32>,
        %parallel_loop3A_314 = vector.shape_cast %parallel_loop3A_313 : vector<1x16xf32> to vector<16xf32>
        %parallel_loop3A_315 = arith.constant 160 : i32
        %parallel_loop3A_316 = arith.addi %parallel_loop3A_254, %parallel_loop3A_315 : i32
        %parallel_loop3A_317 = arith.index_cast %parallel_loop3A_250 : i32 to index
        %parallel_loop3A_318 = arith.index_cast %parallel_loop3A_316 : i32 to index
        %parallel_loop3A_319 = tpu.vector_load %arg9[%parallel_loop3A_317, %parallel_loop3A_318] {strides = array<i32>} : memref<8x768xf32, #tpu.memory_space<vmem>>, vector<1x16xf32>,
        %parallel_loop3A_320 = vector.shape_cast %parallel_loop3A_319 : vector<1x16xf32> to vector<16xf32>
        %parallel_loop3A_321 = arith.constant 176 : i32
        %parallel_loop3A_322 = arith.addi %parallel_loop3A_254, %parallel_loop3A_321 : i32
        %parallel_loop3A_323 = arith.index_cast %parallel_loop3A_250 : i32 to index
        %parallel_loop3A_324 = arith.index_cast %parallel_loop3A_322 : i32 to index
        %parallel_loop3A_325 = tpu.vector_load %arg9[%parallel_loop3A_323, %parallel_loop3A_324] {strides = array<i32>} : memref<8x768xf32, #tpu.memory_space<vmem>>, vector<1x16xf32>,
        %parallel_loop3A_326 = vector.shape_cast %parallel_loop3A_325 : vector<1x16xf32> to vector<16xf32>
        %parallel_loop3A_327 = arith.constant 192 : i32
        %parallel_loop3A_328 = arith.addi %parallel_loop3A_254, %parallel_loop3A_327 : i32
        %parallel_loop3A_329 = arith.index_cast %parallel_loop3A_250 : i32 to index
        %parallel_loop3A_330 = arith.index_cast %parallel_loop3A_328 : i32 to index
        %parallel_loop3A_331 = tpu.vector_load %arg9[%parallel_loop3A_329, %parallel_loop3A_330] {strides = array<i32>} : memref<8x768xf32, #tpu.memory_space<vmem>>, vector<1x16xf32>,
        %parallel_loop3A_332 = vector.shape_cast %parallel_loop3A_331 : vector<1x16xf32> to vector<16xf32>
        %parallel_loop3A_333 = arith.constant 208 : i32
        %parallel_loop3A_334 = arith.addi %parallel_loop3A_254, %parallel_loop3A_333 : i32
        %parallel_loop3A_335 = arith.index_cast %parallel_loop3A_250 : i32 to index
        %parallel_loop3A_336 = arith.index_cast %parallel_loop3A_334 : i32 to index
        %parallel_loop3A_337 = tpu.vector_load %arg9[%parallel_loop3A_335, %parallel_loop3A_336] {strides = array<i32>} : memref<8x768xf32, #tpu.memory_space<vmem>>, vector<1x16xf32>,
        %parallel_loop3A_338 = vector.shape_cast %parallel_loop3A_337 : vector<1x16xf32> to vector<16xf32>
        %parallel_loop3A_339 = arith.constant 224 : i32
        %parallel_loop3A_340 = arith.addi %parallel_loop3A_254, %parallel_loop3A_339 : i32
        %parallel_loop3A_341 = arith.index_cast %parallel_loop3A_250 : i32 to index
        %parallel_loop3A_342 = arith.index_cast %parallel_loop3A_340 : i32 to index
        %parallel_loop3A_343 = tpu.vector_load %arg9[%parallel_loop3A_341, %parallel_loop3A_342] {strides = array<i32>} : memref<8x768xf32, #tpu.memory_space<vmem>>, vector<1x16xf32>,
        %parallel_loop3A_344 = vector.shape_cast %parallel_loop3A_343 : vector<1x16xf32> to vector<16xf32>
        %parallel_loop3A_345 = arith.constant 240 : i32
        %parallel_loop3A_346 = arith.addi %parallel_loop3A_254, %parallel_loop3A_345 : i32
        %parallel_loop3A_347 = arith.index_cast %parallel_loop3A_250 : i32 to index
        %parallel_loop3A_348 = arith.index_cast %parallel_loop3A_346 : i32 to index
        %parallel_loop3A_349 = tpu.vector_load %arg9[%parallel_loop3A_347, %parallel_loop3A_348] {strides = array<i32>} : memref<8x768xf32, #tpu.memory_space<vmem>>, vector<1x16xf32>,
        %parallel_loop3A_350 = vector.shape_cast %parallel_loop3A_349 : vector<1x16xf32> to vector<16xf32>
        %parallel_loop3A_351 = arith.constant 256 : i32
        %parallel_loop3A_352 = arith.addi %parallel_loop3A_254, %parallel_loop3A_351 : i32
        %parallel_loop3A_353 = arith.index_cast %parallel_loop3A_250 : i32 to index
        %parallel_loop3A_354 = arith.index_cast %parallel_loop3A_352 : i32 to index
        %parallel_loop3A_355 = tpu.vector_load %arg9[%parallel_loop3A_353, %parallel_loop3A_354] {strides = array<i32>} : memref<8x768xf32, #tpu.memory_space<vmem>>, vector<1x16xf32>,
        %parallel_loop3A_356 = vector.shape_cast %parallel_loop3A_355 : vector<1x16xf32> to vector<16xf32>
        %parallel_loop3A_357 = arith.constant 272 : i32
        %parallel_loop3A_358 = arith.addi %parallel_loop3A_254, %parallel_loop3A_357 : i32
        %parallel_loop3A_359 = arith.index_cast %parallel_loop3A_250 : i32 to index
        %parallel_loop3A_360 = arith.index_cast %parallel_loop3A_358 : i32 to index
        %parallel_loop3A_361 = tpu.vector_load %arg9[%parallel_loop3A_359, %parallel_loop3A_360] {strides = array<i32>} : memref<8x768xf32, #tpu.memory_space<vmem>>, vector<1x16xf32>,
        %parallel_loop3A_362 = vector.shape_cast %parallel_loop3A_361 : vector<1x16xf32> to vector<16xf32>
        %parallel_loop3A_363 = arith.constant 288 : i32
        %parallel_loop3A_364 = arith.addi %parallel_loop3A_254, %parallel_loop3A_363 : i32
        %parallel_loop3A_365 = arith.index_cast %parallel_loop3A_250 : i32 to index
        %parallel_loop3A_366 = arith.index_cast %parallel_loop3A_364 : i32 to index
        %parallel_loop3A_367 = tpu.vector_load %arg9[%parallel_loop3A_365, %parallel_loop3A_366] {strides = array<i32>} : memref<8x768xf32, #tpu.memory_space<vmem>>, vector<1x16xf32>,
        %parallel_loop3A_368 = vector.shape_cast %parallel_loop3A_367 : vector<1x16xf32> to vector<16xf32>
        %parallel_loop3A_369 = arith.constant 304 : i32
        %parallel_loop3A_370 = arith.addi %parallel_loop3A_254, %parallel_loop3A_369 : i32
        %parallel_loop3A_371 = arith.index_cast %parallel_loop3A_250 : i32 to index
        %parallel_loop3A_372 = arith.index_cast %parallel_loop3A_370 : i32 to index
        %parallel_loop3A_373 = tpu.vector_load %arg9[%parallel_loop3A_371, %parallel_loop3A_372] {strides = array<i32>} : memref<8x768xf32, #tpu.memory_space<vmem>>, vector<1x16xf32>,
        %parallel_loop3A_374 = vector.shape_cast %parallel_loop3A_373 : vector<1x16xf32> to vector<16xf32>
        %parallel_loop3A_375 = arith.constant 320 : i32
        %parallel_loop3A_376 = arith.addi %parallel_loop3A_254, %parallel_loop3A_375 : i32
        %parallel_loop3A_377 = arith.index_cast %parallel_loop3A_250 : i32 to index
        %parallel_loop3A_378 = arith.index_cast %parallel_loop3A_376 : i32 to index
        %parallel_loop3A_379 = tpu.vector_load %arg9[%parallel_loop3A_377, %parallel_loop3A_378] {strides = array<i32>} : memref<8x768xf32, #tpu.memory_space<vmem>>, vector<1x16xf32>,
        %parallel_loop3A_380 = vector.shape_cast %parallel_loop3A_379 : vector<1x16xf32> to vector<16xf32>
        %parallel_loop3A_381 = arith.constant 336 : i32
        %parallel_loop3A_382 = arith.addi %parallel_loop3A_254, %parallel_loop3A_381 : i32
        %parallel_loop3A_383 = arith.index_cast %parallel_loop3A_250 : i32 to index
        %parallel_loop3A_384 = arith.index_cast %parallel_loop3A_382 : i32 to index
        %parallel_loop3A_385 = tpu.vector_load %arg9[%parallel_loop3A_383, %parallel_loop3A_384] {strides = array<i32>} : memref<8x768xf32, #tpu.memory_space<vmem>>, vector<1x16xf32>,
        %parallel_loop3A_386 = vector.shape_cast %parallel_loop3A_385 : vector<1x16xf32> to vector<16xf32>
        %parallel_loop3A_387 = arith.constant 352 : i32
        %parallel_loop3A_388 = arith.addi %parallel_loop3A_254, %parallel_loop3A_387 : i32
        %parallel_loop3A_389 = arith.index_cast %parallel_loop3A_250 : i32 to index
        %parallel_loop3A_390 = arith.index_cast %parallel_loop3A_388 : i32 to index
        %parallel_loop3A_391 = tpu.vector_load %arg9[%parallel_loop3A_389, %parallel_loop3A_390] {strides = array<i32>} : memref<8x768xf32, #tpu.memory_space<vmem>>, vector<1x16xf32>,
        %parallel_loop3A_392 = vector.shape_cast %parallel_loop3A_391 : vector<1x16xf32> to vector<16xf32>
        %parallel_loop3A_393 = arith.constant 368 : i32
        %parallel_loop3A_394 = arith.addi %parallel_loop3A_254, %parallel_loop3A_393 : i32
        %parallel_loop3A_395 = arith.index_cast %parallel_loop3A_250 : i32 to index
        %parallel_loop3A_396 = arith.index_cast %parallel_loop3A_394 : i32 to index
        %parallel_loop3A_397 = tpu.vector_load %arg9[%parallel_loop3A_395, %parallel_loop3A_396] {strides = array<i32>} : memref<8x768xf32, #tpu.memory_space<vmem>>, vector<1x16xf32>,
        %parallel_loop3A_398 = vector.shape_cast %parallel_loop3A_397 : vector<1x16xf32> to vector<16xf32>
        %parallel_loop3A_399 = arith.constant 0 : i32
        %parallel_loop3A_400 = arith.addi %parallel_loop3A_254, %parallel_loop3A_399 : i32
        %parallel_loop3A_401 = arith.index_cast %parallel_loop3A_246 : i32 to index
        %parallel_loop3A_402 = arith.index_cast %parallel_loop3A_250 : i32 to index
        %parallel_loop3A_403 = arith.index_cast %parallel_loop3A_400 : i32 to index
        %parallel_loop3A_404 = tpu.vector_load %arg5[%parallel_loop3A_401, %parallel_loop3A_402, %parallel_loop3A_403] {strides = array<i32>} : memref<4x8x768xf32, #tpu.memory_space<vmem>>, vector<1x1x16xf32>,
        %parallel_loop3A_405 = vector.shape_cast %parallel_loop3A_404 : vector<1x1x16xf32> to vector<16xf32>
        %parallel_loop3A_406 = vector.shape_cast %parallel_loop3A_260 : vector<16xf32> to vector<1x1x16xf32>
        tpu.vector_store %arg5[%parallel_loop3A_401, %parallel_loop3A_402, %parallel_loop3A_403], %parallel_loop3A_406 {add = true, strides = array<i32>} : memref<4x8x768xf32, #tpu.memory_space<vmem>>, vector<1x1x16xf32>,
        %parallel_loop3A_407 = arith.constant 16 : i32
        %parallel_loop3A_408 = arith.addi %parallel_loop3A_254, %parallel_loop3A_407 : i32
        %parallel_loop3A_409 = arith.index_cast %parallel_loop3A_246 : i32 to index
        %parallel_loop3A_410 = arith.index_cast %parallel_loop3A_250 : i32 to index
        %parallel_loop3A_411 = arith.index_cast %parallel_loop3A_408 : i32 to index
        %parallel_loop3A_412 = tpu.vector_load %arg5[%parallel_loop3A_409, %parallel_loop3A_410, %parallel_loop3A_411] {strides = array<i32>} : memref<4x8x768xf32, #tpu.memory_space<vmem>>, vector<1x1x16xf32>,
        %parallel_loop3A_413 = vector.shape_cast %parallel_loop3A_412 : vector<1x1x16xf32> to vector<16xf32>
        %parallel_loop3A_414 = vector.shape_cast %parallel_loop3A_266 : vector<16xf32> to vector<1x1x16xf32>
        tpu.vector_store %arg5[%parallel_loop3A_409, %parallel_loop3A_410, %parallel_loop3A_411], %parallel_loop3A_414 {add = true, strides = array<i32>} : memref<4x8x768xf32, #tpu.memory_space<vmem>>, vector<1x1x16xf32>,
        %parallel_loop3A_415 = arith.constant 32 : i32
        %parallel_loop3A_416 = arith.addi %parallel_loop3A_254, %parallel_loop3A_415 : i32
        %parallel_loop3A_417 = arith.index_cast %parallel_loop3A_246 : i32 to index
        %parallel_loop3A_418 = arith.index_cast %parallel_loop3A_250 : i32 to index
        %parallel_loop3A_419 = arith.index_cast %parallel_loop3A_416 : i32 to index
        %parallel_loop3A_420 = tpu.vector_load %arg5[%parallel_loop3A_417, %parallel_loop3A_418, %parallel_loop3A_419] {strides = array<i32>} : memref<4x8x768xf32, #tpu.memory_space<vmem>>, vector<1x1x16xf32>,
        %parallel_loop3A_421 = vector.shape_cast %parallel_loop3A_420 : vector<1x1x16xf32> to vector<16xf32>
        %parallel_loop3A_422 = vector.shape_cast %parallel_loop3A_272 : vector<16xf32> to vector<1x1x16xf32>
        tpu.vector_store %arg5[%parallel_loop3A_417, %parallel_loop3A_418, %parallel_loop3A_419], %parallel_loop3A_422 {add = true, strides = array<i32>} : memref<4x8x768xf32, #tpu.memory_space<vmem>>, vector<1x1x16xf32>,
        %parallel_loop3A_423 = arith.constant 48 : i32
        %parallel_loop3A_424 = arith.addi %parallel_loop3A_254, %parallel_loop3A_423 : i32
        %parallel_loop3A_425 = arith.index_cast %parallel_loop3A_246 : i32 to index
        %parallel_loop3A_426 = arith.index_cast %parallel_loop3A_250 : i32 to index
        %parallel_loop3A_427 = arith.index_cast %parallel_loop3A_424 : i32 to index
        %parallel_loop3A_428 = tpu.vector_load %arg5[%parallel_loop3A_425, %parallel_loop3A_426, %parallel_loop3A_427] {strides = array<i32>} : memref<4x8x768xf32, #tpu.memory_space<vmem>>, vector<1x1x16xf32>,
        %parallel_loop3A_429 = vector.shape_cast %parallel_loop3A_428 : vector<1x1x16xf32> to vector<16xf32>
        %parallel_loop3A_430 = vector.shape_cast %parallel_loop3A_278 : vector<16xf32> to vector<1x1x16xf32>
        tpu.vector_store %arg5[%parallel_loop3A_425, %parallel_loop3A_426, %parallel_loop3A_427], %parallel_loop3A_430 {add = true, strides = array<i32>} : memref<4x8x768xf32, #tpu.memory_space<vmem>>, vector<1x1x16xf32>,
        %parallel_loop3A_431 = arith.constant 64 : i32
        %parallel_loop3A_432 = arith.addi %parallel_loop3A_254, %parallel_loop3A_431 : i32
        %parallel_loop3A_433 = arith.index_cast %parallel_loop3A_246 : i32 to index
        %parallel_loop3A_434 = arith.index_cast %parallel_loop3A_250 : i32 to index
        %parallel_loop3A_435 = arith.index_cast %parallel_loop3A_432 : i32 to index
        %parallel_loop3A_436 = tpu.vector_load %arg5[%parallel_loop3A_433, %parallel_loop3A_434, %parallel_loop3A_435] {strides = array<i32>} : memref<4x8x768xf32, #tpu.memory_space<vmem>>, vector<1x1x16xf32>,
        %parallel_loop3A_437 = vector.shape_cast %parallel_loop3A_436 : vector<1x1x16xf32> to vector<16xf32>
        %parallel_loop3A_438 = vector.shape_cast %parallel_loop3A_284 : vector<16xf32> to vector<1x1x16xf32>
        tpu.vector_store %arg5[%parallel_loop3A_433, %parallel_loop3A_434, %parallel_loop3A_435], %parallel_loop3A_438 {add = true, strides = array<i32>} : memref<4x8x768xf32, #tpu.memory_space<vmem>>, vector<1x1x16xf32>,
        %parallel_loop3A_439 = arith.constant 80 : i32
        %parallel_loop3A_440 = arith.addi %parallel_loop3A_254, %parallel_loop3A_439 : i32
        %parallel_loop3A_441 = arith.index_cast %parallel_loop3A_246 : i32 to index
        %parallel_loop3A_442 = arith.index_cast %parallel_loop3A_250 : i32 to index
        %parallel_loop3A_443 = arith.index_cast %parallel_loop3A_440 : i32 to index
        %parallel_loop3A_444 = tpu.vector_load %arg5[%parallel_loop3A_441, %parallel_loop3A_442, %parallel_loop3A_443] {strides = array<i32>} : memref<4x8x768xf32, #tpu.memory_space<vmem>>, vector<1x1x16xf32>,
        %parallel_loop3A_445 = vector.shape_cast %parallel_loop3A_444 : vector<1x1x16xf32> to vector<16xf32>
        %parallel_loop3A_446 = vector.shape_cast %parallel_loop3A_290 : vector<16xf32> to vector<1x1x16xf32>
        tpu.vector_store %arg5[%parallel_loop3A_441, %parallel_loop3A_442, %parallel_loop3A_443], %parallel_loop3A_446 {add = true, strides = array<i32>} : memref<4x8x768xf32, #tpu.memory_space<vmem>>, vector<1x1x16xf32>,
        %parallel_loop3A_447 = arith.constant 96 : i32
        %parallel_loop3A_448 = arith.addi %parallel_loop3A_254, %parallel_loop3A_447 : i32
        %parallel_loop3A_449 = arith.index_cast %parallel_loop3A_246 : i32 to index
        %parallel_loop3A_450 = arith.index_cast %parallel_loop3A_250 : i32 to index
        %parallel_loop3A_451 = arith.index_cast %parallel_loop3A_448 : i32 to index
        %parallel_loop3A_452 = tpu.vector_load %arg5[%parallel_loop3A_449, %parallel_loop3A_450, %parallel_loop3A_451] {strides = array<i32>} : memref<4x8x768xf32, #tpu.memory_space<vmem>>, vector<1x1x16xf32>,
        %parallel_loop3A_453 = vector.shape_cast %parallel_loop3A_452 : vector<1x1x16xf32> to vector<16xf32>
        %parallel_loop3A_454 = vector.shape_cast %parallel_loop3A_296 : vector<16xf32> to vector<1x1x16xf32>
        tpu.vector_store %arg5[%parallel_loop3A_449, %parallel_loop3A_450, %parallel_loop3A_451], %parallel_loop3A_454 {add = true, strides = array<i32>} : memref<4x8x768xf32, #tpu.memory_space<vmem>>, vector<1x1x16xf32>,
        %parallel_loop3A_455 = arith.constant 112 : i32
        %parallel_loop3A_456 = arith.addi %parallel_loop3A_254, %parallel_loop3A_455 : i32
        %parallel_loop3A_457 = arith.index_cast %parallel_loop3A_246 : i32 to index
        %parallel_loop3A_458 = arith.index_cast %parallel_loop3A_250 : i32 to index
        %parallel_loop3A_459 = arith.index_cast %parallel_loop3A_456 : i32 to index
        %parallel_loop3A_460 = tpu.vector_load %arg5[%parallel_loop3A_457, %parallel_loop3A_458, %parallel_loop3A_459] {strides = array<i32>} : memref<4x8x768xf32, #tpu.memory_space<vmem>>, vector<1x1x16xf32>,
        %parallel_loop3A_461 = vector.shape_cast %parallel_loop3A_460 : vector<1x1x16xf32> to vector<16xf32>
        %parallel_loop3A_462 = vector.shape_cast %parallel_loop3A_302 : vector<16xf32> to vector<1x1x16xf32>
        tpu.vector_store %arg5[%parallel_loop3A_457, %parallel_loop3A_458, %parallel_loop3A_459], %parallel_loop3A_462 {add = true, strides = array<i32>} : memref<4x8x768xf32, #tpu.memory_space<vmem>>, vector<1x1x16xf32>,
        %parallel_loop3A_463 = arith.constant 128 : i32
        %parallel_loop3A_464 = arith.addi %parallel_loop3A_254, %parallel_loop3A_463 : i32
        %parallel_loop3A_465 = arith.index_cast %parallel_loop3A_246 : i32 to index
        %parallel_loop3A_466 = arith.index_cast %parallel_loop3A_250 : i32 to index
        %parallel_loop3A_467 = arith.index_cast %parallel_loop3A_464 : i32 to index
        %parallel_loop3A_468 = tpu.vector_load %arg5[%parallel_loop3A_465, %parallel_loop3A_466, %parallel_loop3A_467] {strides = array<i32>} : memref<4x8x768xf32, #tpu.memory_space<vmem>>, vector<1x1x16xf32>,
        %parallel_loop3A_469 = vector.shape_cast %parallel_loop3A_468 : vector<1x1x16xf32> to vector<16xf32>
        %parallel_loop3A_470 = vector.shape_cast %parallel_loop3A_308 : vector<16xf32> to vector<1x1x16xf32>
        tpu.vector_store %arg5[%parallel_loop3A_465, %parallel_loop3A_466, %parallel_loop3A_467], %parallel_loop3A_470 {add = true, strides = array<i32>} : memref<4x8x768xf32, #tpu.memory_space<vmem>>, vector<1x1x16xf32>,
        %parallel_loop3A_471 = arith.constant 144 : i32
        %parallel_loop3A_472 = arith.addi %parallel_loop3A_254, %parallel_loop3A_471 : i32
        %parallel_loop3A_473 = arith.index_cast %parallel_loop3A_246 : i32 to index
        %parallel_loop3A_474 = arith.index_cast %parallel_loop3A_250 : i32 to index
        %parallel_loop3A_475 = arith.index_cast %parallel_loop3A_472 : i32 to index
        %parallel_loop3A_476 = tpu.vector_load %arg5[%parallel_loop3A_473, %parallel_loop3A_474, %parallel_loop3A_475] {strides = array<i32>} : memref<4x8x768xf32, #tpu.memory_space<vmem>>, vector<1x1x16xf32>,
        %parallel_loop3A_477 = vector.shape_cast %parallel_loop3A_476 : vector<1x1x16xf32> to vector<16xf32>
        %parallel_loop3A_478 = vector.shape_cast %parallel_loop3A_314 : vector<16xf32> to vector<1x1x16xf32>
        tpu.vector_store %arg5[%parallel_loop3A_473, %parallel_loop3A_474, %parallel_loop3A_475], %parallel_loop3A_478 {add = true, strides = array<i32>} : memref<4x8x768xf32, #tpu.memory_space<vmem>>, vector<1x1x16xf32>,
        %parallel_loop3A_479 = arith.constant 160 : i32
        %parallel_loop3A_480 = arith.addi %parallel_loop3A_254, %parallel_loop3A_479 : i32
        %parallel_loop3A_481 = arith.index_cast %parallel_loop3A_246 : i32 to index
        %parallel_loop3A_482 = arith.index_cast %parallel_loop3A_250 : i32 to index
        %parallel_loop3A_483 = arith.index_cast %parallel_loop3A_480 : i32 to index
        %parallel_loop3A_484 = tpu.vector_load %arg5[%parallel_loop3A_481, %parallel_loop3A_482, %parallel_loop3A_483] {strides = array<i32>} : memref<4x8x768xf32, #tpu.memory_space<vmem>>, vector<1x1x16xf32>,
        %parallel_loop3A_485 = vector.shape_cast %parallel_loop3A_484 : vector<1x1x16xf32> to vector<16xf32>
        %parallel_loop3A_486 = vector.shape_cast %parallel_loop3A_320 : vector<16xf32> to vector<1x1x16xf32>
        tpu.vector_store %arg5[%parallel_loop3A_481, %parallel_loop3A_482, %parallel_loop3A_483], %parallel_loop3A_486 {add = true, strides = array<i32>} : memref<4x8x768xf32, #tpu.memory_space<vmem>>, vector<1x1x16xf32>,
        %parallel_loop3A_487 = arith.constant 176 : i32
        %parallel_loop3A_488 = arith.addi %parallel_loop3A_254, %parallel_loop3A_487 : i32
        %parallel_loop3A_489 = arith.index_cast %parallel_loop3A_246 : i32 to index
        %parallel_loop3A_490 = arith.index_cast %parallel_loop3A_250 : i32 to index
        %parallel_loop3A_491 = arith.index_cast %parallel_loop3A_488 : i32 to index
        %parallel_loop3A_492 = tpu.vector_load %arg5[%parallel_loop3A_489, %parallel_loop3A_490, %parallel_loop3A_491] {strides = array<i32>} : memref<4x8x768xf32, #tpu.memory_space<vmem>>, vector<1x1x16xf32>,
        %parallel_loop3A_493 = vector.shape_cast %parallel_loop3A_492 : vector<1x1x16xf32> to vector<16xf32>
        %parallel_loop3A_494 = vector.shape_cast %parallel_loop3A_326 : vector<16xf32> to vector<1x1x16xf32>
        tpu.vector_store %arg5[%parallel_loop3A_489, %parallel_loop3A_490, %parallel_loop3A_491], %parallel_loop3A_494 {add = true, strides = array<i32>} : memref<4x8x768xf32, #tpu.memory_space<vmem>>, vector<1x1x16xf32>,
        %parallel_loop3A_495 = arith.constant 192 : i32
        %parallel_loop3A_496 = arith.addi %parallel_loop3A_254, %parallel_loop3A_495 : i32
        %parallel_loop3A_497 = arith.index_cast %parallel_loop3A_246 : i32 to index
        %parallel_loop3A_498 = arith.index_cast %parallel_loop3A_250 : i32 to index
        %parallel_loop3A_499 = arith.index_cast %parallel_loop3A_496 : i32 to index
        %parallel_loop3A_500 = tpu.vector_load %arg5[%parallel_loop3A_497, %parallel_loop3A_498, %parallel_loop3A_499] {strides = array<i32>} : memref<4x8x768xf32, #tpu.memory_space<vmem>>, vector<1x1x16xf32>,
        %parallel_loop3A_501 = vector.shape_cast %parallel_loop3A_500 : vector<1x1x16xf32> to vector<16xf32>
        %parallel_loop3A_502 = vector.shape_cast %parallel_loop3A_332 : vector<16xf32> to vector<1x1x16xf32>
        tpu.vector_store %arg5[%parallel_loop3A_497, %parallel_loop3A_498, %parallel_loop3A_499], %parallel_loop3A_502 {add = true, strides = array<i32>} : memref<4x8x768xf32, #tpu.memory_space<vmem>>, vector<1x1x16xf32>,
        %parallel_loop3A_503 = arith.constant 208 : i32
        %parallel_loop3A_504 = arith.addi %parallel_loop3A_254, %parallel_loop3A_503 : i32
        %parallel_loop3A_505 = arith.index_cast %parallel_loop3A_246 : i32 to index
        %parallel_loop3A_506 = arith.index_cast %parallel_loop3A_250 : i32 to index
        %parallel_loop3A_507 = arith.index_cast %parallel_loop3A_504 : i32 to index
        %parallel_loop3A_508 = tpu.vector_load %arg5[%parallel_loop3A_505, %parallel_loop3A_506, %parallel_loop3A_507] {strides = array<i32>} : memref<4x8x768xf32, #tpu.memory_space<vmem>>, vector<1x1x16xf32>,
        %parallel_loop3A_509 = vector.shape_cast %parallel_loop3A_508 : vector<1x1x16xf32> to vector<16xf32>
        %parallel_loop3A_510 = vector.shape_cast %parallel_loop3A_338 : vector<16xf32> to vector<1x1x16xf32>
        tpu.vector_store %arg5[%parallel_loop3A_505, %parallel_loop3A_506, %parallel_loop3A_507], %parallel_loop3A_510 {add = true, strides = array<i32>} : memref<4x8x768xf32, #tpu.memory_space<vmem>>, vector<1x1x16xf32>,
        %parallel_loop3A_511 = arith.constant 224 : i32
        %parallel_loop3A_512 = arith.addi %parallel_loop3A_254, %parallel_loop3A_511 : i32
        %parallel_loop3A_513 = arith.index_cast %parallel_loop3A_246 : i32 to index
        %parallel_loop3A_514 = arith.index_cast %parallel_loop3A_250 : i32 to index
        %parallel_loop3A_515 = arith.index_cast %parallel_loop3A_512 : i32 to index
        %parallel_loop3A_516 = tpu.vector_load %arg5[%parallel_loop3A_513, %parallel_loop3A_514, %parallel_loop3A_515] {strides = array<i32>} : memref<4x8x768xf32, #tpu.memory_space<vmem>>, vector<1x1x16xf32>,
        %parallel_loop3A_517 = vector.shape_cast %parallel_loop3A_516 : vector<1x1x16xf32> to vector<16xf32>
        %parallel_loop3A_518 = vector.shape_cast %parallel_loop3A_344 : vector<16xf32> to vector<1x1x16xf32>
        tpu.vector_store %arg5[%parallel_loop3A_513, %parallel_loop3A_514, %parallel_loop3A_515], %parallel_loop3A_518 {add = true, strides = array<i32>} : memref<4x8x768xf32, #tpu.memory_space<vmem>>, vector<1x1x16xf32>,
        %parallel_loop3A_519 = arith.constant 240 : i32
        %parallel_loop3A_520 = arith.addi %parallel_loop3A_254, %parallel_loop3A_519 : i32
        %parallel_loop3A_521 = arith.index_cast %parallel_loop3A_246 : i32 to index
        %parallel_loop3A_522 = arith.index_cast %parallel_loop3A_250 : i32 to index
        %parallel_loop3A_523 = arith.index_cast %parallel_loop3A_520 : i32 to index
        %parallel_loop3A_524 = tpu.vector_load %arg5[%parallel_loop3A_521, %parallel_loop3A_522, %parallel_loop3A_523] {strides = array<i32>} : memref<4x8x768xf32, #tpu.memory_space<vmem>>, vector<1x1x16xf32>,
        %parallel_loop3A_525 = vector.shape_cast %parallel_loop3A_524 : vector<1x1x16xf32> to vector<16xf32>
        %parallel_loop3A_526 = vector.shape_cast %parallel_loop3A_350 : vector<16xf32> to vector<1x1x16xf32>
        tpu.vector_store %arg5[%parallel_loop3A_521, %parallel_loop3A_522, %parallel_loop3A_523], %parallel_loop3A_526 {add = true, strides = array<i32>} : memref<4x8x768xf32, #tpu.memory_space<vmem>>, vector<1x1x16xf32>,
        %parallel_loop3A_527 = arith.constant 256 : i32
        %parallel_loop3A_528 = arith.addi %parallel_loop3A_254, %parallel_loop3A_527 : i32
        %parallel_loop3A_529 = arith.index_cast %parallel_loop3A_246 : i32 to index
        %parallel_loop3A_530 = arith.index_cast %parallel_loop3A_250 : i32 to index
        %parallel_loop3A_531 = arith.index_cast %parallel_loop3A_528 : i32 to index
        %parallel_loop3A_532 = tpu.vector_load %arg5[%parallel_loop3A_529, %parallel_loop3A_530, %parallel_loop3A_531] {strides = array<i32>} : memref<4x8x768xf32, #tpu.memory_space<vmem>>, vector<1x1x16xf32>,
        %parallel_loop3A_533 = vector.shape_cast %parallel_loop3A_532 : vector<1x1x16xf32> to vector<16xf32>
        %parallel_loop3A_534 = vector.shape_cast %parallel_loop3A_356 : vector<16xf32> to vector<1x1x16xf32>
        tpu.vector_store %arg5[%parallel_loop3A_529, %parallel_loop3A_530, %parallel_loop3A_531], %parallel_loop3A_534 {add = true, strides = array<i32>} : memref<4x8x768xf32, #tpu.memory_space<vmem>>, vector<1x1x16xf32>,
        %parallel_loop3A_535 = arith.constant 272 : i32
        %parallel_loop3A_536 = arith.addi %parallel_loop3A_254, %parallel_loop3A_535 : i32
        %parallel_loop3A_537 = arith.index_cast %parallel_loop3A_246 : i32 to index
        %parallel_loop3A_538 = arith.index_cast %parallel_loop3A_250 : i32 to index
        %parallel_loop3A_539 = arith.index_cast %parallel_loop3A_536 : i32 to index
        %parallel_loop3A_540 = tpu.vector_load %arg5[%parallel_loop3A_537, %parallel_loop3A_538, %parallel_loop3A_539] {strides = array<i32>} : memref<4x8x768xf32, #tpu.memory_space<vmem>>, vector<1x1x16xf32>,
        %parallel_loop3A_541 = vector.shape_cast %parallel_loop3A_540 : vector<1x1x16xf32> to vector<16xf32>
        %parallel_loop3A_542 = vector.shape_cast %parallel_loop3A_362 : vector<16xf32> to vector<1x1x16xf32>
        tpu.vector_store %arg5[%parallel_loop3A_537, %parallel_loop3A_538, %parallel_loop3A_539], %parallel_loop3A_542 {add = true, strides = array<i32>} : memref<4x8x768xf32, #tpu.memory_space<vmem>>, vector<1x1x16xf32>,
        %parallel_loop3A_543 = arith.constant 288 : i32
        %parallel_loop3A_544 = arith.addi %parallel_loop3A_254, %parallel_loop3A_543 : i32
        %parallel_loop3A_545 = arith.index_cast %parallel_loop3A_246 : i32 to index
        %parallel_loop3A_546 = arith.index_cast %parallel_loop3A_250 : i32 to index
        %parallel_loop3A_547 = arith.index_cast %parallel_loop3A_544 : i32 to index
        %parallel_loop3A_548 = tpu.vector_load %arg5[%parallel_loop3A_545, %parallel_loop3A_546, %parallel_loop3A_547] {strides = array<i32>} : memref<4x8x768xf32, #tpu.memory_space<vmem>>, vector<1x1x16xf32>,
        %parallel_loop3A_549 = vector.shape_cast %parallel_loop3A_548 : vector<1x1x16xf32> to vector<16xf32>
        %parallel_loop3A_550 = vector.shape_cast %parallel_loop3A_368 : vector<16xf32> to vector<1x1x16xf32>
        tpu.vector_store %arg5[%parallel_loop3A_545, %parallel_loop3A_546, %parallel_loop3A_547], %parallel_loop3A_550 {add = true, strides = array<i32>} : memref<4x8x768xf32, #tpu.memory_space<vmem>>, vector<1x1x16xf32>,
        %parallel_loop3A_551 = arith.constant 304 : i32
        %parallel_loop3A_552 = arith.addi %parallel_loop3A_254, %parallel_loop3A_551 : i32
        %parallel_loop3A_553 = arith.index_cast %parallel_loop3A_246 : i32 to index
        %parallel_loop3A_554 = arith.index_cast %parallel_loop3A_250 : i32 to index
        %parallel_loop3A_555 = arith.index_cast %parallel_loop3A_552 : i32 to index
        %parallel_loop3A_556 = tpu.vector_load %arg5[%parallel_loop3A_553, %parallel_loop3A_554, %parallel_loop3A_555] {strides = array<i32>} : memref<4x8x768xf32, #tpu.memory_space<vmem>>, vector<1x1x16xf32>,
        %parallel_loop3A_557 = vector.shape_cast %parallel_loop3A_556 : vector<1x1x16xf32> to vector<16xf32>
        %parallel_loop3A_558 = vector.shape_cast %parallel_loop3A_374 : vector<16xf32> to vector<1x1x16xf32>
        tpu.vector_store %arg5[%parallel_loop3A_553, %parallel_loop3A_554, %parallel_loop3A_555], %parallel_loop3A_558 {add = true, strides = array<i32>} : memref<4x8x768xf32, #tpu.memory_space<vmem>>, vector<1x1x16xf32>,
        %parallel_loop3A_559 = arith.constant 320 : i32
        %parallel_loop3A_560 = arith.addi %parallel_loop3A_254, %parallel_loop3A_559 : i32
        %parallel_loop3A_561 = arith.index_cast %parallel_loop3A_246 : i32 to index
        %parallel_loop3A_562 = arith.index_cast %parallel_loop3A_250 : i32 to index
        %parallel_loop3A_563 = arith.index_cast %parallel_loop3A_560 : i32 to index
        %parallel_loop3A_564 = tpu.vector_load %arg5[%parallel_loop3A_561, %parallel_loop3A_562, %parallel_loop3A_563] {strides = array<i32>} : memref<4x8x768xf32, #tpu.memory_space<vmem>>, vector<1x1x16xf32>,
        %parallel_loop3A_565 = vector.shape_cast %parallel_loop3A_564 : vector<1x1x16xf32> to vector<16xf32>
        %parallel_loop3A_566 = vector.shape_cast %parallel_loop3A_380 : vector<16xf32> to vector<1x1x16xf32>
        tpu.vector_store %arg5[%parallel_loop3A_561, %parallel_loop3A_562, %parallel_loop3A_563], %parallel_loop3A_566 {add = true, strides = array<i32>} : memref<4x8x768xf32, #tpu.memory_space<vmem>>, vector<1x1x16xf32>,
        %parallel_loop3A_567 = arith.constant 336 : i32
        %parallel_loop3A_568 = arith.addi %parallel_loop3A_254, %parallel_loop3A_567 : i32
        %parallel_loop3A_569 = arith.index_cast %parallel_loop3A_246 : i32 to index
        %parallel_loop3A_570 = arith.index_cast %parallel_loop3A_250 : i32 to index
        %parallel_loop3A_571 = arith.index_cast %parallel_loop3A_568 : i32 to index
        %parallel_loop3A_572 = tpu.vector_load %arg5[%parallel_loop3A_569, %parallel_loop3A_570, %parallel_loop3A_571] {strides = array<i32>} : memref<4x8x768xf32, #tpu.memory_space<vmem>>, vector<1x1x16xf32>,
        %parallel_loop3A_573 = vector.shape_cast %parallel_loop3A_572 : vector<1x1x16xf32> to vector<16xf32>
        %parallel_loop3A_574 = vector.shape_cast %parallel_loop3A_386 : vector<16xf32> to vector<1x1x16xf32>
        tpu.vector_store %arg5[%parallel_loop3A_569, %parallel_loop3A_570, %parallel_loop3A_571], %parallel_loop3A_574 {add = true, strides = array<i32>} : memref<4x8x768xf32, #tpu.memory_space<vmem>>, vector<1x1x16xf32>,
        %parallel_loop3A_575 = arith.constant 352 : i32
        %parallel_loop3A_576 = arith.addi %parallel_loop3A_254, %parallel_loop3A_575 : i32
        %parallel_loop3A_577 = arith.index_cast %parallel_loop3A_246 : i32 to index
        %parallel_loop3A_578 = arith.index_cast %parallel_loop3A_250 : i32 to index
        %parallel_loop3A_579 = arith.index_cast %parallel_loop3A_576 : i32 to index
        %parallel_loop3A_580 = tpu.vector_load %arg5[%parallel_loop3A_577, %parallel_loop3A_578, %parallel_loop3A_579] {strides = array<i32>} : memref<4x8x768xf32, #tpu.memory_space<vmem>>, vector<1x1x16xf32>,
        %parallel_loop3A_581 = vector.shape_cast %parallel_loop3A_580 : vector<1x1x16xf32> to vector<16xf32>
        %parallel_loop3A_582 = vector.shape_cast %parallel_loop3A_392 : vector<16xf32> to vector<1x1x16xf32>
        tpu.vector_store %arg5[%parallel_loop3A_577, %parallel_loop3A_578, %parallel_loop3A_579], %parallel_loop3A_582 {add = true, strides = array<i32>} : memref<4x8x768xf32, #tpu.memory_space<vmem>>, vector<1x1x16xf32>,
        %parallel_loop3A_583 = arith.constant 368 : i32
        %parallel_loop3A_584 = arith.addi %parallel_loop3A_254, %parallel_loop3A_583 : i32
        %parallel_loop3A_585 = arith.index_cast %parallel_loop3A_246 : i32 to index
        %parallel_loop3A_586 = arith.index_cast %parallel_loop3A_250 : i32 to index
        %parallel_loop3A_587 = arith.index_cast %parallel_loop3A_584 : i32 to index
        %parallel_loop3A_588 = tpu.vector_load %arg5[%parallel_loop3A_585, %parallel_loop3A_586, %parallel_loop3A_587] {strides = array<i32>} : memref<4x8x768xf32, #tpu.memory_space<vmem>>, vector<1x1x16xf32>,
        %parallel_loop3A_589 = vector.shape_cast %parallel_loop3A_588 : vector<1x1x16xf32> to vector<16xf32>
        %parallel_loop3A_590 = vector.shape_cast %parallel_loop3A_398 : vector<16xf32> to vector<1x1x16xf32>
        tpu.vector_store %arg5[%parallel_loop3A_585, %parallel_loop3A_586, %parallel_loop3A_587], %parallel_loop3A_590 {add = true, strides = array<i32>} : memref<4x8x768xf32, #tpu.memory_space<vmem>>, vector<1x1x16xf32>,
      } {sc.loop_unroll_factor = 2 : i64, sc.parallel_access}
      %mul3A_82 = arith.constant 8 : i32
      %mul3A_83 = arith.muli %add3A_48, %mul3A_82 : i32
      %add3A_84 = arith.addi %mul3A_2, %mul3A_83 : i32
      %dma_start3A_85 = arith.constant 0 : i32
      %dma_start3A_86 = arith.constant 0 : i32
      %dma_start3A_87 = tpu.memref_slice %arg4[%dma_start3A_85, %add3A_84, %dma_start3A_86] : memref<4x8192x768xf32, #tpu.memory_space<hbm>> -> memref<4x8x768xf32, #tpu.memory_space<hbm>>
      %dma_start3A_88 = arith.constant 0 : i32
      %dma_start3A_89 = arith.constant 0 : i32
      %dma_start3A_90 = tpu.memref_slice %arg4[%dma_start3A_88, %add3A_84, %dma_start3A_89] : memref<4x8192x768xf32, #tpu.memory_space<hbm>> -> memref<4x8x768xf32, #tpu.memory_space<hbm>>
      tpu.enqueue_dma source(%arg5 : memref<4x8x768xf32, #tpu.memory_space<vmem>>) target(%dma_start3A_90 : memref<4x8x768xf32, #tpu.memory_space<hbm>>) target_semaphore(%arg17 : memref<!tpu.dma_semaphore, #tpu.memory_space<semaphore_mem>>)
      %mul3A_91 = arith.constant 4 : i32
      %mul3A_92 = arith.muli %mul3A_91, %scan3A_44 : i32
      %add3A_93 = arith.constant 1 : i32
      %add3A_94 = arith.addi %mul3A_92, %add3A_93 : i32
      %add3A_95 = arith.constant 1 : i32
      %add3A_96 = arith.addi %add3A_94, %add3A_95 : i32
      %lt3A_97 = arith.constant 32 : i32
      %lt3A_98 = arith.cmpi slt, %add3A_96, %lt3A_97 : i32
      %convert_element_type3A_99 = arith.extui %lt3A_98 : i1 to i32
      %cond3A_100 = arith.constant 0 : i32
      %cond3A_101 = arith.cmpi ne, %convert_element_type3A_99, %cond3A_100 : i32
      scf.if %cond3A_101 {
        %add3A_244 = arith.constant 1 : i32
        %add3A_245 = arith.addi %add3A_94, %add3A_244 : i32
        %mul3A_246 = arith.constant 8 : i32
        %mul3A_247 = arith.muli %add3A_245, %mul3A_246 : i32
        %add3A_248 = arith.addi %mul3A_2, %mul3A_247 : i32
        %dma_start3A_249 = arith.constant 0 : i32
        %dma_start3A_250 = tpu.memref_slice %arg3[%add3A_248, %dma_start3A_249] : memref<8192x768xf32, #tpu.memory_space<hbm>> -> memref<8x768xf32, #tpu.memory_space<hbm>>
        %dma_start3A_251 = arith.constant 0 : i32
        %dma_start3A_252 = tpu.memref_slice %arg3[%add3A_248, %dma_start3A_251] : memref<8192x768xf32, #tpu.memory_space<hbm>> -> memref<8x768xf32, #tpu.memory_space<hbm>>
        tpu.enqueue_dma source(%dma_start3A_252 : memref<8x768xf32, #tpu.memory_space<hbm>>) target(%arg9 : memref<8x768xf32, #tpu.memory_space<vmem>>) target_semaphore(%arg15 : memref<!tpu.dma_semaphore, #tpu.memory_space<semaphore_mem>>)
      } else {
      }
      %mul3A_102 = arith.constant 8 : i32
      %mul3A_103 = arith.muli %add3A_94, %mul3A_102 : i32
      %add3A_104 = arith.addi %mul3A_2, %mul3A_103 : i32
      %dma_wait3A_105 = arith.constant 0 : i32
      %dma_wait3A_106 = tpu.memref_slice %arg3[%add3A_104, %dma_wait3A_105] : memref<8192x768xf32, #tpu.memory_space<hbm>> -> memref<8x768xf32, #tpu.memory_space<hbm>>
      %dma_wait3A_107 = arith.constant 0 : i32
      %dma_wait3A_108 = tpu.memref_slice %arg3[%add3A_104, %dma_wait3A_107] : memref<8192x768xf32, #tpu.memory_space<hbm>> -> memref<8x768xf32, #tpu.memory_space<hbm>>
      tpu.wait_dma2 semaphore(%arg16 : memref<!tpu.dma_semaphore, #tpu.memory_space<semaphore_mem>>) src(%dma_wait3A_108 : memref<8x768xf32, #tpu.memory_space<hbm>>) dst(%arg10 : memref<8x768xf32, #tpu.memory_space<vmem>>)
      %ge3A_109 = arith.constant 2 : i32
      %ge3A_110 = arith.cmpi sge, %add3A_94, %ge3A_109 : i32
      %convert_element_type3A_111 = arith.extui %ge3A_110 : i1 to i32
      %cond3A_112 = arith.constant 0 : i32
      %cond3A_113 = arith.cmpi ne, %convert_element_type3A_111, %cond3A_112 : i32
      scf.if %cond3A_113 {
        %sub3A = arith.constant 2 : i32
        %sub3A_244 = arith.subi %add3A_94, %sub3A : i32
        %mul3A_245 = arith.constant 8 : i32
        %mul3A_246 = arith.muli %sub3A_244, %mul3A_245 : i32
        %add3A_247 = arith.addi %mul3A_2, %mul3A_246 : i32
        %dma_wait3A_248 = arith.constant 0 : i32
        %dma_wait3A_249 = arith.constant 0 : i32
        %dma_wait3A_250 = tpu.memref_slice %arg4[%dma_wait3A_248, %add3A_247, %dma_wait3A_249] : memref<4x8192x768xf32, #tpu.memory_space<hbm>> -> memref<4x8x768xf32, #tpu.memory_space<hbm>>
        %dma_wait3A_251 = arith.constant 0 : i32
        %dma_wait3A_252 = arith.constant 0 : i32
        %dma_wait3A_253 = tpu.memref_slice %arg4[%dma_wait3A_251, %add3A_247, %dma_wait3A_252] : memref<4x8192x768xf32, #tpu.memory_space<hbm>> -> memref<4x8x768xf32, #tpu.memory_space<hbm>>
        tpu.wait_dma2 semaphore(%arg20 : memref<!tpu.dma_semaphore, #tpu.memory_space<semaphore_mem>>) src(%arg8 : memref<4x8x768xf32, #tpu.memory_space<vmem>>) dst(%dma_wait3A_253 : memref<4x8x768xf32, #tpu.memory_space<hbm>>)
      } else {
      }
      %add3A_114 = arith.constant 2 : i32
      %add3A_115 = arith.addi %add3A_94, %add3A_114 : i32
      %lt3A_116 = arith.constant 32 : i32
      %lt3A_117 = arith.cmpi slt, %add3A_115, %lt3A_116 : i32
      %convert_element_type3A_118 = arith.extui %lt3A_117 : i1 to i32
      %cond3A_119 = arith.constant 0 : i32
      %cond3A_120 = arith.cmpi ne, %convert_element_type3A_118, %cond3A_119 : i32
      scf.if %cond3A_120 {
        %add3A_244 = arith.constant 2 : i32
        %add3A_245 = arith.addi %add3A_94, %add3A_244 : i32
        %mul3A_246 = arith.constant 8 : i32
        %mul3A_247 = arith.muli %add3A_245, %mul3A_246 : i32
        %add3A_248 = arith.addi %mul3A_2, %mul3A_247 : i32
        %dma_start3A_249 = arith.constant 0 : i32
        %dma_start3A_250 = arith.constant 0 : i32
        %dma_start3A_251 = tpu.memref_slice %arg2[%dma_start3A_249, %add3A_248, %dma_start3A_250] : memref<4x8192x768xf32, #tpu.memory_space<hbm>> -> memref<4x8x768xf32, #tpu.memory_space<hbm>>
        %dma_start3A_252 = arith.constant 0 : i32
        %dma_start3A_253 = arith.constant 0 : i32
        %dma_start3A_254 = tpu.memref_slice %arg2[%dma_start3A_252, %add3A_248, %dma_start3A_253] : memref<4x8192x768xf32, #tpu.memory_space<hbm>> -> memref<4x8x768xf32, #tpu.memory_space<hbm>>
        tpu.enqueue_dma source(%dma_start3A_254 : memref<4x8x768xf32, #tpu.memory_space<hbm>>) target(%arg8 : memref<4x8x768xf32, #tpu.memory_space<vmem>>) target_semaphore(%arg14 : memref<!tpu.dma_semaphore, #tpu.memory_space<semaphore_mem>>)
      } else {
      }
      %mul3A_121 = arith.constant 8 : i32
      %mul3A_122 = arith.muli %add3A_94, %mul3A_121 : i32
      %add3A_123 = arith.addi %mul3A_2, %mul3A_122 : i32
      %dma_wait3A_124 = arith.constant 0 : i32
      %dma_wait3A_125 = arith.constant 0 : i32
      %dma_wait3A_126 = tpu.memref_slice %arg2[%dma_wait3A_124, %add3A_123, %dma_wait3A_125] : memref<4x8192x768xf32, #tpu.memory_space<hbm>> -> memref<4x8x768xf32, #tpu.memory_space<hbm>>
      %dma_wait3A_127 = arith.constant 0 : i32
      %dma_wait3A_128 = arith.constant 0 : i32
      %dma_wait3A_129 = tpu.memref_slice %arg2[%dma_wait3A_127, %add3A_123, %dma_wait3A_128] : memref<4x8192x768xf32, #tpu.memory_space<hbm>> -> memref<4x8x768xf32, #tpu.memory_space<hbm>>
      tpu.wait_dma2 semaphore(%arg12 : memref<!tpu.dma_semaphore, #tpu.memory_space<semaphore_mem>>) src(%dma_wait3A_129 : memref<4x8x768xf32, #tpu.memory_space<hbm>>) dst(%arg6 : memref<4x8x768xf32, #tpu.memory_space<vmem>>)
      %parallel_loop3A_130 = arith.constant 0 : i32
      %parallel_loop3A_131 = arith.constant 64 : i32
      %parallel_loop3A_132 = arith.constant 1 : i32
      scf.for %parallel_loop3A_244 = %parallel_loop3A_130 to %parallel_loop3A_131 step %parallel_loop3A_132  : i32 {
        %parallel_loop3A_245 = arith.constant 4 : i32
        %parallel_loop3A_246 = arith.shrsi %parallel_loop3A_244, %parallel_loop3A_245 : i32
        %parallel_loop3A_247 = arith.constant 15 : i32
        %parallel_loop3A_248 = arith.andi %parallel_loop3A_244, %parallel_loop3A_247 : i32
        %parallel_loop3A_249 = arith.constant 1 : i32
        %parallel_loop3A_250 = arith.shrsi %parallel_loop3A_248, %parallel_loop3A_249 : i32
        %parallel_loop3A_251 = arith.constant 1 : i32
        %parallel_loop3A_252 = arith.andi %parallel_loop3A_248, %parallel_loop3A_251 : i32
        %parallel_loop3A_253 = arith.constant 384 : i32
        %parallel_loop3A_254 = arith.muli %parallel_loop3A_252, %parallel_loop3A_253 : i32
        %parallel_loop3A_255 = arith.constant 0 : i32
        %parallel_loop3A_256 = arith.addi %parallel_loop3A_254, %parallel_loop3A_255 : i32
        %parallel_loop3A_257 = arith.index_cast %parallel_loop3A_250 : i32 to index
        %parallel_loop3A_258 = arith.index_cast %parallel_loop3A_256 : i32 to index
        %parallel_loop3A_259 = tpu.vector_load %arg10[%parallel_loop3A_257, %parallel_loop3A_258] {strides = array<i32>} : memref<8x768xf32, #tpu.memory_space<vmem>>, vector<1x16xf32>,
        %parallel_loop3A_260 = vector.shape_cast %parallel_loop3A_259 : vector<1x16xf32> to vector<16xf32>
        %parallel_loop3A_261 = arith.constant 16 : i32
        %parallel_loop3A_262 = arith.addi %parallel_loop3A_254, %parallel_loop3A_261 : i32
        %parallel_loop3A_263 = arith.index_cast %parallel_loop3A_250 : i32 to index
        %parallel_loop3A_264 = arith.index_cast %parallel_loop3A_262 : i32 to index
        %parallel_loop3A_265 = tpu.vector_load %arg10[%parallel_loop3A_263, %parallel_loop3A_264] {strides = array<i32>} : memref<8x768xf32, #tpu.memory_space<vmem>>, vector<1x16xf32>,
        %parallel_loop3A_266 = vector.shape_cast %parallel_loop3A_265 : vector<1x16xf32> to vector<16xf32>
        %parallel_loop3A_267 = arith.constant 32 : i32
        %parallel_loop3A_268 = arith.addi %parallel_loop3A_254, %parallel_loop3A_267 : i32
        %parallel_loop3A_269 = arith.index_cast %parallel_loop3A_250 : i32 to index
        %parallel_loop3A_270 = arith.index_cast %parallel_loop3A_268 : i32 to index
        %parallel_loop3A_271 = tpu.vector_load %arg10[%parallel_loop3A_269, %parallel_loop3A_270] {strides = array<i32>} : memref<8x768xf32, #tpu.memory_space<vmem>>, vector<1x16xf32>,
        %parallel_loop3A_272 = vector.shape_cast %parallel_loop3A_271 : vector<1x16xf32> to vector<16xf32>
        %parallel_loop3A_273 = arith.constant 48 : i32
        %parallel_loop3A_274 = arith.addi %parallel_loop3A_254, %parallel_loop3A_273 : i32
        %parallel_loop3A_275 = arith.index_cast %parallel_loop3A_250 : i32 to index
        %parallel_loop3A_276 = arith.index_cast %parallel_loop3A_274 : i32 to index
        %parallel_loop3A_277 = tpu.vector_load %arg10[%parallel_loop3A_275, %parallel_loop3A_276] {strides = array<i32>} : memref<8x768xf32, #tpu.memory_space<vmem>>, vector<1x16xf32>,
        %parallel_loop3A_278 = vector.shape_cast %parallel_loop3A_277 : vector<1x16xf32> to vector<16xf32>
        %parallel_loop3A_279 = arith.constant 64 : i32
        %parallel_loop3A_280 = arith.addi %parallel_loop3A_254, %parallel_loop3A_279 : i32
        %parallel_loop3A_281 = arith.index_cast %parallel_loop3A_250 : i32 to index
        %parallel_loop3A_282 = arith.index_cast %parallel_loop3A_280 : i32 to index
        %parallel_loop3A_283 = tpu.vector_load %arg10[%parallel_loop3A_281, %parallel_loop3A_282] {strides = array<i32>} : memref<8x768xf32, #tpu.memory_space<vmem>>, vector<1x16xf32>,
        %parallel_loop3A_284 = vector.shape_cast %parallel_loop3A_283 : vector<1x16xf32> to vector<16xf32>
        %parallel_loop3A_285 = arith.constant 80 : i32
        %parallel_loop3A_286 = arith.addi %parallel_loop3A_254, %parallel_loop3A_285 : i32
        %parallel_loop3A_287 = arith.index_cast %parallel_loop3A_250 : i32 to index
        %parallel_loop3A_288 = arith.index_cast %parallel_loop3A_286 : i32 to index
        %parallel_loop3A_289 = tpu.vector_load %arg10[%parallel_loop3A_287, %parallel_loop3A_288] {strides = array<i32>} : memref<8x768xf32, #tpu.memory_space<vmem>>, vector<1x16xf32>,
        %parallel_loop3A_290 = vector.shape_cast %parallel_loop3A_289 : vector<1x16xf32> to vector<16xf32>
        %parallel_loop3A_291 = arith.constant 96 : i32
        %parallel_loop3A_292 = arith.addi %parallel_loop3A_254, %parallel_loop3A_291 : i32
        %parallel_loop3A_293 = arith.index_cast %parallel_loop3A_250 : i32 to index
        %parallel_loop3A_294 = arith.index_cast %parallel_loop3A_292 : i32 to index
        %parallel_loop3A_295 = tpu.vector_load %arg10[%parallel_loop3A_293, %parallel_loop3A_294] {strides = array<i32>} : memref<8x768xf32, #tpu.memory_space<vmem>>, vector<1x16xf32>,
        %parallel_loop3A_296 = vector.shape_cast %parallel_loop3A_295 : vector<1x16xf32> to vector<16xf32>
        %parallel_loop3A_297 = arith.constant 112 : i32
        %parallel_loop3A_298 = arith.addi %parallel_loop3A_254, %parallel_loop3A_297 : i32
        %parallel_loop3A_299 = arith.index_cast %parallel_loop3A_250 : i32 to index
        %parallel_loop3A_300 = arith.index_cast %parallel_loop3A_298 : i32 to index
        %parallel_loop3A_301 = tpu.vector_load %arg10[%parallel_loop3A_299, %parallel_loop3A_300] {strides = array<i32>} : memref<8x768xf32, #tpu.memory_space<vmem>>, vector<1x16xf32>,
        %parallel_loop3A_302 = vector.shape_cast %parallel_loop3A_301 : vector<1x16xf32> to vector<16xf32>
        %parallel_loop3A_303 = arith.constant 128 : i32
        %parallel_loop3A_304 = arith.addi %parallel_loop3A_254, %parallel_loop3A_303 : i32
        %parallel_loop3A_305 = arith.index_cast %parallel_loop3A_250 : i32 to index
        %parallel_loop3A_306 = arith.index_cast %parallel_loop3A_304 : i32 to index
        %parallel_loop3A_307 = tpu.vector_load %arg10[%parallel_loop3A_305, %parallel_loop3A_306] {strides = array<i32>} : memref<8x768xf32, #tpu.memory_space<vmem>>, vector<1x16xf32>,
        %parallel_loop3A_308 = vector.shape_cast %parallel_loop3A_307 : vector<1x16xf32> to vector<16xf32>
        %parallel_loop3A_309 = arith.constant 144 : i32
        %parallel_loop3A_310 = arith.addi %parallel_loop3A_254, %parallel_loop3A_309 : i32
        %parallel_loop3A_311 = arith.index_cast %parallel_loop3A_250 : i32 to index
        %parallel_loop3A_312 = arith.index_cast %parallel_loop3A_310 : i32 to index
        %parallel_loop3A_313 = tpu.vector_load %arg10[%parallel_loop3A_311, %parallel_loop3A_312] {strides = array<i32>} : memref<8x768xf32, #tpu.memory_space<vmem>>, vector<1x16xf32>,
        %parallel_loop3A_314 = vector.shape_cast %parallel_loop3A_313 : vector<1x16xf32> to vector<16xf32>
        %parallel_loop3A_315 = arith.constant 160 : i32
        %parallel_loop3A_316 = arith.addi %parallel_loop3A_254, %parallel_loop3A_315 : i32
        %parallel_loop3A_317 = arith.index_cast %parallel_loop3A_250 : i32 to index
        %parallel_loop3A_318 = arith.index_cast %parallel_loop3A_316 : i32 to index
        %parallel_loop3A_319 = tpu.vector_load %arg10[%parallel_loop3A_317, %parallel_loop3A_318] {strides = array<i32>} : memref<8x768xf32, #tpu.memory_space<vmem>>, vector<1x16xf32>,
        %parallel_loop3A_320 = vector.shape_cast %parallel_loop3A_319 : vector<1x16xf32> to vector<16xf32>
        %parallel_loop3A_321 = arith.constant 176 : i32
        %parallel_loop3A_322 = arith.addi %parallel_loop3A_254, %parallel_loop3A_321 : i32
        %parallel_loop3A_323 = arith.index_cast %parallel_loop3A_250 : i32 to index
        %parallel_loop3A_324 = arith.index_cast %parallel_loop3A_322 : i32 to index
        %parallel_loop3A_325 = tpu.vector_load %arg10[%parallel_loop3A_323, %parallel_loop3A_324] {strides = array<i32>} : memref<8x768xf32, #tpu.memory_space<vmem>>, vector<1x16xf32>,
        %parallel_loop3A_326 = vector.shape_cast %parallel_loop3A_325 : vector<1x16xf32> to vector<16xf32>
        %parallel_loop3A_327 = arith.constant 192 : i32
        %parallel_loop3A_328 = arith.addi %parallel_loop3A_254, %parallel_loop3A_327 : i32
        %parallel_loop3A_329 = arith.index_cast %parallel_loop3A_250 : i32 to index
        %parallel_loop3A_330 = arith.index_cast %parallel_loop3A_328 : i32 to index
        %parallel_loop3A_331 = tpu.vector_load %arg10[%parallel_loop3A_329, %parallel_loop3A_330] {strides = array<i32>} : memref<8x768xf32, #tpu.memory_space<vmem>>, vector<1x16xf32>,
        %parallel_loop3A_332 = vector.shape_cast %parallel_loop3A_331 : vector<1x16xf32> to vector<16xf32>
        %parallel_loop3A_333 = arith.constant 208 : i32
        %parallel_loop3A_334 = arith.addi %parallel_loop3A_254, %parallel_loop3A_333 : i32
        %parallel_loop3A_335 = arith.index_cast %parallel_loop3A_250 : i32 to index
        %parallel_loop3A_336 = arith.index_cast %parallel_loop3A_334 : i32 to index
        %parallel_loop3A_337 = tpu.vector_load %arg10[%parallel_loop3A_335, %parallel_loop3A_336] {strides = array<i32>} : memref<8x768xf32, #tpu.memory_space<vmem>>, vector<1x16xf32>,
        %parallel_loop3A_338 = vector.shape_cast %parallel_loop3A_337 : vector<1x16xf32> to vector<16xf32>
        %parallel_loop3A_339 = arith.constant 224 : i32
        %parallel_loop3A_340 = arith.addi %parallel_loop3A_254, %parallel_loop3A_339 : i32
        %parallel_loop3A_341 = arith.index_cast %parallel_loop3A_250 : i32 to index
        %parallel_loop3A_342 = arith.index_cast %parallel_loop3A_340 : i32 to index
        %parallel_loop3A_343 = tpu.vector_load %arg10[%parallel_loop3A_341, %parallel_loop3A_342] {strides = array<i32>} : memref<8x768xf32, #tpu.memory_space<vmem>>, vector<1x16xf32>,
        %parallel_loop3A_344 = vector.shape_cast %parallel_loop3A_343 : vector<1x16xf32> to vector<16xf32>
        %parallel_loop3A_345 = arith.constant 240 : i32
        %parallel_loop3A_346 = arith.addi %parallel_loop3A_254, %parallel_loop3A_345 : i32
        %parallel_loop3A_347 = arith.index_cast %parallel_loop3A_250 : i32 to index
        %parallel_loop3A_348 = arith.index_cast %parallel_loop3A_346 : i32 to index
        %parallel_loop3A_349 = tpu.vector_load %arg10[%parallel_loop3A_347, %parallel_loop3A_348] {strides = array<i32>} : memref<8x768xf32, #tpu.memory_space<vmem>>, vector<1x16xf32>,
        %parallel_loop3A_350 = vector.shape_cast %parallel_loop3A_349 : vector<1x16xf32> to vector<16xf32>
        %parallel_loop3A_351 = arith.constant 256 : i32
        %parallel_loop3A_352 = arith.addi %parallel_loop3A_254, %parallel_loop3A_351 : i32
        %parallel_loop3A_353 = arith.index_cast %parallel_loop3A_250 : i32 to index
        %parallel_loop3A_354 = arith.index_cast %parallel_loop3A_352 : i32 to index
        %parallel_loop3A_355 = tpu.vector_load %arg10[%parallel_loop3A_353, %parallel_loop3A_354] {strides = array<i32>} : memref<8x768xf32, #tpu.memory_space<vmem>>, vector<1x16xf32>,
        %parallel_loop3A_356 = vector.shape_cast %parallel_loop3A_355 : vector<1x16xf32> to vector<16xf32>
        %parallel_loop3A_357 = arith.constant 272 : i32
        %parallel_loop3A_358 = arith.addi %parallel_loop3A_254, %parallel_loop3A_357 : i32
        %parallel_loop3A_359 = arith.index_cast %parallel_loop3A_250 : i32 to index
        %parallel_loop3A_360 = arith.index_cast %parallel_loop3A_358 : i32 to index
        %parallel_loop3A_361 = tpu.vector_load %arg10[%parallel_loop3A_359, %parallel_loop3A_360] {strides = array<i32>} : memref<8x768xf32, #tpu.memory_space<vmem>>, vector<1x16xf32>,
        %parallel_loop3A_362 = vector.shape_cast %parallel_loop3A_361 : vector<1x16xf32> to vector<16xf32>
        %parallel_loop3A_363 = arith.constant 288 : i32
        %parallel_loop3A_364 = arith.addi %parallel_loop3A_254, %parallel_loop3A_363 : i32
        %parallel_loop3A_365 = arith.index_cast %parallel_loop3A_250 : i32 to index
        %parallel_loop3A_366 = arith.index_cast %parallel_loop3A_364 : i32 to index
        %parallel_loop3A_367 = tpu.vector_load %arg10[%parallel_loop3A_365, %parallel_loop3A_366] {strides = array<i32>} : memref<8x768xf32, #tpu.memory_space<vmem>>, vector<1x16xf32>,
        %parallel_loop3A_368 = vector.shape_cast %parallel_loop3A_367 : vector<1x16xf32> to vector<16xf32>
        %parallel_loop3A_369 = arith.constant 304 : i32
        %parallel_loop3A_370 = arith.addi %parallel_loop3A_254, %parallel_loop3A_369 : i32
        %parallel_loop3A_371 = arith.index_cast %parallel_loop3A_250 : i32 to index
        %parallel_loop3A_372 = arith.index_cast %parallel_loop3A_370 : i32 to index
        %parallel_loop3A_373 = tpu.vector_load %arg10[%parallel_loop3A_371, %parallel_loop3A_372] {strides = array<i32>} : memref<8x768xf32, #tpu.memory_space<vmem>>, vector<1x16xf32>,
        %parallel_loop3A_374 = vector.shape_cast %parallel_loop3A_373 : vector<1x16xf32> to vector<16xf32>
        %parallel_loop3A_375 = arith.constant 320 : i32
        %parallel_loop3A_376 = arith.addi %parallel_loop3A_254, %parallel_loop3A_375 : i32
        %parallel_loop3A_377 = arith.index_cast %parallel_loop3A_250 : i32 to index
        %parallel_loop3A_378 = arith.index_cast %parallel_loop3A_376 : i32 to index
        %parallel_loop3A_379 = tpu.vector_load %arg10[%parallel_loop3A_377, %parallel_loop3A_378] {strides = array<i32>} : memref<8x768xf32, #tpu.memory_space<vmem>>, vector<1x16xf32>,
        %parallel_loop3A_380 = vector.shape_cast %parallel_loop3A_379 : vector<1x16xf32> to vector<16xf32>
        %parallel_loop3A_381 = arith.constant 336 : i32
        %parallel_loop3A_382 = arith.addi %parallel_loop3A_254, %parallel_loop3A_381 : i32
        %parallel_loop3A_383 = arith.index_cast %parallel_loop3A_250 : i32 to index
        %parallel_loop3A_384 = arith.index_cast %parallel_loop3A_382 : i32 to index
        %parallel_loop3A_385 = tpu.vector_load %arg10[%parallel_loop3A_383, %parallel_loop3A_384] {strides = array<i32>} : memref<8x768xf32, #tpu.memory_space<vmem>>, vector<1x16xf32>,
        %parallel_loop3A_386 = vector.shape_cast %parallel_loop3A_385 : vector<1x16xf32> to vector<16xf32>
        %parallel_loop3A_387 = arith.constant 352 : i32
        %parallel_loop3A_388 = arith.addi %parallel_loop3A_254, %parallel_loop3A_387 : i32
        %parallel_loop3A_389 = arith.index_cast %parallel_loop3A_250 : i32 to index
        %parallel_loop3A_390 = arith.index_cast %parallel_loop3A_388 : i32 to index
        %parallel_loop3A_391 = tpu.vector_load %arg10[%parallel_loop3A_389, %parallel_loop3A_390] {strides = array<i32>} : memref<8x768xf32, #tpu.memory_space<vmem>>, vector<1x16xf32>,
        %parallel_loop3A_392 = vector.shape_cast %parallel_loop3A_391 : vector<1x16xf32> to vector<16xf32>
        %parallel_loop3A_393 = arith.constant 368 : i32
        %parallel_loop3A_394 = arith.addi %parallel_loop3A_254, %parallel_loop3A_393 : i32
        %parallel_loop3A_395 = arith.index_cast %parallel_loop3A_250 : i32 to index
        %parallel_loop3A_396 = arith.index_cast %parallel_loop3A_394 : i32 to index
        %parallel_loop3A_397 = tpu.vector_load %arg10[%parallel_loop3A_395, %parallel_loop3A_396] {strides = array<i32>} : memref<8x768xf32, #tpu.memory_space<vmem>>, vector<1x16xf32>,
        %parallel_loop3A_398 = vector.shape_cast %parallel_loop3A_397 : vector<1x16xf32> to vector<16xf32>
        %parallel_loop3A_399 = arith.constant 0 : i32
        %parallel_loop3A_400 = arith.addi %parallel_loop3A_254, %parallel_loop3A_399 : i32
        %parallel_loop3A_401 = arith.index_cast %parallel_loop3A_246 : i32 to index
        %parallel_loop3A_402 = arith.index_cast %parallel_loop3A_250 : i32 to index
        %parallel_loop3A_403 = arith.index_cast %parallel_loop3A_400 : i32 to index
        %parallel_loop3A_404 = tpu.vector_load %arg6[%parallel_loop3A_401, %parallel_loop3A_402, %parallel_loop3A_403] {strides = array<i32>} : memref<4x8x768xf32, #tpu.memory_space<vmem>>, vector<1x1x16xf32>,
        %parallel_loop3A_405 = vector.shape_cast %parallel_loop3A_404 : vector<1x1x16xf32> to vector<16xf32>
        %parallel_loop3A_406 = vector.shape_cast %parallel_loop3A_260 : vector<16xf32> to vector<1x1x16xf32>
        tpu.vector_store %arg6[%parallel_loop3A_401, %parallel_loop3A_402, %parallel_loop3A_403], %parallel_loop3A_406 {add = true, strides = array<i32>} : memref<4x8x768xf32, #tpu.memory_space<vmem>>, vector<1x1x16xf32>,
        %parallel_loop3A_407 = arith.constant 16 : i32
        %parallel_loop3A_408 = arith.addi %parallel_loop3A_254, %parallel_loop3A_407 : i32
        %parallel_loop3A_409 = arith.index_cast %parallel_loop3A_246 : i32 to index
        %parallel_loop3A_410 = arith.index_cast %parallel_loop3A_250 : i32 to index
        %parallel_loop3A_411 = arith.index_cast %parallel_loop3A_408 : i32 to index
        %parallel_loop3A_412 = tpu.vector_load %arg6[%parallel_loop3A_409, %parallel_loop3A_410, %parallel_loop3A_411] {strides = array<i32>} : memref<4x8x768xf32, #tpu.memory_space<vmem>>, vector<1x1x16xf32>,
        %parallel_loop3A_413 = vector.shape_cast %parallel_loop3A_412 : vector<1x1x16xf32> to vector<16xf32>
        %parallel_loop3A_414 = vector.shape_cast %parallel_loop3A_266 : vector<16xf32> to vector<1x1x16xf32>
        tpu.vector_store %arg6[%parallel_loop3A_409, %parallel_loop3A_410, %parallel_loop3A_411], %parallel_loop3A_414 {add = true, strides = array<i32>} : memref<4x8x768xf32, #tpu.memory_space<vmem>>, vector<1x1x16xf32>,
        %parallel_loop3A_415 = arith.constant 32 : i32
        %parallel_loop3A_416 = arith.addi %parallel_loop3A_254, %parallel_loop3A_415 : i32
        %parallel_loop3A_417 = arith.index_cast %parallel_loop3A_246 : i32 to index
        %parallel_loop3A_418 = arith.index_cast %parallel_loop3A_250 : i32 to index
        %parallel_loop3A_419 = arith.index_cast %parallel_loop3A_416 : i32 to index
        %parallel_loop3A_420 = tpu.vector_load %arg6[%parallel_loop3A_417, %parallel_loop3A_418, %parallel_loop3A_419] {strides = array<i32>} : memref<4x8x768xf32, #tpu.memory_space<vmem>>, vector<1x1x16xf32>,
        %parallel_loop3A_421 = vector.shape_cast %parallel_loop3A_420 : vector<1x1x16xf32> to vector<16xf32>
        %parallel_loop3A_422 = vector.shape_cast %parallel_loop3A_272 : vector<16xf32> to vector<1x1x16xf32>
        tpu.vector_store %arg6[%parallel_loop3A_417, %parallel_loop3A_418, %parallel_loop3A_419], %parallel_loop3A_422 {add = true, strides = array<i32>} : memref<4x8x768xf32, #tpu.memory_space<vmem>>, vector<1x1x16xf32>,
        %parallel_loop3A_423 = arith.constant 48 : i32
        %parallel_loop3A_424 = arith.addi %parallel_loop3A_254, %parallel_loop3A_423 : i32
        %parallel_loop3A_425 = arith.index_cast %parallel_loop3A_246 : i32 to index
        %parallel_loop3A_426 = arith.index_cast %parallel_loop3A_250 : i32 to index
        %parallel_loop3A_427 = arith.index_cast %parallel_loop3A_424 : i32 to index
        %parallel_loop3A_428 = tpu.vector_load %arg6[%parallel_loop3A_425, %parallel_loop3A_426, %parallel_loop3A_427] {strides = array<i32>} : memref<4x8x768xf32, #tpu.memory_space<vmem>>, vector<1x1x16xf32>,
        %parallel_loop3A_429 = vector.shape_cast %parallel_loop3A_428 : vector<1x1x16xf32> to vector<16xf32>
        %parallel_loop3A_430 = vector.shape_cast %parallel_loop3A_278 : vector<16xf32> to vector<1x1x16xf32>
        tpu.vector_store %arg6[%parallel_loop3A_425, %parallel_loop3A_426, %parallel_loop3A_427], %parallel_loop3A_430 {add = true, strides = array<i32>} : memref<4x8x768xf32, #tpu.memory_space<vmem>>, vector<1x1x16xf32>,
        %parallel_loop3A_431 = arith.constant 64 : i32
        %parallel_loop3A_432 = arith.addi %parallel_loop3A_254, %parallel_loop3A_431 : i32
        %parallel_loop3A_433 = arith.index_cast %parallel_loop3A_246 : i32 to index
        %parallel_loop3A_434 = arith.index_cast %parallel_loop3A_250 : i32 to index
        %parallel_loop3A_435 = arith.index_cast %parallel_loop3A_432 : i32 to index
        %parallel_loop3A_436 = tpu.vector_load %arg6[%parallel_loop3A_433, %parallel_loop3A_434, %parallel_loop3A_435] {strides = array<i32>} : memref<4x8x768xf32, #tpu.memory_space<vmem>>, vector<1x1x16xf32>,
        %parallel_loop3A_437 = vector.shape_cast %parallel_loop3A_436 : vector<1x1x16xf32> to vector<16xf32>
        %parallel_loop3A_438 = vector.shape_cast %parallel_loop3A_284 : vector<16xf32> to vector<1x1x16xf32>
        tpu.vector_store %arg6[%parallel_loop3A_433, %parallel_loop3A_434, %parallel_loop3A_435], %parallel_loop3A_438 {add = true, strides = array<i32>} : memref<4x8x768xf32, #tpu.memory_space<vmem>>, vector<1x1x16xf32>,
        %parallel_loop3A_439 = arith.constant 80 : i32
        %parallel_loop3A_440 = arith.addi %parallel_loop3A_254, %parallel_loop3A_439 : i32
        %parallel_loop3A_441 = arith.index_cast %parallel_loop3A_246 : i32 to index
        %parallel_loop3A_442 = arith.index_cast %parallel_loop3A_250 : i32 to index
        %parallel_loop3A_443 = arith.index_cast %parallel_loop3A_440 : i32 to index
        %parallel_loop3A_444 = tpu.vector_load %arg6[%parallel_loop3A_441, %parallel_loop3A_442, %parallel_loop3A_443] {strides = array<i32>} : memref<4x8x768xf32, #tpu.memory_space<vmem>>, vector<1x1x16xf32>,
        %parallel_loop3A_445 = vector.shape_cast %parallel_loop3A_444 : vector<1x1x16xf32> to vector<16xf32>
        %parallel_loop3A_446 = vector.shape_cast %parallel_loop3A_290 : vector<16xf32> to vector<1x1x16xf32>
        tpu.vector_store %arg6[%parallel_loop3A_441, %parallel_loop3A_442, %parallel_loop3A_443], %parallel_loop3A_446 {add = true, strides = array<i32>} : memref<4x8x768xf32, #tpu.memory_space<vmem>>, vector<1x1x16xf32>,
        %parallel_loop3A_447 = arith.constant 96 : i32
        %parallel_loop3A_448 = arith.addi %parallel_loop3A_254, %parallel_loop3A_447 : i32
        %parallel_loop3A_449 = arith.index_cast %parallel_loop3A_246 : i32 to index
        %parallel_loop3A_450 = arith.index_cast %parallel_loop3A_250 : i32 to index
        %parallel_loop3A_451 = arith.index_cast %parallel_loop3A_448 : i32 to index
        %parallel_loop3A_452 = tpu.vector_load %arg6[%parallel_loop3A_449, %parallel_loop3A_450, %parallel_loop3A_451] {strides = array<i32>} : memref<4x8x768xf32, #tpu.memory_space<vmem>>, vector<1x1x16xf32>,
        %parallel_loop3A_453 = vector.shape_cast %parallel_loop3A_452 : vector<1x1x16xf32> to vector<16xf32>
        %parallel_loop3A_454 = vector.shape_cast %parallel_loop3A_296 : vector<16xf32> to vector<1x1x16xf32>
        tpu.vector_store %arg6[%parallel_loop3A_449, %parallel_loop3A_450, %parallel_loop3A_451], %parallel_loop3A_454 {add = true, strides = array<i32>} : memref<4x8x768xf32, #tpu.memory_space<vmem>>, vector<1x1x16xf32>,
        %parallel_loop3A_455 = arith.constant 112 : i32
        %parallel_loop3A_456 = arith.addi %parallel_loop3A_254, %parallel_loop3A_455 : i32
        %parallel_loop3A_457 = arith.index_cast %parallel_loop3A_246 : i32 to index
        %parallel_loop3A_458 = arith.index_cast %parallel_loop3A_250 : i32 to index
        %parallel_loop3A_459 = arith.index_cast %parallel_loop3A_456 : i32 to index
        %parallel_loop3A_460 = tpu.vector_load %arg6[%parallel_loop3A_457, %parallel_loop3A_458, %parallel_loop3A_459] {strides = array<i32>} : memref<4x8x768xf32, #tpu.memory_space<vmem>>, vector<1x1x16xf32>,
        %parallel_loop3A_461 = vector.shape_cast %parallel_loop3A_460 : vector<1x1x16xf32> to vector<16xf32>
        %parallel_loop3A_462 = vector.shape_cast %parallel_loop3A_302 : vector<16xf32> to vector<1x1x16xf32>
        tpu.vector_store %arg6[%parallel_loop3A_457, %parallel_loop3A_458, %parallel_loop3A_459], %parallel_loop3A_462 {add = true, strides = array<i32>} : memref<4x8x768xf32, #tpu.memory_space<vmem>>, vector<1x1x16xf32>,
        %parallel_loop3A_463 = arith.constant 128 : i32
        %parallel_loop3A_464 = arith.addi %parallel_loop3A_254, %parallel_loop3A_463 : i32
        %parallel_loop3A_465 = arith.index_cast %parallel_loop3A_246 : i32 to index
        %parallel_loop3A_466 = arith.index_cast %parallel_loop3A_250 : i32 to index
        %parallel_loop3A_467 = arith.index_cast %parallel_loop3A_464 : i32 to index
        %parallel_loop3A_468 = tpu.vector_load %arg6[%parallel_loop3A_465, %parallel_loop3A_466, %parallel_loop3A_467] {strides = array<i32>} : memref<4x8x768xf32, #tpu.memory_space<vmem>>, vector<1x1x16xf32>,
        %parallel_loop3A_469 = vector.shape_cast %parallel_loop3A_468 : vector<1x1x16xf32> to vector<16xf32>
        %parallel_loop3A_470 = vector.shape_cast %parallel_loop3A_308 : vector<16xf32> to vector<1x1x16xf32>
        tpu.vector_store %arg6[%parallel_loop3A_465, %parallel_loop3A_466, %parallel_loop3A_467], %parallel_loop3A_470 {add = true, strides = array<i32>} : memref<4x8x768xf32, #tpu.memory_space<vmem>>, vector<1x1x16xf32>,
        %parallel_loop3A_471 = arith.constant 144 : i32
        %parallel_loop3A_472 = arith.addi %parallel_loop3A_254, %parallel_loop3A_471 : i32
        %parallel_loop3A_473 = arith.index_cast %parallel_loop3A_246 : i32 to index
        %parallel_loop3A_474 = arith.index_cast %parallel_loop3A_250 : i32 to index
        %parallel_loop3A_475 = arith.index_cast %parallel_loop3A_472 : i32 to index
        %parallel_loop3A_476 = tpu.vector_load %arg6[%parallel_loop3A_473, %parallel_loop3A_474, %parallel_loop3A_475] {strides = array<i32>} : memref<4x8x768xf32, #tpu.memory_space<vmem>>, vector<1x1x16xf32>,
        %parallel_loop3A_477 = vector.shape_cast %parallel_loop3A_476 : vector<1x1x16xf32> to vector<16xf32>
        %parallel_loop3A_478 = vector.shape_cast %parallel_loop3A_314 : vector<16xf32> to vector<1x1x16xf32>
        tpu.vector_store %arg6[%parallel_loop3A_473, %parallel_loop3A_474, %parallel_loop3A_475], %parallel_loop3A_478 {add = true, strides = array<i32>} : memref<4x8x768xf32, #tpu.memory_space<vmem>>, vector<1x1x16xf32>,
        %parallel_loop3A_479 = arith.constant 160 : i32
        %parallel_loop3A_480 = arith.addi %parallel_loop3A_254, %parallel_loop3A_479 : i32
        %parallel_loop3A_481 = arith.index_cast %parallel_loop3A_246 : i32 to index
        %parallel_loop3A_482 = arith.index_cast %parallel_loop3A_250 : i32 to index
        %parallel_loop3A_483 = arith.index_cast %parallel_loop3A_480 : i32 to index
        %parallel_loop3A_484 = tpu.vector_load %arg6[%parallel_loop3A_481, %parallel_loop3A_482, %parallel_loop3A_483] {strides = array<i32>} : memref<4x8x768xf32, #tpu.memory_space<vmem>>, vector<1x1x16xf32>,
        %parallel_loop3A_485 = vector.shape_cast %parallel_loop3A_484 : vector<1x1x16xf32> to vector<16xf32>
        %parallel_loop3A_486 = vector.shape_cast %parallel_loop3A_320 : vector<16xf32> to vector<1x1x16xf32>
        tpu.vector_store %arg6[%parallel_loop3A_481, %parallel_loop3A_482, %parallel_loop3A_483], %parallel_loop3A_486 {add = true, strides = array<i32>} : memref<4x8x768xf32, #tpu.memory_space<vmem>>, vector<1x1x16xf32>,
        %parallel_loop3A_487 = arith.constant 176 : i32
        %parallel_loop3A_488 = arith.addi %parallel_loop3A_254, %parallel_loop3A_487 : i32
        %parallel_loop3A_489 = arith.index_cast %parallel_loop3A_246 : i32 to index
        %parallel_loop3A_490 = arith.index_cast %parallel_loop3A_250 : i32 to index
        %parallel_loop3A_491 = arith.index_cast %parallel_loop3A_488 : i32 to index
        %parallel_loop3A_492 = tpu.vector_load %arg6[%parallel_loop3A_489, %parallel_loop3A_490, %parallel_loop3A_491] {strides = array<i32>} : memref<4x8x768xf32, #tpu.memory_space<vmem>>, vector<1x1x16xf32>,
        %parallel_loop3A_493 = vector.shape_cast %parallel_loop3A_492 : vector<1x1x16xf32> to vector<16xf32>
        %parallel_loop3A_494 = vector.shape_cast %parallel_loop3A_326 : vector<16xf32> to vector<1x1x16xf32>
        tpu.vector_store %arg6[%parallel_loop3A_489, %parallel_loop3A_490, %parallel_loop3A_491], %parallel_loop3A_494 {add = true, strides = array<i32>} : memref<4x8x768xf32, #tpu.memory_space<vmem>>, vector<1x1x16xf32>,
        %parallel_loop3A_495 = arith.constant 192 : i32
        %parallel_loop3A_496 = arith.addi %parallel_loop3A_254, %parallel_loop3A_495 : i32
        %parallel_loop3A_497 = arith.index_cast %parallel_loop3A_246 : i32 to index
        %parallel_loop3A_498 = arith.index_cast %parallel_loop3A_250 : i32 to index
        %parallel_loop3A_499 = arith.index_cast %parallel_loop3A_496 : i32 to index
        %parallel_loop3A_500 = tpu.vector_load %arg6[%parallel_loop3A_497, %parallel_loop3A_498, %parallel_loop3A_499] {strides = array<i32>} : memref<4x8x768xf32, #tpu.memory_space<vmem>>, vector<1x1x16xf32>,
        %parallel_loop3A_501 = vector.shape_cast %parallel_loop3A_500 : vector<1x1x16xf32> to vector<16xf32>
        %parallel_loop3A_502 = vector.shape_cast %parallel_loop3A_332 : vector<16xf32> to vector<1x1x16xf32>
        tpu.vector_store %arg6[%parallel_loop3A_497, %parallel_loop3A_498, %parallel_loop3A_499], %parallel_loop3A_502 {add = true, strides = array<i32>} : memref<4x8x768xf32, #tpu.memory_space<vmem>>, vector<1x1x16xf32>,
        %parallel_loop3A_503 = arith.constant 208 : i32
        %parallel_loop3A_504 = arith.addi %parallel_loop3A_254, %parallel_loop3A_503 : i32
        %parallel_loop3A_505 = arith.index_cast %parallel_loop3A_246 : i32 to index
        %parallel_loop3A_506 = arith.index_cast %parallel_loop3A_250 : i32 to index
        %parallel_loop3A_507 = arith.index_cast %parallel_loop3A_504 : i32 to index
        %parallel_loop3A_508 = tpu.vector_load %arg6[%parallel_loop3A_505, %parallel_loop3A_506, %parallel_loop3A_507] {strides = array<i32>} : memref<4x8x768xf32, #tpu.memory_space<vmem>>, vector<1x1x16xf32>,
        %parallel_loop3A_509 = vector.shape_cast %parallel_loop3A_508 : vector<1x1x16xf32> to vector<16xf32>
        %parallel_loop3A_510 = vector.shape_cast %parallel_loop3A_338 : vector<16xf32> to vector<1x1x16xf32>
        tpu.vector_store %arg6[%parallel_loop3A_505, %parallel_loop3A_506, %parallel_loop3A_507], %parallel_loop3A_510 {add = true, strides = array<i32>} : memref<4x8x768xf32, #tpu.memory_space<vmem>>, vector<1x1x16xf32>,
        %parallel_loop3A_511 = arith.constant 224 : i32
        %parallel_loop3A_512 = arith.addi %parallel_loop3A_254, %parallel_loop3A_511 : i32
        %parallel_loop3A_513 = arith.index_cast %parallel_loop3A_246 : i32 to index
        %parallel_loop3A_514 = arith.index_cast %parallel_loop3A_250 : i32 to index
        %parallel_loop3A_515 = arith.index_cast %parallel_loop3A_512 : i32 to index
        %parallel_loop3A_516 = tpu.vector_load %arg6[%parallel_loop3A_513, %parallel_loop3A_514, %parallel_loop3A_515] {strides = array<i32>} : memref<4x8x768xf32, #tpu.memory_space<vmem>>, vector<1x1x16xf32>,
        %parallel_loop3A_517 = vector.shape_cast %parallel_loop3A_516 : vector<1x1x16xf32> to vector<16xf32>
        %parallel_loop3A_518 = vector.shape_cast %parallel_loop3A_344 : vector<16xf32> to vector<1x1x16xf32>
        tpu.vector_store %arg6[%parallel_loop3A_513, %parallel_loop3A_514, %parallel_loop3A_515], %parallel_loop3A_518 {add = true, strides = array<i32>} : memref<4x8x768xf32, #tpu.memory_space<vmem>>, vector<1x1x16xf32>,
        %parallel_loop3A_519 = arith.constant 240 : i32
        %parallel_loop3A_520 = arith.addi %parallel_loop3A_254, %parallel_loop3A_519 : i32
        %parallel_loop3A_521 = arith.index_cast %parallel_loop3A_246 : i32 to index
        %parallel_loop3A_522 = arith.index_cast %parallel_loop3A_250 : i32 to index
        %parallel_loop3A_523 = arith.index_cast %parallel_loop3A_520 : i32 to index
        %parallel_loop3A_524 = tpu.vector_load %arg6[%parallel_loop3A_521, %parallel_loop3A_522, %parallel_loop3A_523] {strides = array<i32>} : memref<4x8x768xf32, #tpu.memory_space<vmem>>, vector<1x1x16xf32>,
        %parallel_loop3A_525 = vector.shape_cast %parallel_loop3A_524 : vector<1x1x16xf32> to vector<16xf32>
        %parallel_loop3A_526 = vector.shape_cast %parallel_loop3A_350 : vector<16xf32> to vector<1x1x16xf32>
        tpu.vector_store %arg6[%parallel_loop3A_521, %parallel_loop3A_522, %parallel_loop3A_523], %parallel_loop3A_526 {add = true, strides = array<i32>} : memref<4x8x768xf32, #tpu.memory_space<vmem>>, vector<1x1x16xf32>,
        %parallel_loop3A_527 = arith.constant 256 : i32
        %parallel_loop3A_528 = arith.addi %parallel_loop3A_254, %parallel_loop3A_527 : i32
        %parallel_loop3A_529 = arith.index_cast %parallel_loop3A_246 : i32 to index
        %parallel_loop3A_530 = arith.index_cast %parallel_loop3A_250 : i32 to index
        %parallel_loop3A_531 = arith.index_cast %parallel_loop3A_528 : i32 to index
        %parallel_loop3A_532 = tpu.vector_load %arg6[%parallel_loop3A_529, %parallel_loop3A_530, %parallel_loop3A_531] {strides = array<i32>} : memref<4x8x768xf32, #tpu.memory_space<vmem>>, vector<1x1x16xf32>,
        %parallel_loop3A_533 = vector.shape_cast %parallel_loop3A_532 : vector<1x1x16xf32> to vector<16xf32>
        %parallel_loop3A_534 = vector.shape_cast %parallel_loop3A_356 : vector<16xf32> to vector<1x1x16xf32>
        tpu.vector_store %arg6[%parallel_loop3A_529, %parallel_loop3A_530, %parallel_loop3A_531], %parallel_loop3A_534 {add = true, strides = array<i32>} : memref<4x8x768xf32, #tpu.memory_space<vmem>>, vector<1x1x16xf32>,
        %parallel_loop3A_535 = arith.constant 272 : i32
        %parallel_loop3A_536 = arith.addi %parallel_loop3A_254, %parallel_loop3A_535 : i32
        %parallel_loop3A_537 = arith.index_cast %parallel_loop3A_246 : i32 to index
        %parallel_loop3A_538 = arith.index_cast %parallel_loop3A_250 : i32 to index
        %parallel_loop3A_539 = arith.index_cast %parallel_loop3A_536 : i32 to index
        %parallel_loop3A_540 = tpu.vector_load %arg6[%parallel_loop3A_537, %parallel_loop3A_538, %parallel_loop3A_539] {strides = array<i32>} : memref<4x8x768xf32, #tpu.memory_space<vmem>>, vector<1x1x16xf32>,
        %parallel_loop3A_541 = vector.shape_cast %parallel_loop3A_540 : vector<1x1x16xf32> to vector<16xf32>
        %parallel_loop3A_542 = vector.shape_cast %parallel_loop3A_362 : vector<16xf32> to vector<1x1x16xf32>
        tpu.vector_store %arg6[%parallel_loop3A_537, %parallel_loop3A_538, %parallel_loop3A_539], %parallel_loop3A_542 {add = true, strides = array<i32>} : memref<4x8x768xf32, #tpu.memory_space<vmem>>, vector<1x1x16xf32>,
        %parallel_loop3A_543 = arith.constant 288 : i32
        %parallel_loop3A_544 = arith.addi %parallel_loop3A_254, %parallel_loop3A_543 : i32
        %parallel_loop3A_545 = arith.index_cast %parallel_loop3A_246 : i32 to index
        %parallel_loop3A_546 = arith.index_cast %parallel_loop3A_250 : i32 to index
        %parallel_loop3A_547 = arith.index_cast %parallel_loop3A_544 : i32 to index
        %parallel_loop3A_548 = tpu.vector_load %arg6[%parallel_loop3A_545, %parallel_loop3A_546, %parallel_loop3A_547] {strides = array<i32>} : memref<4x8x768xf32, #tpu.memory_space<vmem>>, vector<1x1x16xf32>,
        %parallel_loop3A_549 = vector.shape_cast %parallel_loop3A_548 : vector<1x1x16xf32> to vector<16xf32>
        %parallel_loop3A_550 = vector.shape_cast %parallel_loop3A_368 : vector<16xf32> to vector<1x1x16xf32>
        tpu.vector_store %arg6[%parallel_loop3A_545, %parallel_loop3A_546, %parallel_loop3A_547], %parallel_loop3A_550 {add = true, strides = array<i32>} : memref<4x8x768xf32, #tpu.memory_space<vmem>>, vector<1x1x16xf32>,
        %parallel_loop3A_551 = arith.constant 304 : i32
        %parallel_loop3A_552 = arith.addi %parallel_loop3A_254, %parallel_loop3A_551 : i32
        %parallel_loop3A_553 = arith.index_cast %parallel_loop3A_246 : i32 to index
        %parallel_loop3A_554 = arith.index_cast %parallel_loop3A_250 : i32 to index
        %parallel_loop3A_555 = arith.index_cast %parallel_loop3A_552 : i32 to index
        %parallel_loop3A_556 = tpu.vector_load %arg6[%parallel_loop3A_553, %parallel_loop3A_554, %parallel_loop3A_555] {strides = array<i32>} : memref<4x8x768xf32, #tpu.memory_space<vmem>>, vector<1x1x16xf32>,
        %parallel_loop3A_557 = vector.shape_cast %parallel_loop3A_556 : vector<1x1x16xf32> to vector<16xf32>
        %parallel_loop3A_558 = vector.shape_cast %parallel_loop3A_374 : vector<16xf32> to vector<1x1x16xf32>
        tpu.vector_store %arg6[%parallel_loop3A_553, %parallel_loop3A_554, %parallel_loop3A_555], %parallel_loop3A_558 {add = true, strides = array<i32>} : memref<4x8x768xf32, #tpu.memory_space<vmem>>, vector<1x1x16xf32>,
        %parallel_loop3A_559 = arith.constant 320 : i32
        %parallel_loop3A_560 = arith.addi %parallel_loop3A_254, %parallel_loop3A_559 : i32
        %parallel_loop3A_561 = arith.index_cast %parallel_loop3A_246 : i32 to index
        %parallel_loop3A_562 = arith.index_cast %parallel_loop3A_250 : i32 to index
        %parallel_loop3A_563 = arith.index_cast %parallel_loop3A_560 : i32 to index
        %parallel_loop3A_564 = tpu.vector_load %arg6[%parallel_loop3A_561, %parallel_loop3A_562, %parallel_loop3A_563] {strides = array<i32>} : memref<4x8x768xf32, #tpu.memory_space<vmem>>, vector<1x1x16xf32>,
        %parallel_loop3A_565 = vector.shape_cast %parallel_loop3A_564 : vector<1x1x16xf32> to vector<16xf32>
        %parallel_loop3A_566 = vector.shape_cast %parallel_loop3A_380 : vector<16xf32> to vector<1x1x16xf32>
        tpu.vector_store %arg6[%parallel_loop3A_561, %parallel_loop3A_562, %parallel_loop3A_563], %parallel_loop3A_566 {add = true, strides = array<i32>} : memref<4x8x768xf32, #tpu.memory_space<vmem>>, vector<1x1x16xf32>,
        %parallel_loop3A_567 = arith.constant 336 : i32
        %parallel_loop3A_568 = arith.addi %parallel_loop3A_254, %parallel_loop3A_567 : i32
        %parallel_loop3A_569 = arith.index_cast %parallel_loop3A_246 : i32 to index
        %parallel_loop3A_570 = arith.index_cast %parallel_loop3A_250 : i32 to index
        %parallel_loop3A_571 = arith.index_cast %parallel_loop3A_568 : i32 to index
        %parallel_loop3A_572 = tpu.vector_load %arg6[%parallel_loop3A_569, %parallel_loop3A_570, %parallel_loop3A_571] {strides = array<i32>} : memref<4x8x768xf32, #tpu.memory_space<vmem>>, vector<1x1x16xf32>,
        %parallel_loop3A_573 = vector.shape_cast %parallel_loop3A_572 : vector<1x1x16xf32> to vector<16xf32>
        %parallel_loop3A_574 = vector.shape_cast %parallel_loop3A_386 : vector<16xf32> to vector<1x1x16xf32>
        tpu.vector_store %arg6[%parallel_loop3A_569, %parallel_loop3A_570, %parallel_loop3A_571], %parallel_loop3A_574 {add = true, strides = array<i32>} : memref<4x8x768xf32, #tpu.memory_space<vmem>>, vector<1x1x16xf32>,
        %parallel_loop3A_575 = arith.constant 352 : i32
        %parallel_loop3A_576 = arith.addi %parallel_loop3A_254, %parallel_loop3A_575 : i32
        %parallel_loop3A_577 = arith.index_cast %parallel_loop3A_246 : i32 to index
        %parallel_loop3A_578 = arith.index_cast %parallel_loop3A_250 : i32 to index
        %parallel_loop3A_579 = arith.index_cast %parallel_loop3A_576 : i32 to index
        %parallel_loop3A_580 = tpu.vector_load %arg6[%parallel_loop3A_577, %parallel_loop3A_578, %parallel_loop3A_579] {strides = array<i32>} : memref<4x8x768xf32, #tpu.memory_space<vmem>>, vector<1x1x16xf32>,
        %parallel_loop3A_581 = vector.shape_cast %parallel_loop3A_580 : vector<1x1x16xf32> to vector<16xf32>
        %parallel_loop3A_582 = vector.shape_cast %parallel_loop3A_392 : vector<16xf32> to vector<1x1x16xf32>
        tpu.vector_store %arg6[%parallel_loop3A_577, %parallel_loop3A_578, %parallel_loop3A_579], %parallel_loop3A_582 {add = true, strides = array<i32>} : memref<4x8x768xf32, #tpu.memory_space<vmem>>, vector<1x1x16xf32>,
        %parallel_loop3A_583 = arith.constant 368 : i32
        %parallel_loop3A_584 = arith.addi %parallel_loop3A_254, %parallel_loop3A_583 : i32
        %parallel_loop3A_585 = arith.index_cast %parallel_loop3A_246 : i32 to index
        %parallel_loop3A_586 = arith.index_cast %parallel_loop3A_250 : i32 to index
        %parallel_loop3A_587 = arith.index_cast %parallel_loop3A_584 : i32 to index
        %parallel_loop3A_588 = tpu.vector_load %arg6[%parallel_loop3A_585, %parallel_loop3A_586, %parallel_loop3A_587] {strides = array<i32>} : memref<4x8x768xf32, #tpu.memory_space<vmem>>, vector<1x1x16xf32>,
        %parallel_loop3A_589 = vector.shape_cast %parallel_loop3A_588 : vector<1x1x16xf32> to vector<16xf32>
        %parallel_loop3A_590 = vector.shape_cast %parallel_loop3A_398 : vector<16xf32> to vector<1x1x16xf32>
        tpu.vector_store %arg6[%parallel_loop3A_585, %parallel_loop3A_586, %parallel_loop3A_587], %parallel_loop3A_590 {add = true, strides = array<i32>} : memref<4x8x768xf32, #tpu.memory_space<vmem>>, vector<1x1x16xf32>,
      } {sc.loop_unroll_factor = 2 : i64, sc.parallel_access}
      %mul3A_133 = arith.constant 8 : i32
      %mul3A_134 = arith.muli %add3A_94, %mul3A_133 : i32
      %add3A_135 = arith.addi %mul3A_2, %mul3A_134 : i32
      %dma_start3A_136 = arith.constant 0 : i32
      %dma_start3A_137 = arith.constant 0 : i32
      %dma_start3A_138 = tpu.memref_slice %arg4[%dma_start3A_136, %add3A_135, %dma_start3A_137] : memref<4x8192x768xf32, #tpu.memory_space<hbm>> -> memref<4x8x768xf32, #tpu.memory_space<hbm>>
      %dma_start3A_139 = arith.constant 0 : i32
      %dma_start3A_140 = arith.constant 0 : i32
      %dma_start3A_141 = tpu.memref_slice %arg4[%dma_start3A_139, %add3A_135, %dma_start3A_140] : memref<4x8192x768xf32, #tpu.memory_space<hbm>> -> memref<4x8x768xf32, #tpu.memory_space<hbm>>
      tpu.enqueue_dma source(%arg6 : memref<4x8x768xf32, #tpu.memory_space<vmem>>) target(%dma_start3A_141 : memref<4x8x768xf32, #tpu.memory_space<hbm>>) target_semaphore(%arg18 : memref<!tpu.dma_semaphore, #tpu.memory_space<semaphore_mem>>)
      %mul3A_142 = arith.constant 4 : i32
      %mul3A_143 = arith.muli %mul3A_142, %scan3A_44 : i32
      %add3A_144 = arith.constant 2 : i32
      %add3A_145 = arith.addi %mul3A_143, %add3A_144 : i32
      %add3A_146 = arith.constant 1 : i32
      %add3A_147 = arith.addi %add3A_145, %add3A_146 : i32
      %lt3A_148 = arith.constant 32 : i32
      %lt3A_149 = arith.cmpi slt, %add3A_147, %lt3A_148 : i32
      %convert_element_type3A_150 = arith.extui %lt3A_149 : i1 to i32
      %cond3A_151 = arith.constant 0 : i32
      %cond3A_152 = arith.cmpi ne, %convert_element_type3A_150, %cond3A_151 : i32
      scf.if %cond3A_152 {
        %add3A_244 = arith.constant 1 : i32
        %add3A_245 = arith.addi %add3A_145, %add3A_244 : i32
        %mul3A_246 = arith.constant 8 : i32
        %mul3A_247 = arith.muli %add3A_245, %mul3A_246 : i32
        %add3A_248 = arith.addi %mul3A_2, %mul3A_247 : i32
        %dma_start3A_249 = arith.constant 0 : i32
        %dma_start3A_250 = tpu.memref_slice %arg3[%add3A_248, %dma_start3A_249] : memref<8192x768xf32, #tpu.memory_space<hbm>> -> memref<8x768xf32, #tpu.memory_space<hbm>>
        %dma_start3A_251 = arith.constant 0 : i32
        %dma_start3A_252 = tpu.memref_slice %arg3[%add3A_248, %dma_start3A_251] : memref<8192x768xf32, #tpu.memory_space<hbm>> -> memref<8x768xf32, #tpu.memory_space<hbm>>
        tpu.enqueue_dma source(%dma_start3A_252 : memref<8x768xf32, #tpu.memory_space<hbm>>) target(%arg10 : memref<8x768xf32, #tpu.memory_space<vmem>>) target_semaphore(%arg16 : memref<!tpu.dma_semaphore, #tpu.memory_space<semaphore_mem>>)
      } else {
      }
      %mul3A_153 = arith.constant 8 : i32
      %mul3A_154 = arith.muli %add3A_145, %mul3A_153 : i32
      %add3A_155 = arith.addi %mul3A_2, %mul3A_154 : i32
      %dma_wait3A_156 = arith.constant 0 : i32
      %dma_wait3A_157 = tpu.memref_slice %arg3[%add3A_155, %dma_wait3A_156] : memref<8192x768xf32, #tpu.memory_space<hbm>> -> memref<8x768xf32, #tpu.memory_space<hbm>>
      %dma_wait3A_158 = arith.constant 0 : i32
      %dma_wait3A_159 = tpu.memref_slice %arg3[%add3A_155, %dma_wait3A_158] : memref<8192x768xf32, #tpu.memory_space<hbm>> -> memref<8x768xf32, #tpu.memory_space<hbm>>
      tpu.wait_dma2 semaphore(%arg15 : memref<!tpu.dma_semaphore, #tpu.memory_space<semaphore_mem>>) src(%dma_wait3A_159 : memref<8x768xf32, #tpu.memory_space<hbm>>) dst(%arg9 : memref<8x768xf32, #tpu.memory_space<vmem>>)
      %ge3A_160 = arith.constant 2 : i32
      %ge3A_161 = arith.cmpi sge, %add3A_145, %ge3A_160 : i32
      %convert_element_type3A_162 = arith.extui %ge3A_161 : i1 to i32
      %cond3A_163 = arith.constant 0 : i32
      %cond3A_164 = arith.cmpi ne, %convert_element_type3A_162, %cond3A_163 : i32
      scf.if %cond3A_164 {
        %sub3A = arith.constant 2 : i32
        %sub3A_244 = arith.subi %add3A_145, %sub3A : i32
        %mul3A_245 = arith.constant 8 : i32
        %mul3A_246 = arith.muli %sub3A_244, %mul3A_245 : i32
        %add3A_247 = arith.addi %mul3A_2, %mul3A_246 : i32
        %dma_wait3A_248 = arith.constant 0 : i32
        %dma_wait3A_249 = arith.constant 0 : i32
        %dma_wait3A_250 = tpu.memref_slice %arg4[%dma_wait3A_248, %add3A_247, %dma_wait3A_249] : memref<4x8192x768xf32, #tpu.memory_space<hbm>> -> memref<4x8x768xf32, #tpu.memory_space<hbm>>
        %dma_wait3A_251 = arith.constant 0 : i32
        %dma_wait3A_252 = arith.constant 0 : i32
        %dma_wait3A_253 = tpu.memref_slice %arg4[%dma_wait3A_251, %add3A_247, %dma_wait3A_252] : memref<4x8192x768xf32, #tpu.memory_space<hbm>> -> memref<4x8x768xf32, #tpu.memory_space<hbm>>
        tpu.wait_dma2 semaphore(%arg17 : memref<!tpu.dma_semaphore, #tpu.memory_space<semaphore_mem>>) src(%arg5 : memref<4x8x768xf32, #tpu.memory_space<vmem>>) dst(%dma_wait3A_253 : memref<4x8x768xf32, #tpu.memory_space<hbm>>)
      } else {
      }
      %add3A_165 = arith.constant 2 : i32
      %add3A_166 = arith.addi %add3A_145, %add3A_165 : i32
      %lt3A_167 = arith.constant 32 : i32
      %lt3A_168 = arith.cmpi slt, %add3A_166, %lt3A_167 : i32
      %convert_element_type3A_169 = arith.extui %lt3A_168 : i1 to i32
      %cond3A_170 = arith.constant 0 : i32
      %cond3A_171 = arith.cmpi ne, %convert_element_type3A_169, %cond3A_170 : i32
      scf.if %cond3A_171 {
        %add3A_244 = arith.constant 2 : i32
        %add3A_245 = arith.addi %add3A_145, %add3A_244 : i32
        %mul3A_246 = arith.constant 8 : i32
        %mul3A_247 = arith.muli %add3A_245, %mul3A_246 : i32
        %add3A_248 = arith.addi %mul3A_2, %mul3A_247 : i32
        %dma_start3A_249 = arith.constant 0 : i32
        %dma_start3A_250 = arith.constant 0 : i32
        %dma_start3A_251 = tpu.memref_slice %arg2[%dma_start3A_249, %add3A_248, %dma_start3A_250] : memref<4x8192x768xf32, #tpu.memory_space<hbm>> -> memref<4x8x768xf32, #tpu.memory_space<hbm>>
        %dma_start3A_252 = arith.constant 0 : i32
        %dma_start3A_253 = arith.constant 0 : i32
        %dma_start3A_254 = tpu.memref_slice %arg2[%dma_start3A_252, %add3A_248, %dma_start3A_253] : memref<4x8192x768xf32, #tpu.memory_space<hbm>> -> memref<4x8x768xf32, #tpu.memory_space<hbm>>
        tpu.enqueue_dma source(%dma_start3A_254 : memref<4x8x768xf32, #tpu.memory_space<hbm>>) target(%arg5 : memref<4x8x768xf32, #tpu.memory_space<vmem>>) target_semaphore(%arg11 : memref<!tpu.dma_semaphore, #tpu.memory_space<semaphore_mem>>)
      } else {
      }
      %mul3A_172 = arith.constant 8 : i32
      %mul3A_173 = arith.muli %add3A_145, %mul3A_172 : i32
      %add3A_174 = arith.addi %mul3A_2, %mul3A_173 : i32
      %dma_wait3A_175 = arith.constant 0 : i32
      %dma_wait3A_176 = arith.constant 0 : i32
      %dma_wait3A_177 = tpu.memref_slice %arg2[%dma_wait3A_175, %add3A_174, %dma_wait3A_176] : memref<4x8192x768xf32, #tpu.memory_space<hbm>> -> memref<4x8x768xf32, #tpu.memory_space<hbm>>
      %dma_wait3A_178 = arith.constant 0 : i32
      %dma_wait3A_179 = arith.constant 0 : i32
      %dma_wait3A_180 = tpu.memref_slice %arg2[%dma_wait3A_178, %add3A_174, %dma_wait3A_179] : memref<4x8192x768xf32, #tpu.memory_space<hbm>> -> memref<4x8x768xf32, #tpu.memory_space<hbm>>
      tpu.wait_dma2 semaphore(%arg13 : memref<!tpu.dma_semaphore, #tpu.memory_space<semaphore_mem>>) src(%dma_wait3A_180 : memref<4x8x768xf32, #tpu.memory_space<hbm>>) dst(%arg7 : memref<4x8x768xf32, #tpu.memory_space<vmem>>)
      %parallel_loop3A_181 = arith.constant 0 : i32
      %parallel_loop3A_182 = arith.constant 64 : i32
      %parallel_loop3A_183 = arith.constant 1 : i32
      scf.for %parallel_loop3A_244 = %parallel_loop3A_181 to %parallel_loop3A_182 step %parallel_loop3A_183  : i32 {
        %parallel_loop3A_245 = arith.constant 4 : i32
        %parallel_loop3A_246 = arith.shrsi %parallel_loop3A_244, %parallel_loop3A_245 : i32
        %parallel_loop3A_247 = arith.constant 15 : i32
        %parallel_loop3A_248 = arith.andi %parallel_loop3A_244, %parallel_loop3A_247 : i32
        %parallel_loop3A_249 = arith.constant 1 : i32
        %parallel_loop3A_250 = arith.shrsi %parallel_loop3A_248, %parallel_loop3A_249 : i32
        %parallel_loop3A_251 = arith.constant 1 : i32
        %parallel_loop3A_252 = arith.andi %parallel_loop3A_248, %parallel_loop3A_251 : i32
        %parallel_loop3A_253 = arith.constant 384 : i32
        %parallel_loop3A_254 = arith.muli %parallel_loop3A_252, %parallel_loop3A_253 : i32
        %parallel_loop3A_255 = arith.constant 0 : i32
        %parallel_loop3A_256 = arith.addi %parallel_loop3A_254, %parallel_loop3A_255 : i32
        %parallel_loop3A_257 = arith.index_cast %parallel_loop3A_250 : i32 to index
        %parallel_loop3A_258 = arith.index_cast %parallel_loop3A_256 : i32 to index
        %parallel_loop3A_259 = tpu.vector_load %arg9[%parallel_loop3A_257, %parallel_loop3A_258] {strides = array<i32>} : memref<8x768xf32, #tpu.memory_space<vmem>>, vector<1x16xf32>,
        %parallel_loop3A_260 = vector.shape_cast %parallel_loop3A_259 : vector<1x16xf32> to vector<16xf32>
        %parallel_loop3A_261 = arith.constant 16 : i32
        %parallel_loop3A_262 = arith.addi %parallel_loop3A_254, %parallel_loop3A_261 : i32
        %parallel_loop3A_263 = arith.index_cast %parallel_loop3A_250 : i32 to index
        %parallel_loop3A_264 = arith.index_cast %parallel_loop3A_262 : i32 to index
        %parallel_loop3A_265 = tpu.vector_load %arg9[%parallel_loop3A_263, %parallel_loop3A_264] {strides = array<i32>} : memref<8x768xf32, #tpu.memory_space<vmem>>, vector<1x16xf32>,
        %parallel_loop3A_266 = vector.shape_cast %parallel_loop3A_265 : vector<1x16xf32> to vector<16xf32>
        %parallel_loop3A_267 = arith.constant 32 : i32
        %parallel_loop3A_268 = arith.addi %parallel_loop3A_254, %parallel_loop3A_267 : i32
        %parallel_loop3A_269 = arith.index_cast %parallel_loop3A_250 : i32 to index
        %parallel_loop3A_270 = arith.index_cast %parallel_loop3A_268 : i32 to index
        %parallel_loop3A_271 = tpu.vector_load %arg9[%parallel_loop3A_269, %parallel_loop3A_270] {strides = array<i32>} : memref<8x768xf32, #tpu.memory_space<vmem>>, vector<1x16xf32>,
        %parallel_loop3A_272 = vector.shape_cast %parallel_loop3A_271 : vector<1x16xf32> to vector<16xf32>
        %parallel_loop3A_273 = arith.constant 48 : i32
        %parallel_loop3A_274 = arith.addi %parallel_loop3A_254, %parallel_loop3A_273 : i32
        %parallel_loop3A_275 = arith.index_cast %parallel_loop3A_250 : i32 to index
        %parallel_loop3A_276 = arith.index_cast %parallel_loop3A_274 : i32 to index
        %parallel_loop3A_277 = tpu.vector_load %arg9[%parallel_loop3A_275, %parallel_loop3A_276] {strides = array<i32>} : memref<8x768xf32, #tpu.memory_space<vmem>>, vector<1x16xf32>,
        %parallel_loop3A_278 = vector.shape_cast %parallel_loop3A_277 : vector<1x16xf32> to vector<16xf32>
        %parallel_loop3A_279 = arith.constant 64 : i32
        %parallel_loop3A_280 = arith.addi %parallel_loop3A_254, %parallel_loop3A_279 : i32
        %parallel_loop3A_281 = arith.index_cast %parallel_loop3A_250 : i32 to index
        %parallel_loop3A_282 = arith.index_cast %parallel_loop3A_280 : i32 to index
        %parallel_loop3A_283 = tpu.vector_load %arg9[%parallel_loop3A_281, %parallel_loop3A_282] {strides = array<i32>} : memref<8x768xf32, #tpu.memory_space<vmem>>, vector<1x16xf32>,
        %parallel_loop3A_284 = vector.shape_cast %parallel_loop3A_283 : vector<1x16xf32> to vector<16xf32>
        %parallel_loop3A_285 = arith.constant 80 : i32
        %parallel_loop3A_286 = arith.addi %parallel_loop3A_254, %parallel_loop3A_285 : i32
        %parallel_loop3A_287 = arith.index_cast %parallel_loop3A_250 : i32 to index
        %parallel_loop3A_288 = arith.index_cast %parallel_loop3A_286 : i32 to index
        %parallel_loop3A_289 = tpu.vector_load %arg9[%parallel_loop3A_287, %parallel_loop3A_288] {strides = array<i32>} : memref<8x768xf32, #tpu.memory_space<vmem>>, vector<1x16xf32>,
        %parallel_loop3A_290 = vector.shape_cast %parallel_loop3A_289 : vector<1x16xf32> to vector<16xf32>
        %parallel_loop3A_291 = arith.constant 96 : i32
        %parallel_loop3A_292 = arith.addi %parallel_loop3A_254, %parallel_loop3A_291 : i32
        %parallel_loop3A_293 = arith.index_cast %parallel_loop3A_250 : i32 to index
        %parallel_loop3A_294 = arith.index_cast %parallel_loop3A_292 : i32 to index
        %parallel_loop3A_295 = tpu.vector_load %arg9[%parallel_loop3A_293, %parallel_loop3A_294] {strides = array<i32>} : memref<8x768xf32, #tpu.memory_space<vmem>>, vector<1x16xf32>,
        %parallel_loop3A_296 = vector.shape_cast %parallel_loop3A_295 : vector<1x16xf32> to vector<16xf32>
        %parallel_loop3A_297 = arith.constant 112 : i32
        %parallel_loop3A_298 = arith.addi %parallel_loop3A_254, %parallel_loop3A_297 : i32
        %parallel_loop3A_299 = arith.index_cast %parallel_loop3A_250 : i32 to index
        %parallel_loop3A_300 = arith.index_cast %parallel_loop3A_298 : i32 to index
        %parallel_loop3A_301 = tpu.vector_load %arg9[%parallel_loop3A_299, %parallel_loop3A_300] {strides = array<i32>} : memref<8x768xf32, #tpu.memory_space<vmem>>, vector<1x16xf32>,
        %parallel_loop3A_302 = vector.shape_cast %parallel_loop3A_301 : vector<1x16xf32> to vector<16xf32>
        %parallel_loop3A_303 = arith.constant 128 : i32
        %parallel_loop3A_304 = arith.addi %parallel_loop3A_254, %parallel_loop3A_303 : i32
        %parallel_loop3A_305 = arith.index_cast %parallel_loop3A_250 : i32 to index
        %parallel_loop3A_306 = arith.index_cast %parallel_loop3A_304 : i32 to index
        %parallel_loop3A_307 = tpu.vector_load %arg9[%parallel_loop3A_305, %parallel_loop3A_306] {strides = array<i32>} : memref<8x768xf32, #tpu.memory_space<vmem>>, vector<1x16xf32>,
        %parallel_loop3A_308 = vector.shape_cast %parallel_loop3A_307 : vector<1x16xf32> to vector<16xf32>
        %parallel_loop3A_309 = arith.constant 144 : i32
        %parallel_loop3A_310 = arith.addi %parallel_loop3A_254, %parallel_loop3A_309 : i32
        %parallel_loop3A_311 = arith.index_cast %parallel_loop3A_250 : i32 to index
        %parallel_loop3A_312 = arith.index_cast %parallel_loop3A_310 : i32 to index
        %parallel_loop3A_313 = tpu.vector_load %arg9[%parallel_loop3A_311, %parallel_loop3A_312] {strides = array<i32>} : memref<8x768xf32, #tpu.memory_space<vmem>>, vector<1x16xf32>,
        %parallel_loop3A_314 = vector.shape_cast %parallel_loop3A_313 : vector<1x16xf32> to vector<16xf32>
        %parallel_loop3A_315 = arith.constant 160 : i32
        %parallel_loop3A_316 = arith.addi %parallel_loop3A_254, %parallel_loop3A_315 : i32
        %parallel_loop3A_317 = arith.index_cast %parallel_loop3A_250 : i32 to index
        %parallel_loop3A_318 = arith.index_cast %parallel_loop3A_316 : i32 to index
        %parallel_loop3A_319 = tpu.vector_load %arg9[%parallel_loop3A_317, %parallel_loop3A_318] {strides = array<i32>} : memref<8x768xf32, #tpu.memory_space<vmem>>, vector<1x16xf32>,
        %parallel_loop3A_320 = vector.shape_cast %parallel_loop3A_319 : vector<1x16xf32> to vector<16xf32>
        %parallel_loop3A_321 = arith.constant 176 : i32
        %parallel_loop3A_322 = arith.addi %parallel_loop3A_254, %parallel_loop3A_321 : i32
        %parallel_loop3A_323 = arith.index_cast %parallel_loop3A_250 : i32 to index
        %parallel_loop3A_324 = arith.index_cast %parallel_loop3A_322 : i32 to index
        %parallel_loop3A_325 = tpu.vector_load %arg9[%parallel_loop3A_323, %parallel_loop3A_324] {strides = array<i32>} : memref<8x768xf32, #tpu.memory_space<vmem>>, vector<1x16xf32>,
        %parallel_loop3A_326 = vector.shape_cast %parallel_loop3A_325 : vector<1x16xf32> to vector<16xf32>
        %parallel_loop3A_327 = arith.constant 192 : i32
        %parallel_loop3A_328 = arith.addi %parallel_loop3A_254, %parallel_loop3A_327 : i32
        %parallel_loop3A_329 = arith.index_cast %parallel_loop3A_250 : i32 to index
        %parallel_loop3A_330 = arith.index_cast %parallel_loop3A_328 : i32 to index
        %parallel_loop3A_331 = tpu.vector_load %arg9[%parallel_loop3A_329, %parallel_loop3A_330] {strides = array<i32>} : memref<8x768xf32, #tpu.memory_space<vmem>>, vector<1x16xf32>,
        %parallel_loop3A_332 = vector.shape_cast %parallel_loop3A_331 : vector<1x16xf32> to vector<16xf32>
        %parallel_loop3A_333 = arith.constant 208 : i32
        %parallel_loop3A_334 = arith.addi %parallel_loop3A_254, %parallel_loop3A_333 : i32
        %parallel_loop3A_335 = arith.index_cast %parallel_loop3A_250 : i32 to index
        %parallel_loop3A_336 = arith.index_cast %parallel_loop3A_334 : i32 to index
        %parallel_loop3A_337 = tpu.vector_load %arg9[%parallel_loop3A_335, %parallel_loop3A_336] {strides = array<i32>} : memref<8x768xf32, #tpu.memory_space<vmem>>, vector<1x16xf32>,
        %parallel_loop3A_338 = vector.shape_cast %parallel_loop3A_337 : vector<1x16xf32> to vector<16xf32>
        %parallel_loop3A_339 = arith.constant 224 : i32
        %parallel_loop3A_340 = arith.addi %parallel_loop3A_254, %parallel_loop3A_339 : i32
        %parallel_loop3A_341 = arith.index_cast %parallel_loop3A_250 : i32 to index
        %parallel_loop3A_342 = arith.index_cast %parallel_loop3A_340 : i32 to index
        %parallel_loop3A_343 = tpu.vector_load %arg9[%parallel_loop3A_341, %parallel_loop3A_342] {strides = array<i32>} : memref<8x768xf32, #tpu.memory_space<vmem>>, vector<1x16xf32>,
        %parallel_loop3A_344 = vector.shape_cast %parallel_loop3A_343 : vector<1x16xf32> to vector<16xf32>
        %parallel_loop3A_345 = arith.constant 240 : i32
        %parallel_loop3A_346 = arith.addi %parallel_loop3A_254, %parallel_loop3A_345 : i32
        %parallel_loop3A_347 = arith.index_cast %parallel_loop3A_250 : i32 to index
        %parallel_loop3A_348 = arith.index_cast %parallel_loop3A_346 : i32 to index
        %parallel_loop3A_349 = tpu.vector_load %arg9[%parallel_loop3A_347, %parallel_loop3A_348] {strides = array<i32>} : memref<8x768xf32, #tpu.memory_space<vmem>>, vector<1x16xf32>,
        %parallel_loop3A_350 = vector.shape_cast %parallel_loop3A_349 : vector<1x16xf32> to vector<16xf32>
        %parallel_loop3A_351 = arith.constant 256 : i32
        %parallel_loop3A_352 = arith.addi %parallel_loop3A_254, %parallel_loop3A_351 : i32
        %parallel_loop3A_353 = arith.index_cast %parallel_loop3A_250 : i32 to index
        %parallel_loop3A_354 = arith.index_cast %parallel_loop3A_352 : i32 to index
        %parallel_loop3A_355 = tpu.vector_load %arg9[%parallel_loop3A_353, %parallel_loop3A_354] {strides = array<i32>} : memref<8x768xf32, #tpu.memory_space<vmem>>, vector<1x16xf32>,
        %parallel_loop3A_356 = vector.shape_cast %parallel_loop3A_355 : vector<1x16xf32> to vector<16xf32>
        %parallel_loop3A_357 = arith.constant 272 : i32
        %parallel_loop3A_358 = arith.addi %parallel_loop3A_254, %parallel_loop3A_357 : i32
        %parallel_loop3A_359 = arith.index_cast %parallel_loop3A_250 : i32 to index
        %parallel_loop3A_360 = arith.index_cast %parallel_loop3A_358 : i32 to index
        %parallel_loop3A_361 = tpu.vector_load %arg9[%parallel_loop3A_359, %parallel_loop3A_360] {strides = array<i32>} : memref<8x768xf32, #tpu.memory_space<vmem>>, vector<1x16xf32>,
        %parallel_loop3A_362 = vector.shape_cast %parallel_loop3A_361 : vector<1x16xf32> to vector<16xf32>
        %parallel_loop3A_363 = arith.constant 288 : i32
        %parallel_loop3A_364 = arith.addi %parallel_loop3A_254, %parallel_loop3A_363 : i32
        %parallel_loop3A_365 = arith.index_cast %parallel_loop3A_250 : i32 to index
        %parallel_loop3A_366 = arith.index_cast %parallel_loop3A_364 : i32 to index
        %parallel_loop3A_367 = tpu.vector_load %arg9[%parallel_loop3A_365, %parallel_loop3A_366] {strides = array<i32>} : memref<8x768xf32, #tpu.memory_space<vmem>>, vector<1x16xf32>,
        %parallel_loop3A_368 = vector.shape_cast %parallel_loop3A_367 : vector<1x16xf32> to vector<16xf32>
        %parallel_loop3A_369 = arith.constant 304 : i32
        %parallel_loop3A_370 = arith.addi %parallel_loop3A_254, %parallel_loop3A_369 : i32
        %parallel_loop3A_371 = arith.index_cast %parallel_loop3A_250 : i32 to index
        %parallel_loop3A_372 = arith.index_cast %parallel_loop3A_370 : i32 to index
        %parallel_loop3A_373 = tpu.vector_load %arg9[%parallel_loop3A_371, %parallel_loop3A_372] {strides = array<i32>} : memref<8x768xf32, #tpu.memory_space<vmem>>, vector<1x16xf32>,
        %parallel_loop3A_374 = vector.shape_cast %parallel_loop3A_373 : vector<1x16xf32> to vector<16xf32>
        %parallel_loop3A_375 = arith.constant 320 : i32
        %parallel_loop3A_376 = arith.addi %parallel_loop3A_254, %parallel_loop3A_375 : i32
        %parallel_loop3A_377 = arith.index_cast %parallel_loop3A_250 : i32 to index
        %parallel_loop3A_378 = arith.index_cast %parallel_loop3A_376 : i32 to index
        %parallel_loop3A_379 = tpu.vector_load %arg9[%parallel_loop3A_377, %parallel_loop3A_378] {strides = array<i32>} : memref<8x768xf32, #tpu.memory_space<vmem>>, vector<1x16xf32>,
        %parallel_loop3A_380 = vector.shape_cast %parallel_loop3A_379 : vector<1x16xf32> to vector<16xf32>
        %parallel_loop3A_381 = arith.constant 336 : i32
        %parallel_loop3A_382 = arith.addi %parallel_loop3A_254, %parallel_loop3A_381 : i32
        %parallel_loop3A_383 = arith.index_cast %parallel_loop3A_250 : i32 to index
        %parallel_loop3A_384 = arith.index_cast %parallel_loop3A_382 : i32 to index
        %parallel_loop3A_385 = tpu.vector_load %arg9[%parallel_loop3A_383, %parallel_loop3A_384] {strides = array<i32>} : memref<8x768xf32, #tpu.memory_space<vmem>>, vector<1x16xf32>,
        %parallel_loop3A_386 = vector.shape_cast %parallel_loop3A_385 : vector<1x16xf32> to vector<16xf32>
        %parallel_loop3A_387 = arith.constant 352 : i32
        %parallel_loop3A_388 = arith.addi %parallel_loop3A_254, %parallel_loop3A_387 : i32
        %parallel_loop3A_389 = arith.index_cast %parallel_loop3A_250 : i32 to index
        %parallel_loop3A_390 = arith.index_cast %parallel_loop3A_388 : i32 to index
        %parallel_loop3A_391 = tpu.vector_load %arg9[%parallel_loop3A_389, %parallel_loop3A_390] {strides = array<i32>} : memref<8x768xf32, #tpu.memory_space<vmem>>, vector<1x16xf32>,
        %parallel_loop3A_392 = vector.shape_cast %parallel_loop3A_391 : vector<1x16xf32> to vector<16xf32>
        %parallel_loop3A_393 = arith.constant 368 : i32
        %parallel_loop3A_394 = arith.addi %parallel_loop3A_254, %parallel_loop3A_393 : i32
        %parallel_loop3A_395 = arith.index_cast %parallel_loop3A_250 : i32 to index
        %parallel_loop3A_396 = arith.index_cast %parallel_loop3A_394 : i32 to index
        %parallel_loop3A_397 = tpu.vector_load %arg9[%parallel_loop3A_395, %parallel_loop3A_396] {strides = array<i32>} : memref<8x768xf32, #tpu.memory_space<vmem>>, vector<1x16xf32>,
        %parallel_loop3A_398 = vector.shape_cast %parallel_loop3A_397 : vector<1x16xf32> to vector<16xf32>
        %parallel_loop3A_399 = arith.constant 0 : i32
        %parallel_loop3A_400 = arith.addi %parallel_loop3A_254, %parallel_loop3A_399 : i32
        %parallel_loop3A_401 = arith.index_cast %parallel_loop3A_246 : i32 to index
        %parallel_loop3A_402 = arith.index_cast %parallel_loop3A_250 : i32 to index
        %parallel_loop3A_403 = arith.index_cast %parallel_loop3A_400 : i32 to index
        %parallel_loop3A_404 = tpu.vector_load %arg7[%parallel_loop3A_401, %parallel_loop3A_402, %parallel_loop3A_403] {strides = array<i32>} : memref<4x8x768xf32, #tpu.memory_space<vmem>>, vector<1x1x16xf32>,
        %parallel_loop3A_405 = vector.shape_cast %parallel_loop3A_404 : vector<1x1x16xf32> to vector<16xf32>
        %parallel_loop3A_406 = vector.shape_cast %parallel_loop3A_260 : vector<16xf32> to vector<1x1x16xf32>
        tpu.vector_store %arg7[%parallel_loop3A_401, %parallel_loop3A_402, %parallel_loop3A_403], %parallel_loop3A_406 {add = true, strides = array<i32>} : memref<4x8x768xf32, #tpu.memory_space<vmem>>, vector<1x1x16xf32>,
        %parallel_loop3A_407 = arith.constant 16 : i32
        %parallel_loop3A_408 = arith.addi %parallel_loop3A_254, %parallel_loop3A_407 : i32
        %parallel_loop3A_409 = arith.index_cast %parallel_loop3A_246 : i32 to index
        %parallel_loop3A_410 = arith.index_cast %parallel_loop3A_250 : i32 to index
        %parallel_loop3A_411 = arith.index_cast %parallel_loop3A_408 : i32 to index
        %parallel_loop3A_412 = tpu.vector_load %arg7[%parallel_loop3A_409, %parallel_loop3A_410, %parallel_loop3A_411] {strides = array<i32>} : memref<4x8x768xf32, #tpu.memory_space<vmem>>, vector<1x1x16xf32>,
        %parallel_loop3A_413 = vector.shape_cast %parallel_loop3A_412 : vector<1x1x16xf32> to vector<16xf32>
        %parallel_loop3A_414 = vector.shape_cast %parallel_loop3A_266 : vector<16xf32> to vector<1x1x16xf32>
        tpu.vector_store %arg7[%parallel_loop3A_409, %parallel_loop3A_410, %parallel_loop3A_411], %parallel_loop3A_414 {add = true, strides = array<i32>} : memref<4x8x768xf32, #tpu.memory_space<vmem>>, vector<1x1x16xf32>,
        %parallel_loop3A_415 = arith.constant 32 : i32
        %parallel_loop3A_416 = arith.addi %parallel_loop3A_254, %parallel_loop3A_415 : i32
        %parallel_loop3A_417 = arith.index_cast %parallel_loop3A_246 : i32 to index
        %parallel_loop3A_418 = arith.index_cast %parallel_loop3A_250 : i32 to index
        %parallel_loop3A_419 = arith.index_cast %parallel_loop3A_416 : i32 to index
        %parallel_loop3A_420 = tpu.vector_load %arg7[%parallel_loop3A_417, %parallel_loop3A_418, %parallel_loop3A_419] {strides = array<i32>} : memref<4x8x768xf32, #tpu.memory_space<vmem>>, vector<1x1x16xf32>,
        %parallel_loop3A_421 = vector.shape_cast %parallel_loop3A_420 : vector<1x1x16xf32> to vector<16xf32>
        %parallel_loop3A_422 = vector.shape_cast %parallel_loop3A_272 : vector<16xf32> to vector<1x1x16xf32>
        tpu.vector_store %arg7[%parallel_loop3A_417, %parallel_loop3A_418, %parallel_loop3A_419], %parallel_loop3A_422 {add = true, strides = array<i32>} : memref<4x8x768xf32, #tpu.memory_space<vmem>>, vector<1x1x16xf32>,
        %parallel_loop3A_423 = arith.constant 48 : i32
        %parallel_loop3A_424 = arith.addi %parallel_loop3A_254, %parallel_loop3A_423 : i32
        %parallel_loop3A_425 = arith.index_cast %parallel_loop3A_246 : i32 to index
        %parallel_loop3A_426 = arith.index_cast %parallel_loop3A_250 : i32 to index
        %parallel_loop3A_427 = arith.index_cast %parallel_loop3A_424 : i32 to index
        %parallel_loop3A_428 = tpu.vector_load %arg7[%parallel_loop3A_425, %parallel_loop3A_426, %parallel_loop3A_427] {strides = array<i32>} : memref<4x8x768xf32, #tpu.memory_space<vmem>>, vector<1x1x16xf32>,
        %parallel_loop3A_429 = vector.shape_cast %parallel_loop3A_428 : vector<1x1x16xf32> to vector<16xf32>
        %parallel_loop3A_430 = vector.shape_cast %parallel_loop3A_278 : vector<16xf32> to vector<1x1x16xf32>
        tpu.vector_store %arg7[%parallel_loop3A_425, %parallel_loop3A_426, %parallel_loop3A_427], %parallel_loop3A_430 {add = true, strides = array<i32>} : memref<4x8x768xf32, #tpu.memory_space<vmem>>, vector<1x1x16xf32>,
        %parallel_loop3A_431 = arith.constant 64 : i32
        %parallel_loop3A_432 = arith.addi %parallel_loop3A_254, %parallel_loop3A_431 : i32
        %parallel_loop3A_433 = arith.index_cast %parallel_loop3A_246 : i32 to index
        %parallel_loop3A_434 = arith.index_cast %parallel_loop3A_250 : i32 to index
        %parallel_loop3A_435 = arith.index_cast %parallel_loop3A_432 : i32 to index
        %parallel_loop3A_436 = tpu.vector_load %arg7[%parallel_loop3A_433, %parallel_loop3A_434, %parallel_loop3A_435] {strides = array<i32>} : memref<4x8x768xf32, #tpu.memory_space<vmem>>, vector<1x1x16xf32>,
        %parallel_loop3A_437 = vector.shape_cast %parallel_loop3A_436 : vector<1x1x16xf32> to vector<16xf32>
        %parallel_loop3A_438 = vector.shape_cast %parallel_loop3A_284 : vector<16xf32> to vector<1x1x16xf32>
        tpu.vector_store %arg7[%parallel_loop3A_433, %parallel_loop3A_434, %parallel_loop3A_435], %parallel_loop3A_438 {add = true, strides = array<i32>} : memref<4x8x768xf32, #tpu.memory_space<vmem>>, vector<1x1x16xf32>,
        %parallel_loop3A_439 = arith.constant 80 : i32
        %parallel_loop3A_440 = arith.addi %parallel_loop3A_254, %parallel_loop3A_439 : i32
        %parallel_loop3A_441 = arith.index_cast %parallel_loop3A_246 : i32 to index
        %parallel_loop3A_442 = arith.index_cast %parallel_loop3A_250 : i32 to index
        %parallel_loop3A_443 = arith.index_cast %parallel_loop3A_440 : i32 to index
        %parallel_loop3A_444 = tpu.vector_load %arg7[%parallel_loop3A_441, %parallel_loop3A_442, %parallel_loop3A_443] {strides = array<i32>} : memref<4x8x768xf32, #tpu.memory_space<vmem>>, vector<1x1x16xf32>,
        %parallel_loop3A_445 = vector.shape_cast %parallel_loop3A_444 : vector<1x1x16xf32> to vector<16xf32>
        %parallel_loop3A_446 = vector.shape_cast %parallel_loop3A_290 : vector<16xf32> to vector<1x1x16xf32>
        tpu.vector_store %arg7[%parallel_loop3A_441, %parallel_loop3A_442, %parallel_loop3A_443], %parallel_loop3A_446 {add = true, strides = array<i32>} : memref<4x8x768xf32, #tpu.memory_space<vmem>>, vector<1x1x16xf32>,
        %parallel_loop3A_447 = arith.constant 96 : i32
        %parallel_loop3A_448 = arith.addi %parallel_loop3A_254, %parallel_loop3A_447 : i32
        %parallel_loop3A_449 = arith.index_cast %parallel_loop3A_246 : i32 to index
        %parallel_loop3A_450 = arith.index_cast %parallel_loop3A_250 : i32 to index
        %parallel_loop3A_451 = arith.index_cast %parallel_loop3A_448 : i32 to index
        %parallel_loop3A_452 = tpu.vector_load %arg7[%parallel_loop3A_449, %parallel_loop3A_450, %parallel_loop3A_451] {strides = array<i32>} : memref<4x8x768xf32, #tpu.memory_space<vmem>>, vector<1x1x16xf32>,
        %parallel_loop3A_453 = vector.shape_cast %parallel_loop3A_452 : vector<1x1x16xf32> to vector<16xf32>
        %parallel_loop3A_454 = vector.shape_cast %parallel_loop3A_296 : vector<16xf32> to vector<1x1x16xf32>
        tpu.vector_store %arg7[%parallel_loop3A_449, %parallel_loop3A_450, %parallel_loop3A_451], %parallel_loop3A_454 {add = true, strides = array<i32>} : memref<4x8x768xf32, #tpu.memory_space<vmem>>, vector<1x1x16xf32>,
        %parallel_loop3A_455 = arith.constant 112 : i32
        %parallel_loop3A_456 = arith.addi %parallel_loop3A_254, %parallel_loop3A_455 : i32
        %parallel_loop3A_457 = arith.index_cast %parallel_loop3A_246 : i32 to index
        %parallel_loop3A_458 = arith.index_cast %parallel_loop3A_250 : i32 to index
        %parallel_loop3A_459 = arith.index_cast %parallel_loop3A_456 : i32 to index
        %parallel_loop3A_460 = tpu.vector_load %arg7[%parallel_loop3A_457, %parallel_loop3A_458, %parallel_loop3A_459] {strides = array<i32>} : memref<4x8x768xf32, #tpu.memory_space<vmem>>, vector<1x1x16xf32>,
        %parallel_loop3A_461 = vector.shape_cast %parallel_loop3A_460 : vector<1x1x16xf32> to vector<16xf32>
        %parallel_loop3A_462 = vector.shape_cast %parallel_loop3A_302 : vector<16xf32> to vector<1x1x16xf32>
        tpu.vector_store %arg7[%parallel_loop3A_457, %parallel_loop3A_458, %parallel_loop3A_459], %parallel_loop3A_462 {add = true, strides = array<i32>} : memref<4x8x768xf32, #tpu.memory_space<vmem>>, vector<1x1x16xf32>,
        %parallel_loop3A_463 = arith.constant 128 : i32
        %parallel_loop3A_464 = arith.addi %parallel_loop3A_254, %parallel_loop3A_463 : i32
        %parallel_loop3A_465 = arith.index_cast %parallel_loop3A_246 : i32 to index
        %parallel_loop3A_466 = arith.index_cast %parallel_loop3A_250 : i32 to index
        %parallel_loop3A_467 = arith.index_cast %parallel_loop3A_464 : i32 to index
        %parallel_loop3A_468 = tpu.vector_load %arg7[%parallel_loop3A_465, %parallel_loop3A_466, %parallel_loop3A_467] {strides = array<i32>} : memref<4x8x768xf32, #tpu.memory_space<vmem>>, vector<1x1x16xf32>,
        %parallel_loop3A_469 = vector.shape_cast %parallel_loop3A_468 : vector<1x1x16xf32> to vector<16xf32>
        %parallel_loop3A_470 = vector.shape_cast %parallel_loop3A_308 : vector<16xf32> to vector<1x1x16xf32>
        tpu.vector_store %arg7[%parallel_loop3A_465, %parallel_loop3A_466, %parallel_loop3A_467], %parallel_loop3A_470 {add = true, strides = array<i32>} : memref<4x8x768xf32, #tpu.memory_space<vmem>>, vector<1x1x16xf32>,
        %parallel_loop3A_471 = arith.constant 144 : i32
        %parallel_loop3A_472 = arith.addi %parallel_loop3A_254, %parallel_loop3A_471 : i32
        %parallel_loop3A_473 = arith.index_cast %parallel_loop3A_246 : i32 to index
        %parallel_loop3A_474 = arith.index_cast %parallel_loop3A_250 : i32 to index
        %parallel_loop3A_475 = arith.index_cast %parallel_loop3A_472 : i32 to index
        %parallel_loop3A_476 = tpu.vector_load %arg7[%parallel_loop3A_473, %parallel_loop3A_474, %parallel_loop3A_475] {strides = array<i32>} : memref<4x8x768xf32, #tpu.memory_space<vmem>>, vector<1x1x16xf32>,
        %parallel_loop3A_477 = vector.shape_cast %parallel_loop3A_476 : vector<1x1x16xf32> to vector<16xf32>
        %parallel_loop3A_478 = vector.shape_cast %parallel_loop3A_314 : vector<16xf32> to vector<1x1x16xf32>
        tpu.vector_store %arg7[%parallel_loop3A_473, %parallel_loop3A_474, %parallel_loop3A_475], %parallel_loop3A_478 {add = true, strides = array<i32>} : memref<4x8x768xf32, #tpu.memory_space<vmem>>, vector<1x1x16xf32>,
        %parallel_loop3A_479 = arith.constant 160 : i32
        %parallel_loop3A_480 = arith.addi %parallel_loop3A_254, %parallel_loop3A_479 : i32
        %parallel_loop3A_481 = arith.index_cast %parallel_loop3A_246 : i32 to index
        %parallel_loop3A_482 = arith.index_cast %parallel_loop3A_250 : i32 to index
        %parallel_loop3A_483 = arith.index_cast %parallel_loop3A_480 : i32 to index
        %parallel_loop3A_484 = tpu.vector_load %arg7[%parallel_loop3A_481, %parallel_loop3A_482, %parallel_loop3A_483] {strides = array<i32>} : memref<4x8x768xf32, #tpu.memory_space<vmem>>, vector<1x1x16xf32>,
        %parallel_loop3A_485 = vector.shape_cast %parallel_loop3A_484 : vector<1x1x16xf32> to vector<16xf32>
        %parallel_loop3A_486 = vector.shape_cast %parallel_loop3A_320 : vector<16xf32> to vector<1x1x16xf32>
        tpu.vector_store %arg7[%parallel_loop3A_481, %parallel_loop3A_482, %parallel_loop3A_483], %parallel_loop3A_486 {add = true, strides = array<i32>} : memref<4x8x768xf32, #tpu.memory_space<vmem>>, vector<1x1x16xf32>,
        %parallel_loop3A_487 = arith.constant 176 : i32
        %parallel_loop3A_488 = arith.addi %parallel_loop3A_254, %parallel_loop3A_487 : i32
        %parallel_loop3A_489 = arith.index_cast %parallel_loop3A_246 : i32 to index
        %parallel_loop3A_490 = arith.index_cast %parallel_loop3A_250 : i32 to index
        %parallel_loop3A_491 = arith.index_cast %parallel_loop3A_488 : i32 to index
        %parallel_loop3A_492 = tpu.vector_load %arg7[%parallel_loop3A_489, %parallel_loop3A_490, %parallel_loop3A_491] {strides = array<i32>} : memref<4x8x768xf32, #tpu.memory_space<vmem>>, vector<1x1x16xf32>,
        %parallel_loop3A_493 = vector.shape_cast %parallel_loop3A_492 : vector<1x1x16xf32> to vector<16xf32>
        %parallel_loop3A_494 = vector.shape_cast %parallel_loop3A_326 : vector<16xf32> to vector<1x1x16xf32>
        tpu.vector_store %arg7[%parallel_loop3A_489, %parallel_loop3A_490, %parallel_loop3A_491], %parallel_loop3A_494 {add = true, strides = array<i32>} : memref<4x8x768xf32, #tpu.memory_space<vmem>>, vector<1x1x16xf32>,
        %parallel_loop3A_495 = arith.constant 192 : i32
        %parallel_loop3A_496 = arith.addi %parallel_loop3A_254, %parallel_loop3A_495 : i32
        %parallel_loop3A_497 = arith.index_cast %parallel_loop3A_246 : i32 to index
        %parallel_loop3A_498 = arith.index_cast %parallel_loop3A_250 : i32 to index
        %parallel_loop3A_499 = arith.index_cast %parallel_loop3A_496 : i32 to index
        %parallel_loop3A_500 = tpu.vector_load %arg7[%parallel_loop3A_497, %parallel_loop3A_498, %parallel_loop3A_499] {strides = array<i32>} : memref<4x8x768xf32, #tpu.memory_space<vmem>>, vector<1x1x16xf32>,
        %parallel_loop3A_501 = vector.shape_cast %parallel_loop3A_500 : vector<1x1x16xf32> to vector<16xf32>
        %parallel_loop3A_502 = vector.shape_cast %parallel_loop3A_332 : vector<16xf32> to vector<1x1x16xf32>
        tpu.vector_store %arg7[%parallel_loop3A_497, %parallel_loop3A_498, %parallel_loop3A_499], %parallel_loop3A_502 {add = true, strides = array<i32>} : memref<4x8x768xf32, #tpu.memory_space<vmem>>, vector<1x1x16xf32>,
        %parallel_loop3A_503 = arith.constant 208 : i32
        %parallel_loop3A_504 = arith.addi %parallel_loop3A_254, %parallel_loop3A_503 : i32
        %parallel_loop3A_505 = arith.index_cast %parallel_loop3A_246 : i32 to index
        %parallel_loop3A_506 = arith.index_cast %parallel_loop3A_250 : i32 to index
        %parallel_loop3A_507 = arith.index_cast %parallel_loop3A_504 : i32 to index
        %parallel_loop3A_508 = tpu.vector_load %arg7[%parallel_loop3A_505, %parallel_loop3A_506, %parallel_loop3A_507] {strides = array<i32>} : memref<4x8x768xf32, #tpu.memory_space<vmem>>, vector<1x1x16xf32>,
        %parallel_loop3A_509 = vector.shape_cast %parallel_loop3A_508 : vector<1x1x16xf32> to vector<16xf32>
        %parallel_loop3A_510 = vector.shape_cast %parallel_loop3A_338 : vector<16xf32> to vector<1x1x16xf32>
        tpu.vector_store %arg7[%parallel_loop3A_505, %parallel_loop3A_506, %parallel_loop3A_507], %parallel_loop3A_510 {add = true, strides = array<i32>} : memref<4x8x768xf32, #tpu.memory_space<vmem>>, vector<1x1x16xf32>,
        %parallel_loop3A_511 = arith.constant 224 : i32
        %parallel_loop3A_512 = arith.addi %parallel_loop3A_254, %parallel_loop3A_511 : i32
        %parallel_loop3A_513 = arith.index_cast %parallel_loop3A_246 : i32 to index
        %parallel_loop3A_514 = arith.index_cast %parallel_loop3A_250 : i32 to index
        %parallel_loop3A_515 = arith.index_cast %parallel_loop3A_512 : i32 to index
        %parallel_loop3A_516 = tpu.vector_load %arg7[%parallel_loop3A_513, %parallel_loop3A_514, %parallel_loop3A_515] {strides = array<i32>} : memref<4x8x768xf32, #tpu.memory_space<vmem>>, vector<1x1x16xf32>,
        %parallel_loop3A_517 = vector.shape_cast %parallel_loop3A_516 : vector<1x1x16xf32> to vector<16xf32>
        %parallel_loop3A_518 = vector.shape_cast %parallel_loop3A_344 : vector<16xf32> to vector<1x1x16xf32>
        tpu.vector_store %arg7[%parallel_loop3A_513, %parallel_loop3A_514, %parallel_loop3A_515], %parallel_loop3A_518 {add = true, strides = array<i32>} : memref<4x8x768xf32, #tpu.memory_space<vmem>>, vector<1x1x16xf32>,
        %parallel_loop3A_519 = arith.constant 240 : i32
        %parallel_loop3A_520 = arith.addi %parallel_loop3A_254, %parallel_loop3A_519 : i32
        %parallel_loop3A_521 = arith.index_cast %parallel_loop3A_246 : i32 to index
        %parallel_loop3A_522 = arith.index_cast %parallel_loop3A_250 : i32 to index
        %parallel_loop3A_523 = arith.index_cast %parallel_loop3A_520 : i32 to index
        %parallel_loop3A_524 = tpu.vector_load %arg7[%parallel_loop3A_521, %parallel_loop3A_522, %parallel_loop3A_523] {strides = array<i32>} : memref<4x8x768xf32, #tpu.memory_space<vmem>>, vector<1x1x16xf32>,
        %parallel_loop3A_525 = vector.shape_cast %parallel_loop3A_524 : vector<1x1x16xf32> to vector<16xf32>
        %parallel_loop3A_526 = vector.shape_cast %parallel_loop3A_350 : vector<16xf32> to vector<1x1x16xf32>
        tpu.vector_store %arg7[%parallel_loop3A_521, %parallel_loop3A_522, %parallel_loop3A_523], %parallel_loop3A_526 {add = true, strides = array<i32>} : memref<4x8x768xf32, #tpu.memory_space<vmem>>, vector<1x1x16xf32>,
        %parallel_loop3A_527 = arith.constant 256 : i32
        %parallel_loop3A_528 = arith.addi %parallel_loop3A_254, %parallel_loop3A_527 : i32
        %parallel_loop3A_529 = arith.index_cast %parallel_loop3A_246 : i32 to index
        %parallel_loop3A_530 = arith.index_cast %parallel_loop3A_250 : i32 to index
        %parallel_loop3A_531 = arith.index_cast %parallel_loop3A_528 : i32 to index
        %parallel_loop3A_532 = tpu.vector_load %arg7[%parallel_loop3A_529, %parallel_loop3A_530, %parallel_loop3A_531] {strides = array<i32>} : memref<4x8x768xf32, #tpu.memory_space<vmem>>, vector<1x1x16xf32>,
        %parallel_loop3A_533 = vector.shape_cast %parallel_loop3A_532 : vector<1x1x16xf32> to vector<16xf32>
        %parallel_loop3A_534 = vector.shape_cast %parallel_loop3A_356 : vector<16xf32> to vector<1x1x16xf32>
        tpu.vector_store %arg7[%parallel_loop3A_529, %parallel_loop3A_530, %parallel_loop3A_531], %parallel_loop3A_534 {add = true, strides = array<i32>} : memref<4x8x768xf32, #tpu.memory_space<vmem>>, vector<1x1x16xf32>,
        %parallel_loop3A_535 = arith.constant 272 : i32
        %parallel_loop3A_536 = arith.addi %parallel_loop3A_254, %parallel_loop3A_535 : i32
        %parallel_loop3A_537 = arith.index_cast %parallel_loop3A_246 : i32 to index
        %parallel_loop3A_538 = arith.index_cast %parallel_loop3A_250 : i32 to index
        %parallel_loop3A_539 = arith.index_cast %parallel_loop3A_536 : i32 to index
        %parallel_loop3A_540 = tpu.vector_load %arg7[%parallel_loop3A_537, %parallel_loop3A_538, %parallel_loop3A_539] {strides = array<i32>} : memref<4x8x768xf32, #tpu.memory_space<vmem>>, vector<1x1x16xf32>,
        %parallel_loop3A_541 = vector.shape_cast %parallel_loop3A_540 : vector<1x1x16xf32> to vector<16xf32>
        %parallel_loop3A_542 = vector.shape_cast %parallel_loop3A_362 : vector<16xf32> to vector<1x1x16xf32>
        tpu.vector_store %arg7[%parallel_loop3A_537, %parallel_loop3A_538, %parallel_loop3A_539], %parallel_loop3A_542 {add = true, strides = array<i32>} : memref<4x8x768xf32, #tpu.memory_space<vmem>>, vector<1x1x16xf32>,
        %parallel_loop3A_543 = arith.constant 288 : i32
        %parallel_loop3A_544 = arith.addi %parallel_loop3A_254, %parallel_loop3A_543 : i32
        %parallel_loop3A_545 = arith.index_cast %parallel_loop3A_246 : i32 to index
        %parallel_loop3A_546 = arith.index_cast %parallel_loop3A_250 : i32 to index
        %parallel_loop3A_547 = arith.index_cast %parallel_loop3A_544 : i32 to index
        %parallel_loop3A_548 = tpu.vector_load %arg7[%parallel_loop3A_545, %parallel_loop3A_546, %parallel_loop3A_547] {strides = array<i32>} : memref<4x8x768xf32, #tpu.memory_space<vmem>>, vector<1x1x16xf32>,
        %parallel_loop3A_549 = vector.shape_cast %parallel_loop3A_548 : vector<1x1x16xf32> to vector<16xf32>
        %parallel_loop3A_550 = vector.shape_cast %parallel_loop3A_368 : vector<16xf32> to vector<1x1x16xf32>
        tpu.vector_store %arg7[%parallel_loop3A_545, %parallel_loop3A_546, %parallel_loop3A_547], %parallel_loop3A_550 {add = true, strides = array<i32>} : memref<4x8x768xf32, #tpu.memory_space<vmem>>, vector<1x1x16xf32>,
        %parallel_loop3A_551 = arith.constant 304 : i32
        %parallel_loop3A_552 = arith.addi %parallel_loop3A_254, %parallel_loop3A_551 : i32
        %parallel_loop3A_553 = arith.index_cast %parallel_loop3A_246 : i32 to index
        %parallel_loop3A_554 = arith.index_cast %parallel_loop3A_250 : i32 to index
        %parallel_loop3A_555 = arith.index_cast %parallel_loop3A_552 : i32 to index
        %parallel_loop3A_556 = tpu.vector_load %arg7[%parallel_loop3A_553, %parallel_loop3A_554, %parallel_loop3A_555] {strides = array<i32>} : memref<4x8x768xf32, #tpu.memory_space<vmem>>, vector<1x1x16xf32>,
        %parallel_loop3A_557 = vector.shape_cast %parallel_loop3A_556 : vector<1x1x16xf32> to vector<16xf32>
        %parallel_loop3A_558 = vector.shape_cast %parallel_loop3A_374 : vector<16xf32> to vector<1x1x16xf32>
        tpu.vector_store %arg7[%parallel_loop3A_553, %parallel_loop3A_554, %parallel_loop3A_555], %parallel_loop3A_558 {add = true, strides = array<i32>} : memref<4x8x768xf32, #tpu.memory_space<vmem>>, vector<1x1x16xf32>,
        %parallel_loop3A_559 = arith.constant 320 : i32
        %parallel_loop3A_560 = arith.addi %parallel_loop3A_254, %parallel_loop3A_559 : i32
        %parallel_loop3A_561 = arith.index_cast %parallel_loop3A_246 : i32 to index
        %parallel_loop3A_562 = arith.index_cast %parallel_loop3A_250 : i32 to index
        %parallel_loop3A_563 = arith.index_cast %parallel_loop3A_560 : i32 to index
        %parallel_loop3A_564 = tpu.vector_load %arg7[%parallel_loop3A_561, %parallel_loop3A_562, %parallel_loop3A_563] {strides = array<i32>} : memref<4x8x768xf32, #tpu.memory_space<vmem>>, vector<1x1x16xf32>,
        %parallel_loop3A_565 = vector.shape_cast %parallel_loop3A_564 : vector<1x1x16xf32> to vector<16xf32>
        %parallel_loop3A_566 = vector.shape_cast %parallel_loop3A_380 : vector<16xf32> to vector<1x1x16xf32>
        tpu.vector_store %arg7[%parallel_loop3A_561, %parallel_loop3A_562, %parallel_loop3A_563], %parallel_loop3A_566 {add = true, strides = array<i32>} : memref<4x8x768xf32, #tpu.memory_space<vmem>>, vector<1x1x16xf32>,
        %parallel_loop3A_567 = arith.constant 336 : i32
        %parallel_loop3A_568 = arith.addi %parallel_loop3A_254, %parallel_loop3A_567 : i32
        %parallel_loop3A_569 = arith.index_cast %parallel_loop3A_246 : i32 to index
        %parallel_loop3A_570 = arith.index_cast %parallel_loop3A_250 : i32 to index
        %parallel_loop3A_571 = arith.index_cast %parallel_loop3A_568 : i32 to index
        %parallel_loop3A_572 = tpu.vector_load %arg7[%parallel_loop3A_569, %parallel_loop3A_570, %parallel_loop3A_571] {strides = array<i32>} : memref<4x8x768xf32, #tpu.memory_space<vmem>>, vector<1x1x16xf32>,
        %parallel_loop3A_573 = vector.shape_cast %parallel_loop3A_572 : vector<1x1x16xf32> to vector<16xf32>
        %parallel_loop3A_574 = vector.shape_cast %parallel_loop3A_386 : vector<16xf32> to vector<1x1x16xf32>
        tpu.vector_store %arg7[%parallel_loop3A_569, %parallel_loop3A_570, %parallel_loop3A_571], %parallel_loop3A_574 {add = true, strides = array<i32>} : memref<4x8x768xf32, #tpu.memory_space<vmem>>, vector<1x1x16xf32>,
        %parallel_loop3A_575 = arith.constant 352 : i32
        %parallel_loop3A_576 = arith.addi %parallel_loop3A_254, %parallel_loop3A_575 : i32
        %parallel_loop3A_577 = arith.index_cast %parallel_loop3A_246 : i32 to index
        %parallel_loop3A_578 = arith.index_cast %parallel_loop3A_250 : i32 to index
        %parallel_loop3A_579 = arith.index_cast %parallel_loop3A_576 : i32 to index
        %parallel_loop3A_580 = tpu.vector_load %arg7[%parallel_loop3A_577, %parallel_loop3A_578, %parallel_loop3A_579] {strides = array<i32>} : memref<4x8x768xf32, #tpu.memory_space<vmem>>, vector<1x1x16xf32>,
        %parallel_loop3A_581 = vector.shape_cast %parallel_loop3A_580 : vector<1x1x16xf32> to vector<16xf32>
        %parallel_loop3A_582 = vector.shape_cast %parallel_loop3A_392 : vector<16xf32> to vector<1x1x16xf32>
        tpu.vector_store %arg7[%parallel_loop3A_577, %parallel_loop3A_578, %parallel_loop3A_579], %parallel_loop3A_582 {add = true, strides = array<i32>} : memref<4x8x768xf32, #tpu.memory_space<vmem>>, vector<1x1x16xf32>,
        %parallel_loop3A_583 = arith.constant 368 : i32
        %parallel_loop3A_584 = arith.addi %parallel_loop3A_254, %parallel_loop3A_583 : i32
        %parallel_loop3A_585 = arith.index_cast %parallel_loop3A_246 : i32 to index
        %parallel_loop3A_586 = arith.index_cast %parallel_loop3A_250 : i32 to index
        %parallel_loop3A_587 = arith.index_cast %parallel_loop3A_584 : i32 to index
        %parallel_loop3A_588 = tpu.vector_load %arg7[%parallel_loop3A_585, %parallel_loop3A_586, %parallel_loop3A_587] {strides = array<i32>} : memref<4x8x768xf32, #tpu.memory_space<vmem>>, vector<1x1x16xf32>,
        %parallel_loop3A_589 = vector.shape_cast %parallel_loop3A_588 : vector<1x1x16xf32> to vector<16xf32>
        %parallel_loop3A_590 = vector.shape_cast %parallel_loop3A_398 : vector<16xf32> to vector<1x1x16xf32>
        tpu.vector_store %arg7[%parallel_loop3A_585, %parallel_loop3A_586, %parallel_loop3A_587], %parallel_loop3A_590 {add = true, strides = array<i32>} : memref<4x8x768xf32, #tpu.memory_space<vmem>>, vector<1x1x16xf32>,
      } {sc.loop_unroll_factor = 2 : i64, sc.parallel_access}
      %mul3A_184 = arith.constant 8 : i32
      %mul3A_185 = arith.muli %add3A_145, %mul3A_184 : i32
      %add3A_186 = arith.addi %mul3A_2, %mul3A_185 : i32
      %dma_start3A_187 = arith.constant 0 : i32
      %dma_start3A_188 = arith.constant 0 : i32
      %dma_start3A_189 = tpu.memref_slice %arg4[%dma_start3A_187, %add3A_186, %dma_start3A_188] : memref<4x8192x768xf32, #tpu.memory_space<hbm>> -> memref<4x8x768xf32, #tpu.memory_space<hbm>>
      %dma_start3A_190 = arith.constant 0 : i32
      %dma_start3A_191 = arith.constant 0 : i32
      %dma_start3A_192 = tpu.memref_slice %arg4[%dma_start3A_190, %add3A_186, %dma_start3A_191] : memref<4x8192x768xf32, #tpu.memory_space<hbm>> -> memref<4x8x768xf32, #tpu.memory_space<hbm>>
      tpu.enqueue_dma source(%arg7 : memref<4x8x768xf32, #tpu.memory_space<vmem>>) target(%dma_start3A_192 : memref<4x8x768xf32, #tpu.memory_space<hbm>>) target_semaphore(%arg19 : memref<!tpu.dma_semaphore, #tpu.memory_space<semaphore_mem>>)
      %mul3A_193 = arith.constant 4 : i32
      %mul3A_194 = arith.muli %mul3A_193, %scan3A_44 : i32
      %add3A_195 = arith.constant 3 : i32
      %add3A_196 = arith.addi %mul3A_194, %add3A_195 : i32
      %add3A_197 = arith.constant 1 : i32
      %add3A_198 = arith.addi %add3A_196, %add3A_197 : i32
      %lt3A_199 = arith.constant 32 : i32
      %lt3A_200 = arith.cmpi slt, %add3A_198, %lt3A_199 : i32
      %convert_element_type3A_201 = arith.extui %lt3A_200 : i1 to i32
      %cond3A_202 = arith.constant 0 : i32
      %cond3A_203 = arith.cmpi ne, %convert_element_type3A_201, %cond3A_202 : i32
      scf.if %cond3A_203 {
        %add3A_244 = arith.constant 1 : i32
        %add3A_245 = arith.addi %add3A_196, %add3A_244 : i32
        %mul3A_246 = arith.constant 8 : i32
        %mul3A_247 = arith.muli %add3A_245, %mul3A_246 : i32
        %add3A_248 = arith.addi %mul3A_2, %mul3A_247 : i32
        %dma_start3A_249 = arith.constant 0 : i32
        %dma_start3A_250 = tpu.memref_slice %arg3[%add3A_248, %dma_start3A_249] : memref<8192x768xf32, #tpu.memory_space<hbm>> -> memref<8x768xf32, #tpu.memory_space<hbm>>
        %dma_start3A_251 = arith.constant 0 : i32
        %dma_start3A_252 = tpu.memref_slice %arg3[%add3A_248, %dma_start3A_251] : memref<8192x768xf32, #tpu.memory_space<hbm>> -> memref<8x768xf32, #tpu.memory_space<hbm>>
        tpu.enqueue_dma source(%dma_start3A_252 : memref<8x768xf32, #tpu.memory_space<hbm>>) target(%arg9 : memref<8x768xf32, #tpu.memory_space<vmem>>) target_semaphore(%arg15 : memref<!tpu.dma_semaphore, #tpu.memory_space<semaphore_mem>>)
      } else {
      }
      %mul3A_204 = arith.constant 8 : i32
      %mul3A_205 = arith.muli %add3A_196, %mul3A_204 : i32
      %add3A_206 = arith.addi %mul3A_2, %mul3A_205 : i32
      %dma_wait3A_207 = arith.constant 0 : i32
      %dma_wait3A_208 = tpu.memref_slice %arg3[%add3A_206, %dma_wait3A_207] : memref<8192x768xf32, #tpu.memory_space<hbm>> -> memref<8x768xf32, #tpu.memory_space<hbm>>
      %dma_wait3A_209 = arith.constant 0 : i32
      %dma_wait3A_210 = tpu.memref_slice %arg3[%add3A_206, %dma_wait3A_209] : memref<8192x768xf32, #tpu.memory_space<hbm>> -> memref<8x768xf32, #tpu.memory_space<hbm>>
      tpu.wait_dma2 semaphore(%arg16 : memref<!tpu.dma_semaphore, #tpu.memory_space<semaphore_mem>>) src(%dma_wait3A_210 : memref<8x768xf32, #tpu.memory_space<hbm>>) dst(%arg10 : memref<8x768xf32, #tpu.memory_space<vmem>>)
      %ge3A_211 = arith.constant 2 : i32
      %ge3A_212 = arith.cmpi sge, %add3A_196, %ge3A_211 : i32
      %convert_element_type3A_213 = arith.extui %ge3A_212 : i1 to i32
      %cond3A_214 = arith.constant 0 : i32
      %cond3A_215 = arith.cmpi ne, %convert_element_type3A_213, %cond3A_214 : i32
      scf.if %cond3A_215 {
        %sub3A = arith.constant 2 : i32
        %sub3A_244 = arith.subi %add3A_196, %sub3A : i32
        %mul3A_245 = arith.constant 8 : i32
        %mul3A_246 = arith.muli %sub3A_244, %mul3A_245 : i32
        %add3A_247 = arith.addi %mul3A_2, %mul3A_246 : i32
        %dma_wait3A_248 = arith.constant 0 : i32
        %dma_wait3A_249 = arith.constant 0 : i32
        %dma_wait3A_250 = tpu.memref_slice %arg4[%dma_wait3A_248, %add3A_247, %dma_wait3A_249] : memref<4x8192x768xf32, #tpu.memory_space<hbm>> -> memref<4x8x768xf32, #tpu.memory_space<hbm>>
        %dma_wait3A_251 = arith.constant 0 : i32
        %dma_wait3A_252 = arith.constant 0 : i32
        %dma_wait3A_253 = tpu.memref_slice %arg4[%dma_wait3A_251, %add3A_247, %dma_wait3A_252] : memref<4x8192x768xf32, #tpu.memory_space<hbm>> -> memref<4x8x768xf32, #tpu.memory_space<hbm>>
        tpu.wait_dma2 semaphore(%arg18 : memref<!tpu.dma_semaphore, #tpu.memory_space<semaphore_mem>>) src(%arg6 : memref<4x8x768xf32, #tpu.memory_space<vmem>>) dst(%dma_wait3A_253 : memref<4x8x768xf32, #tpu.memory_space<hbm>>)
      } else {
      }
      %add3A_216 = arith.constant 2 : i32
      %add3A_217 = arith.addi %add3A_196, %add3A_216 : i32
      %lt3A_218 = arith.constant 32 : i32
      %lt3A_219 = arith.cmpi slt, %add3A_217, %lt3A_218 : i32
      %convert_element_type3A_220 = arith.extui %lt3A_219 : i1 to i32
      %cond3A_221 = arith.constant 0 : i32
      %cond3A_222 = arith.cmpi ne, %convert_element_type3A_220, %cond3A_221 : i32
      scf.if %cond3A_222 {
        %add3A_244 = arith.constant 2 : i32
        %add3A_245 = arith.addi %add3A_196, %add3A_244 : i32
        %mul3A_246 = arith.constant 8 : i32
        %mul3A_247 = arith.muli %add3A_245, %mul3A_246 : i32
        %add3A_248 = arith.addi %mul3A_2, %mul3A_247 : i32
        %dma_start3A_249 = arith.constant 0 : i32
        %dma_start3A_250 = arith.constant 0 : i32
        %dma_start3A_251 = tpu.memref_slice %arg2[%dma_start3A_249, %add3A_248, %dma_start3A_250] : memref<4x8192x768xf32, #tpu.memory_space<hbm>> -> memref<4x8x768xf32, #tpu.memory_space<hbm>>
        %dma_start3A_252 = arith.constant 0 : i32
        %dma_start3A_253 = arith.constant 0 : i32
        %dma_start3A_254 = tpu.memref_slice %arg2[%dma_start3A_252, %add3A_248, %dma_start3A_253] : memref<4x8192x768xf32, #tpu.memory_space<hbm>> -> memref<4x8x768xf32, #tpu.memory_space<hbm>>
        tpu.enqueue_dma source(%dma_start3A_254 : memref<4x8x768xf32, #tpu.memory_space<hbm>>) target(%arg6 : memref<4x8x768xf32, #tpu.memory_space<vmem>>) target_semaphore(%arg12 : memref<!tpu.dma_semaphore, #tpu.memory_space<semaphore_mem>>)
      } else {
      }
      %mul3A_223 = arith.constant 8 : i32
      %mul3A_224 = arith.muli %add3A_196, %mul3A_223 : i32
      %add3A_225 = arith.addi %mul3A_2, %mul3A_224 : i32
      %dma_wait3A_226 = arith.constant 0 : i32
      %dma_wait3A_227 = arith.constant 0 : i32
      %dma_wait3A_228 = tpu.memref_slice %arg2[%dma_wait3A_226, %add3A_225, %dma_wait3A_227] : memref<4x8192x768xf32, #tpu.memory_space<hbm>> -> memref<4x8x768xf32, #tpu.memory_space<hbm>>
      %dma_wait3A_229 = arith.constant 0 : i32
      %dma_wait3A_230 = arith.constant 0 : i32
      %dma_wait3A_231 = tpu.memref_slice %arg2[%dma_wait3A_229, %add3A_225, %dma_wait3A_230] : memref<4x8192x768xf32, #tpu.memory_space<hbm>> -> memref<4x8x768xf32, #tpu.memory_space<hbm>>
      tpu.wait_dma2 semaphore(%arg14 : memref<!tpu.dma_semaphore, #tpu.memory_space<semaphore_mem>>) src(%dma_wait3A_231 : memref<4x8x768xf32, #tpu.memory_space<hbm>>) dst(%arg8 : memref<4x8x768xf32, #tpu.memory_space<vmem>>)
      %parallel_loop3A_232 = arith.constant 0 : i32
      %parallel_loop3A_233 = arith.constant 64 : i32
      %parallel_loop3A_234 = arith.constant 1 : i32
      scf.for %parallel_loop3A_244 = %parallel_loop3A_232 to %parallel_loop3A_233 step %parallel_loop3A_234  : i32 {
        %parallel_loop3A_245 = arith.constant 4 : i32
        %parallel_loop3A_246 = arith.shrsi %parallel_loop3A_244, %parallel_loop3A_245 : i32
        %parallel_loop3A_247 = arith.constant 15 : i32
        %parallel_loop3A_248 = arith.andi %parallel_loop3A_244, %parallel_loop3A_247 : i32
        %parallel_loop3A_249 = arith.constant 1 : i32
        %parallel_loop3A_250 = arith.shrsi %parallel_loop3A_248, %parallel_loop3A_249 : i32
        %parallel_loop3A_251 = arith.constant 1 : i32
        %parallel_loop3A_252 = arith.andi %parallel_loop3A_248, %parallel_loop3A_251 : i32
        %parallel_loop3A_253 = arith.constant 384 : i32
        %parallel_loop3A_254 = arith.muli %parallel_loop3A_252, %parallel_loop3A_253 : i32
        %parallel_loop3A_255 = arith.constant 0 : i32
        %parallel_loop3A_256 = arith.addi %parallel_loop3A_254, %parallel_loop3A_255 : i32
        %parallel_loop3A_257 = arith.index_cast %parallel_loop3A_250 : i32 to index
        %parallel_loop3A_258 = arith.index_cast %parallel_loop3A_256 : i32 to index
        %parallel_loop3A_259 = tpu.vector_load %arg10[%parallel_loop3A_257, %parallel_loop3A_258] {strides = array<i32>} : memref<8x768xf32, #tpu.memory_space<vmem>>, vector<1x16xf32>,
        %parallel_loop3A_260 = vector.shape_cast %parallel_loop3A_259 : vector<1x16xf32> to vector<16xf32>
        %parallel_loop3A_261 = arith.constant 16 : i32
        %parallel_loop3A_262 = arith.addi %parallel_loop3A_254, %parallel_loop3A_261 : i32
        %parallel_loop3A_263 = arith.index_cast %parallel_loop3A_250 : i32 to index
        %parallel_loop3A_264 = arith.index_cast %parallel_loop3A_262 : i32 to index
        %parallel_loop3A_265 = tpu.vector_load %arg10[%parallel_loop3A_263, %parallel_loop3A_264] {strides = array<i32>} : memref<8x768xf32, #tpu.memory_space<vmem>>, vector<1x16xf32>,
        %parallel_loop3A_266 = vector.shape_cast %parallel_loop3A_265 : vector<1x16xf32> to vector<16xf32>
        %parallel_loop3A_267 = arith.constant 32 : i32
        %parallel_loop3A_268 = arith.addi %parallel_loop3A_254, %parallel_loop3A_267 : i32
        %parallel_loop3A_269 = arith.index_cast %parallel_loop3A_250 : i32 to index
        %parallel_loop3A_270 = arith.index_cast %parallel_loop3A_268 : i32 to index
        %parallel_loop3A_271 = tpu.vector_load %arg10[%parallel_loop3A_269, %parallel_loop3A_270] {strides = array<i32>} : memref<8x768xf32, #tpu.memory_space<vmem>>, vector<1x16xf32>,
        %parallel_loop3A_272 = vector.shape_cast %parallel_loop3A_271 : vector<1x16xf32> to vector<16xf32>
        %parallel_loop3A_273 = arith.constant 48 : i32
        %parallel_loop3A_274 = arith.addi %parallel_loop3A_254, %parallel_loop3A_273 : i32
        %parallel_loop3A_275 = arith.index_cast %parallel_loop3A_250 : i32 to index
        %parallel_loop3A_276 = arith.index_cast %parallel_loop3A_274 : i32 to index
        %parallel_loop3A_277 = tpu.vector_load %arg10[%parallel_loop3A_275, %parallel_loop3A_276] {strides = array<i32>} : memref<8x768xf32, #tpu.memory_space<vmem>>, vector<1x16xf32>,
        %parallel_loop3A_278 = vector.shape_cast %parallel_loop3A_277 : vector<1x16xf32> to vector<16xf32>
        %parallel_loop3A_279 = arith.constant 64 : i32
        %parallel_loop3A_280 = arith.addi %parallel_loop3A_254, %parallel_loop3A_279 : i32
        %parallel_loop3A_281 = arith.index_cast %parallel_loop3A_250 : i32 to index
        %parallel_loop3A_282 = arith.index_cast %parallel_loop3A_280 : i32 to index
        %parallel_loop3A_283 = tpu.vector_load %arg10[%parallel_loop3A_281, %parallel_loop3A_282] {strides = array<i32>} : memref<8x768xf32, #tpu.memory_space<vmem>>, vector<1x16xf32>,
        %parallel_loop3A_284 = vector.shape_cast %parallel_loop3A_283 : vector<1x16xf32> to vector<16xf32>
        %parallel_loop3A_285 = arith.constant 80 : i32
        %parallel_loop3A_286 = arith.addi %parallel_loop3A_254, %parallel_loop3A_285 : i32
        %parallel_loop3A_287 = arith.index_cast %parallel_loop3A_250 : i32 to index
        %parallel_loop3A_288 = arith.index_cast %parallel_loop3A_286 : i32 to index
        %parallel_loop3A_289 = tpu.vector_load %arg10[%parallel_loop3A_287, %parallel_loop3A_288] {strides = array<i32>} : memref<8x768xf32, #tpu.memory_space<vmem>>, vector<1x16xf32>,
        %parallel_loop3A_290 = vector.shape_cast %parallel_loop3A_289 : vector<1x16xf32> to vector<16xf32>
        %parallel_loop3A_291 = arith.constant 96 : i32
        %parallel_loop3A_292 = arith.addi %parallel_loop3A_254, %parallel_loop3A_291 : i32
        %parallel_loop3A_293 = arith.index_cast %parallel_loop3A_250 : i32 to index
        %parallel_loop3A_294 = arith.index_cast %parallel_loop3A_292 : i32 to index
        %parallel_loop3A_295 = tpu.vector_load %arg10[%parallel_loop3A_293, %parallel_loop3A_294] {strides = array<i32>} : memref<8x768xf32, #tpu.memory_space<vmem>>, vector<1x16xf32>,
        %parallel_loop3A_296 = vector.shape_cast %parallel_loop3A_295 : vector<1x16xf32> to vector<16xf32>
        %parallel_loop3A_297 = arith.constant 112 : i32
        %parallel_loop3A_298 = arith.addi %parallel_loop3A_254, %parallel_loop3A_297 : i32
        %parallel_loop3A_299 = arith.index_cast %parallel_loop3A_250 : i32 to index
        %parallel_loop3A_300 = arith.index_cast %parallel_loop3A_298 : i32 to index
        %parallel_loop3A_301 = tpu.vector_load %arg10[%parallel_loop3A_299, %parallel_loop3A_300] {strides = array<i32>} : memref<8x768xf32, #tpu.memory_space<vmem>>, vector<1x16xf32>,
        %parallel_loop3A_302 = vector.shape_cast %parallel_loop3A_301 : vector<1x16xf32> to vector<16xf32>
        %parallel_loop3A_303 = arith.constant 128 : i32
        %parallel_loop3A_304 = arith.addi %parallel_loop3A_254, %parallel_loop3A_303 : i32
        %parallel_loop3A_305 = arith.index_cast %parallel_loop3A_250 : i32 to index
        %parallel_loop3A_306 = arith.index_cast %parallel_loop3A_304 : i32 to index
        %parallel_loop3A_307 = tpu.vector_load %arg10[%parallel_loop3A_305, %parallel_loop3A_306] {strides = array<i32>} : memref<8x768xf32, #tpu.memory_space<vmem>>, vector<1x16xf32>,
        %parallel_loop3A_308 = vector.shape_cast %parallel_loop3A_307 : vector<1x16xf32> to vector<16xf32>
        %parallel_loop3A_309 = arith.constant 144 : i32
        %parallel_loop3A_310 = arith.addi %parallel_loop3A_254, %parallel_loop3A_309 : i32
        %parallel_loop3A_311 = arith.index_cast %parallel_loop3A_250 : i32 to index
        %parallel_loop3A_312 = arith.index_cast %parallel_loop3A_310 : i32 to index
        %parallel_loop3A_313 = tpu.vector_load %arg10[%parallel_loop3A_311, %parallel_loop3A_312] {strides = array<i32>} : memref<8x768xf32, #tpu.memory_space<vmem>>, vector<1x16xf32>,
        %parallel_loop3A_314 = vector.shape_cast %parallel_loop3A_313 : vector<1x16xf32> to vector<16xf32>
        %parallel_loop3A_315 = arith.constant 160 : i32
        %parallel_loop3A_316 = arith.addi %parallel_loop3A_254, %parallel_loop3A_315 : i32
        %parallel_loop3A_317 = arith.index_cast %parallel_loop3A_250 : i32 to index
        %parallel_loop3A_318 = arith.index_cast %parallel_loop3A_316 : i32 to index
        %parallel_loop3A_319 = tpu.vector_load %arg10[%parallel_loop3A_317, %parallel_loop3A_318] {strides = array<i32>} : memref<8x768xf32, #tpu.memory_space<vmem>>, vector<1x16xf32>,
        %parallel_loop3A_320 = vector.shape_cast %parallel_loop3A_319 : vector<1x16xf32> to vector<16xf32>
        %parallel_loop3A_321 = arith.constant 176 : i32
        %parallel_loop3A_322 = arith.addi %parallel_loop3A_254, %parallel_loop3A_321 : i32
        %parallel_loop3A_323 = arith.index_cast %parallel_loop3A_250 : i32 to index
        %parallel_loop3A_324 = arith.index_cast %parallel_loop3A_322 : i32 to index
        %parallel_loop3A_325 = tpu.vector_load %arg10[%parallel_loop3A_323, %parallel_loop3A_324] {strides = array<i32>} : memref<8x768xf32, #tpu.memory_space<vmem>>, vector<1x16xf32>,
        %parallel_loop3A_326 = vector.shape_cast %parallel_loop3A_325 : vector<1x16xf32> to vector<16xf32>
        %parallel_loop3A_327 = arith.constant 192 : i32
        %parallel_loop3A_328 = arith.addi %parallel_loop3A_254, %parallel_loop3A_327 : i32
        %parallel_loop3A_329 = arith.index_cast %parallel_loop3A_250 : i32 to index
        %parallel_loop3A_330 = arith.index_cast %parallel_loop3A_328 : i32 to index
        %parallel_loop3A_331 = tpu.vector_load %arg10[%parallel_loop3A_329, %parallel_loop3A_330] {strides = array<i32>} : memref<8x768xf32, #tpu.memory_space<vmem>>, vector<1x16xf32>,
        %parallel_loop3A_332 = vector.shape_cast %parallel_loop3A_331 : vector<1x16xf32> to vector<16xf32>
        %parallel_loop3A_333 = arith.constant 208 : i32
        %parallel_loop3A_334 = arith.addi %parallel_loop3A_254, %parallel_loop3A_333 : i32
        %parallel_loop3A_335 = arith.index_cast %parallel_loop3A_250 : i32 to index
        %parallel_loop3A_336 = arith.index_cast %parallel_loop3A_334 : i32 to index
        %parallel_loop3A_337 = tpu.vector_load %arg10[%parallel_loop3A_335, %parallel_loop3A_336] {strides = array<i32>} : memref<8x768xf32, #tpu.memory_space<vmem>>, vector<1x16xf32>,
        %parallel_loop3A_338 = vector.shape_cast %parallel_loop3A_337 : vector<1x16xf32> to vector<16xf32>
        %parallel_loop3A_339 = arith.constant 224 : i32
        %parallel_loop3A_340 = arith.addi %parallel_loop3A_254, %parallel_loop3A_339 : i32
        %parallel_loop3A_341 = arith.index_cast %parallel_loop3A_250 : i32 to index
        %parallel_loop3A_342 = arith.index_cast %parallel_loop3A_340 : i32 to index
        %parallel_loop3A_343 = tpu.vector_load %arg10[%parallel_loop3A_341, %parallel_loop3A_342] {strides = array<i32>} : memref<8x768xf32, #tpu.memory_space<vmem>>, vector<1x16xf32>,
        %parallel_loop3A_344 = vector.shape_cast %parallel_loop3A_343 : vector<1x16xf32> to vector<16xf32>
        %parallel_loop3A_345 = arith.constant 240 : i32
        %parallel_loop3A_346 = arith.addi %parallel_loop3A_254, %parallel_loop3A_345 : i32
        %parallel_loop3A_347 = arith.index_cast %parallel_loop3A_250 : i32 to index
        %parallel_loop3A_348 = arith.index_cast %parallel_loop3A_346 : i32 to index
        %parallel_loop3A_349 = tpu.vector_load %arg10[%parallel_loop3A_347, %parallel_loop3A_348] {strides = array<i32>} : memref<8x768xf32, #tpu.memory_space<vmem>>, vector<1x16xf32>,
        %parallel_loop3A_350 = vector.shape_cast %parallel_loop3A_349 : vector<1x16xf32> to vector<16xf32>
        %parallel_loop3A_351 = arith.constant 256 : i32
        %parallel_loop3A_352 = arith.addi %parallel_loop3A_254, %parallel_loop3A_351 : i32
        %parallel_loop3A_353 = arith.index_cast %parallel_loop3A_250 : i32 to index
        %parallel_loop3A_354 = arith.index_cast %parallel_loop3A_352 : i32 to index
        %parallel_loop3A_355 = tpu.vector_load %arg10[%parallel_loop3A_353, %parallel_loop3A_354] {strides = array<i32>} : memref<8x768xf32, #tpu.memory_space<vmem>>, vector<1x16xf32>,
        %parallel_loop3A_356 = vector.shape_cast %parallel_loop3A_355 : vector<1x16xf32> to vector<16xf32>
        %parallel_loop3A_357 = arith.constant 272 : i32
        %parallel_loop3A_358 = arith.addi %parallel_loop3A_254, %parallel_loop3A_357 : i32
        %parallel_loop3A_359 = arith.index_cast %parallel_loop3A_250 : i32 to index
        %parallel_loop3A_360 = arith.index_cast %parallel_loop3A_358 : i32 to index
        %parallel_loop3A_361 = tpu.vector_load %arg10[%parallel_loop3A_359, %parallel_loop3A_360] {strides = array<i32>} : memref<8x768xf32, #tpu.memory_space<vmem>>, vector<1x16xf32>,
        %parallel_loop3A_362 = vector.shape_cast %parallel_loop3A_361 : vector<1x16xf32> to vector<16xf32>
        %parallel_loop3A_363 = arith.constant 288 : i32
        %parallel_loop3A_364 = arith.addi %parallel_loop3A_254, %parallel_loop3A_363 : i32
        %parallel_loop3A_365 = arith.index_cast %parallel_loop3A_250 : i32 to index
        %parallel_loop3A_366 = arith.index_cast %parallel_loop3A_364 : i32 to index
        %parallel_loop3A_367 = tpu.vector_load %arg10[%parallel_loop3A_365, %parallel_loop3A_366] {strides = array<i32>} : memref<8x768xf32, #tpu.memory_space<vmem>>, vector<1x16xf32>,
        %parallel_loop3A_368 = vector.shape_cast %parallel_loop3A_367 : vector<1x16xf32> to vector<16xf32>
        %parallel_loop3A_369 = arith.constant 304 : i32
        %parallel_loop3A_370 = arith.addi %parallel_loop3A_254, %parallel_loop3A_369 : i32
        %parallel_loop3A_371 = arith.index_cast %parallel_loop3A_250 : i32 to index
        %parallel_loop3A_372 = arith.index_cast %parallel_loop3A_370 : i32 to index
        %parallel_loop3A_373 = tpu.vector_load %arg10[%parallel_loop3A_371, %parallel_loop3A_372] {strides = array<i32>} : memref<8x768xf32, #tpu.memory_space<vmem>>, vector<1x16xf32>,
        %parallel_loop3A_374 = vector.shape_cast %parallel_loop3A_373 : vector<1x16xf32> to vector<16xf32>
        %parallel_loop3A_375 = arith.constant 320 : i32
        %parallel_loop3A_376 = arith.addi %parallel_loop3A_254, %parallel_loop3A_375 : i32
        %parallel_loop3A_377 = arith.index_cast %parallel_loop3A_250 : i32 to index
        %parallel_loop3A_378 = arith.index_cast %parallel_loop3A_376 : i32 to index
        %parallel_loop3A_379 = tpu.vector_load %arg10[%parallel_loop3A_377, %parallel_loop3A_378] {strides = array<i32>} : memref<8x768xf32, #tpu.memory_space<vmem>>, vector<1x16xf32>,
        %parallel_loop3A_380 = vector.shape_cast %parallel_loop3A_379 : vector<1x16xf32> to vector<16xf32>
        %parallel_loop3A_381 = arith.constant 336 : i32
        %parallel_loop3A_382 = arith.addi %parallel_loop3A_254, %parallel_loop3A_381 : i32
        %parallel_loop3A_383 = arith.index_cast %parallel_loop3A_250 : i32 to index
        %parallel_loop3A_384 = arith.index_cast %parallel_loop3A_382 : i32 to index
        %parallel_loop3A_385 = tpu.vector_load %arg10[%parallel_loop3A_383, %parallel_loop3A_384] {strides = array<i32>} : memref<8x768xf32, #tpu.memory_space<vmem>>, vector<1x16xf32>,
        %parallel_loop3A_386 = vector.shape_cast %parallel_loop3A_385 : vector<1x16xf32> to vector<16xf32>
        %parallel_loop3A_387 = arith.constant 352 : i32
        %parallel_loop3A_388 = arith.addi %parallel_loop3A_254, %parallel_loop3A_387 : i32
        %parallel_loop3A_389 = arith.index_cast %parallel_loop3A_250 : i32 to index
        %parallel_loop3A_390 = arith.index_cast %parallel_loop3A_388 : i32 to index
        %parallel_loop3A_391 = tpu.vector_load %arg10[%parallel_loop3A_389, %parallel_loop3A_390] {strides = array<i32>} : memref<8x768xf32, #tpu.memory_space<vmem>>, vector<1x16xf32>,
        %parallel_loop3A_392 = vector.shape_cast %parallel_loop3A_391 : vector<1x16xf32> to vector<16xf32>
        %parallel_loop3A_393 = arith.constant 368 : i32
        %parallel_loop3A_394 = arith.addi %parallel_loop3A_254, %parallel_loop3A_393 : i32
        %parallel_loop3A_395 = arith.index_cast %parallel_loop3A_250 : i32 to index
        %parallel_loop3A_396 = arith.index_cast %parallel_loop3A_394 : i32 to index
        %parallel_loop3A_397 = tpu.vector_load %arg10[%parallel_loop3A_395, %parallel_loop3A_396] {strides = array<i32>} : memref<8x768xf32, #tpu.memory_space<vmem>>, vector<1x16xf32>,
        %parallel_loop3A_398 = vector.shape_cast %parallel_loop3A_397 : vector<1x16xf32> to vector<16xf32>
        %parallel_loop3A_399 = arith.constant 0 : i32
        %parallel_loop3A_400 = arith.addi %parallel_loop3A_254, %parallel_loop3A_399 : i32
        %parallel_loop3A_401 = arith.index_cast %parallel_loop3A_246 : i32 to index
        %parallel_loop3A_402 = arith.index_cast %parallel_loop3A_250 : i32 to index
        %parallel_loop3A_403 = arith.index_cast %parallel_loop3A_400 : i32 to index
        %parallel_loop3A_404 = tpu.vector_load %arg8[%parallel_loop3A_401, %parallel_loop3A_402, %parallel_loop3A_403] {strides = array<i32>} : memref<4x8x768xf32, #tpu.memory_space<vmem>>, vector<1x1x16xf32>,
        %parallel_loop3A_405 = vector.shape_cast %parallel_loop3A_404 : vector<1x1x16xf32> to vector<16xf32>
        %parallel_loop3A_406 = vector.shape_cast %parallel_loop3A_260 : vector<16xf32> to vector<1x1x16xf32>
        tpu.vector_store %arg8[%parallel_loop3A_401, %parallel_loop3A_402, %parallel_loop3A_403], %parallel_loop3A_406 {add = true, strides = array<i32>} : memref<4x8x768xf32, #tpu.memory_space<vmem>>, vector<1x1x16xf32>,
        %parallel_loop3A_407 = arith.constant 16 : i32
        %parallel_loop3A_408 = arith.addi %parallel_loop3A_254, %parallel_loop3A_407 : i32
        %parallel_loop3A_409 = arith.index_cast %parallel_loop3A_246 : i32 to index
        %parallel_loop3A_410 = arith.index_cast %parallel_loop3A_250 : i32 to index
        %parallel_loop3A_411 = arith.index_cast %parallel_loop3A_408 : i32 to index
        %parallel_loop3A_412 = tpu.vector_load %arg8[%parallel_loop3A_409, %parallel_loop3A_410, %parallel_loop3A_411] {strides = array<i32>} : memref<4x8x768xf32, #tpu.memory_space<vmem>>, vector<1x1x16xf32>,
        %parallel_loop3A_413 = vector.shape_cast %parallel_loop3A_412 : vector<1x1x16xf32> to vector<16xf32>
        %parallel_loop3A_414 = vector.shape_cast %parallel_loop3A_266 : vector<16xf32> to vector<1x1x16xf32>
        tpu.vector_store %arg8[%parallel_loop3A_409, %parallel_loop3A_410, %parallel_loop3A_411], %parallel_loop3A_414 {add = true, strides = array<i32>} : memref<4x8x768xf32, #tpu.memory_space<vmem>>, vector<1x1x16xf32>,
        %parallel_loop3A_415 = arith.constant 32 : i32
        %parallel_loop3A_416 = arith.addi %parallel_loop3A_254, %parallel_loop3A_415 : i32
        %parallel_loop3A_417 = arith.index_cast %parallel_loop3A_246 : i32 to index
        %parallel_loop3A_418 = arith.index_cast %parallel_loop3A_250 : i32 to index
        %parallel_loop3A_419 = arith.index_cast %parallel_loop3A_416 : i32 to index
        %parallel_loop3A_420 = tpu.vector_load %arg8[%parallel_loop3A_417, %parallel_loop3A_418, %parallel_loop3A_419] {strides = array<i32>} : memref<4x8x768xf32, #tpu.memory_space<vmem>>, vector<1x1x16xf32>,
        %parallel_loop3A_421 = vector.shape_cast %parallel_loop3A_420 : vector<1x1x16xf32> to vector<16xf32>
        %parallel_loop3A_422 = vector.shape_cast %parallel_loop3A_272 : vector<16xf32> to vector<1x1x16xf32>
        tpu.vector_store %arg8[%parallel_loop3A_417, %parallel_loop3A_418, %parallel_loop3A_419], %parallel_loop3A_422 {add = true, strides = array<i32>} : memref<4x8x768xf32, #tpu.memory_space<vmem>>, vector<1x1x16xf32>,
        %parallel_loop3A_423 = arith.constant 48 : i32
        %parallel_loop3A_424 = arith.addi %parallel_loop3A_254, %parallel_loop3A_423 : i32
        %parallel_loop3A_425 = arith.index_cast %parallel_loop3A_246 : i32 to index
        %parallel_loop3A_426 = arith.index_cast %parallel_loop3A_250 : i32 to index
        %parallel_loop3A_427 = arith.index_cast %parallel_loop3A_424 : i32 to index
        %parallel_loop3A_428 = tpu.vector_load %arg8[%parallel_loop3A_425, %parallel_loop3A_426, %parallel_loop3A_427] {strides = array<i32>} : memref<4x8x768xf32, #tpu.memory_space<vmem>>, vector<1x1x16xf32>,
        %parallel_loop3A_429 = vector.shape_cast %parallel_loop3A_428 : vector<1x1x16xf32> to vector<16xf32>
        %parallel_loop3A_430 = vector.shape_cast %parallel_loop3A_278 : vector<16xf32> to vector<1x1x16xf32>
        tpu.vector_store %arg8[%parallel_loop3A_425, %parallel_loop3A_426, %parallel_loop3A_427], %parallel_loop3A_430 {add = true, strides = array<i32>} : memref<4x8x768xf32, #tpu.memory_space<vmem>>, vector<1x1x16xf32>,
        %parallel_loop3A_431 = arith.constant 64 : i32
        %parallel_loop3A_432 = arith.addi %parallel_loop3A_254, %parallel_loop3A_431 : i32
        %parallel_loop3A_433 = arith.index_cast %parallel_loop3A_246 : i32 to index
        %parallel_loop3A_434 = arith.index_cast %parallel_loop3A_250 : i32 to index
        %parallel_loop3A_435 = arith.index_cast %parallel_loop3A_432 : i32 to index
        %parallel_loop3A_436 = tpu.vector_load %arg8[%parallel_loop3A_433, %parallel_loop3A_434, %parallel_loop3A_435] {strides = array<i32>} : memref<4x8x768xf32, #tpu.memory_space<vmem>>, vector<1x1x16xf32>,
        %parallel_loop3A_437 = vector.shape_cast %parallel_loop3A_436 : vector<1x1x16xf32> to vector<16xf32>
        %parallel_loop3A_438 = vector.shape_cast %parallel_loop3A_284 : vector<16xf32> to vector<1x1x16xf32>
        tpu.vector_store %arg8[%parallel_loop3A_433, %parallel_loop3A_434, %parallel_loop3A_435], %parallel_loop3A_438 {add = true, strides = array<i32>} : memref<4x8x768xf32, #tpu.memory_space<vmem>>, vector<1x1x16xf32>,
        %parallel_loop3A_439 = arith.constant 80 : i32
        %parallel_loop3A_440 = arith.addi %parallel_loop3A_254, %parallel_loop3A_439 : i32
        %parallel_loop3A_441 = arith.index_cast %parallel_loop3A_246 : i32 to index
        %parallel_loop3A_442 = arith.index_cast %parallel_loop3A_250 : i32 to index
        %parallel_loop3A_443 = arith.index_cast %parallel_loop3A_440 : i32 to index
        %parallel_loop3A_444 = tpu.vector_load %arg8[%parallel_loop3A_441, %parallel_loop3A_442, %parallel_loop3A_443] {strides = array<i32>} : memref<4x8x768xf32, #tpu.memory_space<vmem>>, vector<1x1x16xf32>,
        %parallel_loop3A_445 = vector.shape_cast %parallel_loop3A_444 : vector<1x1x16xf32> to vector<16xf32>
        %parallel_loop3A_446 = vector.shape_cast %parallel_loop3A_290 : vector<16xf32> to vector<1x1x16xf32>
        tpu.vector_store %arg8[%parallel_loop3A_441, %parallel_loop3A_442, %parallel_loop3A_443], %parallel_loop3A_446 {add = true, strides = array<i32>} : memref<4x8x768xf32, #tpu.memory_space<vmem>>, vector<1x1x16xf32>,
        %parallel_loop3A_447 = arith.constant 96 : i32
        %parallel_loop3A_448 = arith.addi %parallel_loop3A_254, %parallel_loop3A_447 : i32
        %parallel_loop3A_449 = arith.index_cast %parallel_loop3A_246 : i32 to index
        %parallel_loop3A_450 = arith.index_cast %parallel_loop3A_250 : i32 to index
        %parallel_loop3A_451 = arith.index_cast %parallel_loop3A_448 : i32 to index
        %parallel_loop3A_452 = tpu.vector_load %arg8[%parallel_loop3A_449, %parallel_loop3A_450, %parallel_loop3A_451] {strides = array<i32>} : memref<4x8x768xf32, #tpu.memory_space<vmem>>, vector<1x1x16xf32>,
        %parallel_loop3A_453 = vector.shape_cast %parallel_loop3A_452 : vector<1x1x16xf32> to vector<16xf32>
        %parallel_loop3A_454 = vector.shape_cast %parallel_loop3A_296 : vector<16xf32> to vector<1x1x16xf32>
        tpu.vector_store %arg8[%parallel_loop3A_449, %parallel_loop3A_450, %parallel_loop3A_451], %parallel_loop3A_454 {add = true, strides = array<i32>} : memref<4x8x768xf32, #tpu.memory_space<vmem>>, vector<1x1x16xf32>,
        %parallel_loop3A_455 = arith.constant 112 : i32
        %parallel_loop3A_456 = arith.addi %parallel_loop3A_254, %parallel_loop3A_455 : i32
        %parallel_loop3A_457 = arith.index_cast %parallel_loop3A_246 : i32 to index
        %parallel_loop3A_458 = arith.index_cast %parallel_loop3A_250 : i32 to index
        %parallel_loop3A_459 = arith.index_cast %parallel_loop3A_456 : i32 to index
        %parallel_loop3A_460 = tpu.vector_load %arg8[%parallel_loop3A_457, %parallel_loop3A_458, %parallel_loop3A_459] {strides = array<i32>} : memref<4x8x768xf32, #tpu.memory_space<vmem>>, vector<1x1x16xf32>,
        %parallel_loop3A_461 = vector.shape_cast %parallel_loop3A_460 : vector<1x1x16xf32> to vector<16xf32>
        %parallel_loop3A_462 = vector.shape_cast %parallel_loop3A_302 : vector<16xf32> to vector<1x1x16xf32>
        tpu.vector_store %arg8[%parallel_loop3A_457, %parallel_loop3A_458, %parallel_loop3A_459], %parallel_loop3A_462 {add = true, strides = array<i32>} : memref<4x8x768xf32, #tpu.memory_space<vmem>>, vector<1x1x16xf32>,
        %parallel_loop3A_463 = arith.constant 128 : i32
        %parallel_loop3A_464 = arith.addi %parallel_loop3A_254, %parallel_loop3A_463 : i32
        %parallel_loop3A_465 = arith.index_cast %parallel_loop3A_246 : i32 to index
        %parallel_loop3A_466 = arith.index_cast %parallel_loop3A_250 : i32 to index
        %parallel_loop3A_467 = arith.index_cast %parallel_loop3A_464 : i32 to index
        %parallel_loop3A_468 = tpu.vector_load %arg8[%parallel_loop3A_465, %parallel_loop3A_466, %parallel_loop3A_467] {strides = array<i32>} : memref<4x8x768xf32, #tpu.memory_space<vmem>>, vector<1x1x16xf32>,
        %parallel_loop3A_469 = vector.shape_cast %parallel_loop3A_468 : vector<1x1x16xf32> to vector<16xf32>
        %parallel_loop3A_470 = vector.shape_cast %parallel_loop3A_308 : vector<16xf32> to vector<1x1x16xf32>
        tpu.vector_store %arg8[%parallel_loop3A_465, %parallel_loop3A_466, %parallel_loop3A_467], %parallel_loop3A_470 {add = true, strides = array<i32>} : memref<4x8x768xf32, #tpu.memory_space<vmem>>, vector<1x1x16xf32>,
        %parallel_loop3A_471 = arith.constant 144 : i32
        %parallel_loop3A_472 = arith.addi %parallel_loop3A_254, %parallel_loop3A_471 : i32
        %parallel_loop3A_473 = arith.index_cast %parallel_loop3A_246 : i32 to index
        %parallel_loop3A_474 = arith.index_cast %parallel_loop3A_250 : i32 to index
        %parallel_loop3A_475 = arith.index_cast %parallel_loop3A_472 : i32 to index
        %parallel_loop3A_476 = tpu.vector_load %arg8[%parallel_loop3A_473, %parallel_loop3A_474, %parallel_loop3A_475] {strides = array<i32>} : memref<4x8x768xf32, #tpu.memory_space<vmem>>, vector<1x1x16xf32>,
        %parallel_loop3A_477 = vector.shape_cast %parallel_loop3A_476 : vector<1x1x16xf32> to vector<16xf32>
        %parallel_loop3A_478 = vector.shape_cast %parallel_loop3A_314 : vector<16xf32> to vector<1x1x16xf32>
        tpu.vector_store %arg8[%parallel_loop3A_473, %parallel_loop3A_474, %parallel_loop3A_475], %parallel_loop3A_478 {add = true, strides = array<i32>} : memref<4x8x768xf32, #tpu.memory_space<vmem>>, vector<1x1x16xf32>,
        %parallel_loop3A_479 = arith.constant 160 : i32
        %parallel_loop3A_480 = arith.addi %parallel_loop3A_254, %parallel_loop3A_479 : i32
        %parallel_loop3A_481 = arith.index_cast %parallel_loop3A_246 : i32 to index
        %parallel_loop3A_482 = arith.index_cast %parallel_loop3A_250 : i32 to index
        %parallel_loop3A_483 = arith.index_cast %parallel_loop3A_480 : i32 to index
        %parallel_loop3A_484 = tpu.vector_load %arg8[%parallel_loop3A_481, %parallel_loop3A_482, %parallel_loop3A_483] {strides = array<i32>} : memref<4x8x768xf32, #tpu.memory_space<vmem>>, vector<1x1x16xf32>,
        %parallel_loop3A_485 = vector.shape_cast %parallel_loop3A_484 : vector<1x1x16xf32> to vector<16xf32>
        %parallel_loop3A_486 = vector.shape_cast %parallel_loop3A_320 : vector<16xf32> to vector<1x1x16xf32>
        tpu.vector_store %arg8[%parallel_loop3A_481, %parallel_loop3A_482, %parallel_loop3A_483], %parallel_loop3A_486 {add = true, strides = array<i32>} : memref<4x8x768xf32, #tpu.memory_space<vmem>>, vector<1x1x16xf32>,
        %parallel_loop3A_487 = arith.constant 176 : i32
        %parallel_loop3A_488 = arith.addi %parallel_loop3A_254, %parallel_loop3A_487 : i32
        %parallel_loop3A_489 = arith.index_cast %parallel_loop3A_246 : i32 to index
        %parallel_loop3A_490 = arith.index_cast %parallel_loop3A_250 : i32 to index
        %parallel_loop3A_491 = arith.index_cast %parallel_loop3A_488 : i32 to index
        %parallel_loop3A_492 = tpu.vector_load %arg8[%parallel_loop3A_489, %parallel_loop3A_490, %parallel_loop3A_491] {strides = array<i32>} : memref<4x8x768xf32, #tpu.memory_space<vmem>>, vector<1x1x16xf32>,
        %parallel_loop3A_493 = vector.shape_cast %parallel_loop3A_492 : vector<1x1x16xf32> to vector<16xf32>
        %parallel_loop3A_494 = vector.shape_cast %parallel_loop3A_326 : vector<16xf32> to vector<1x1x16xf32>
        tpu.vector_store %arg8[%parallel_loop3A_489, %parallel_loop3A_490, %parallel_loop3A_491], %parallel_loop3A_494 {add = true, strides = array<i32>} : memref<4x8x768xf32, #tpu.memory_space<vmem>>, vector<1x1x16xf32>,
        %parallel_loop3A_495 = arith.constant 192 : i32
        %parallel_loop3A_496 = arith.addi %parallel_loop3A_254, %parallel_loop3A_495 : i32
        %parallel_loop3A_497 = arith.index_cast %parallel_loop3A_246 : i32 to index
        %parallel_loop3A_498 = arith.index_cast %parallel_loop3A_250 : i32 to index
        %parallel_loop3A_499 = arith.index_cast %parallel_loop3A_496 : i32 to index
        %parallel_loop3A_500 = tpu.vector_load %arg8[%parallel_loop3A_497, %parallel_loop3A_498, %parallel_loop3A_499] {strides = array<i32>} : memref<4x8x768xf32, #tpu.memory_space<vmem>>, vector<1x1x16xf32>,
        %parallel_loop3A_501 = vector.shape_cast %parallel_loop3A_500 : vector<1x1x16xf32> to vector<16xf32>
        %parallel_loop3A_502 = vector.shape_cast %parallel_loop3A_332 : vector<16xf32> to vector<1x1x16xf32>
        tpu.vector_store %arg8[%parallel_loop3A_497, %parallel_loop3A_498, %parallel_loop3A_499], %parallel_loop3A_502 {add = true, strides = array<i32>} : memref<4x8x768xf32, #tpu.memory_space<vmem>>, vector<1x1x16xf32>,
        %parallel_loop3A_503 = arith.constant 208 : i32
        %parallel_loop3A_504 = arith.addi %parallel_loop3A_254, %parallel_loop3A_503 : i32
        %parallel_loop3A_505 = arith.index_cast %parallel_loop3A_246 : i32 to index
        %parallel_loop3A_506 = arith.index_cast %parallel_loop3A_250 : i32 to index
        %parallel_loop3A_507 = arith.index_cast %parallel_loop3A_504 : i32 to index
        %parallel_loop3A_508 = tpu.vector_load %arg8[%parallel_loop3A_505, %parallel_loop3A_506, %parallel_loop3A_507] {strides = array<i32>} : memref<4x8x768xf32, #tpu.memory_space<vmem>>, vector<1x1x16xf32>,
        %parallel_loop3A_509 = vector.shape_cast %parallel_loop3A_508 : vector<1x1x16xf32> to vector<16xf32>
        %parallel_loop3A_510 = vector.shape_cast %parallel_loop3A_338 : vector<16xf32> to vector<1x1x16xf32>
        tpu.vector_store %arg8[%parallel_loop3A_505, %parallel_loop3A_506, %parallel_loop3A_507], %parallel_loop3A_510 {add = true, strides = array<i32>} : memref<4x8x768xf32, #tpu.memory_space<vmem>>, vector<1x1x16xf32>,
        %parallel_loop3A_511 = arith.constant 224 : i32
        %parallel_loop3A_512 = arith.addi %parallel_loop3A_254, %parallel_loop3A_511 : i32
        %parallel_loop3A_513 = arith.index_cast %parallel_loop3A_246 : i32 to index
        %parallel_loop3A_514 = arith.index_cast %parallel_loop3A_250 : i32 to index
        %parallel_loop3A_515 = arith.index_cast %parallel_loop3A_512 : i32 to index
        %parallel_loop3A_516 = tpu.vector_load %arg8[%parallel_loop3A_513, %parallel_loop3A_514, %parallel_loop3A_515] {strides = array<i32>} : memref<4x8x768xf32, #tpu.memory_space<vmem>>, vector<1x1x16xf32>,
        %parallel_loop3A_517 = vector.shape_cast %parallel_loop3A_516 : vector<1x1x16xf32> to vector<16xf32>
        %parallel_loop3A_518 = vector.shape_cast %parallel_loop3A_344 : vector<16xf32> to vector<1x1x16xf32>
        tpu.vector_store %arg8[%parallel_loop3A_513, %parallel_loop3A_514, %parallel_loop3A_515], %parallel_loop3A_518 {add = true, strides = array<i32>} : memref<4x8x768xf32, #tpu.memory_space<vmem>>, vector<1x1x16xf32>,
        %parallel_loop3A_519 = arith.constant 240 : i32
        %parallel_loop3A_520 = arith.addi %parallel_loop3A_254, %parallel_loop3A_519 : i32
        %parallel_loop3A_521 = arith.index_cast %parallel_loop3A_246 : i32 to index
        %parallel_loop3A_522 = arith.index_cast %parallel_loop3A_250 : i32 to index
        %parallel_loop3A_523 = arith.index_cast %parallel_loop3A_520 : i32 to index
        %parallel_loop3A_524 = tpu.vector_load %arg8[%parallel_loop3A_521, %parallel_loop3A_522, %parallel_loop3A_523] {strides = array<i32>} : memref<4x8x768xf32, #tpu.memory_space<vmem>>, vector<1x1x16xf32>,
        %parallel_loop3A_525 = vector.shape_cast %parallel_loop3A_524 : vector<1x1x16xf32> to vector<16xf32>
        %parallel_loop3A_526 = vector.shape_cast %parallel_loop3A_350 : vector<16xf32> to vector<1x1x16xf32>
        tpu.vector_store %arg8[%parallel_loop3A_521, %parallel_loop3A_522, %parallel_loop3A_523], %parallel_loop3A_526 {add = true, strides = array<i32>} : memref<4x8x768xf32, #tpu.memory_space<vmem>>, vector<1x1x16xf32>,
        %parallel_loop3A_527 = arith.constant 256 : i32
        %parallel_loop3A_528 = arith.addi %parallel_loop3A_254, %parallel_loop3A_527 : i32
        %parallel_loop3A_529 = arith.index_cast %parallel_loop3A_246 : i32 to index
        %parallel_loop3A_530 = arith.index_cast %parallel_loop3A_250 : i32 to index
        %parallel_loop3A_531 = arith.index_cast %parallel_loop3A_528 : i32 to index
        %parallel_loop3A_532 = tpu.vector_load %arg8[%parallel_loop3A_529, %parallel_loop3A_530, %parallel_loop3A_531] {strides = array<i32>} : memref<4x8x768xf32, #tpu.memory_space<vmem>>, vector<1x1x16xf32>,
        %parallel_loop3A_533 = vector.shape_cast %parallel_loop3A_532 : vector<1x1x16xf32> to vector<16xf32>
        %parallel_loop3A_534 = vector.shape_cast %parallel_loop3A_356 : vector<16xf32> to vector<1x1x16xf32>
        tpu.vector_store %arg8[%parallel_loop3A_529, %parallel_loop3A_530, %parallel_loop3A_531], %parallel_loop3A_534 {add = true, strides = array<i32>} : memref<4x8x768xf32, #tpu.memory_space<vmem>>, vector<1x1x16xf32>,
        %parallel_loop3A_535 = arith.constant 272 : i32
        %parallel_loop3A_536 = arith.addi %parallel_loop3A_254, %parallel_loop3A_535 : i32
        %parallel_loop3A_537 = arith.index_cast %parallel_loop3A_246 : i32 to index
        %parallel_loop3A_538 = arith.index_cast %parallel_loop3A_250 : i32 to index
        %parallel_loop3A_539 = arith.index_cast %parallel_loop3A_536 : i32 to index
        %parallel_loop3A_540 = tpu.vector_load %arg8[%parallel_loop3A_537, %parallel_loop3A_538, %parallel_loop3A_539] {strides = array<i32>} : memref<4x8x768xf32, #tpu.memory_space<vmem>>, vector<1x1x16xf32>,
        %parallel_loop3A_541 = vector.shape_cast %parallel_loop3A_540 : vector<1x1x16xf32> to vector<16xf32>
        %parallel_loop3A_542 = vector.shape_cast %parallel_loop3A_362 : vector<16xf32> to vector<1x1x16xf32>
        tpu.vector_store %arg8[%parallel_loop3A_537, %parallel_loop3A_538, %parallel_loop3A_539], %parallel_loop3A_542 {add = true, strides = array<i32>} : memref<4x8x768xf32, #tpu.memory_space<vmem>>, vector<1x1x16xf32>,
        %parallel_loop3A_543 = arith.constant 288 : i32
        %parallel_loop3A_544 = arith.addi %parallel_loop3A_254, %parallel_loop3A_543 : i32
        %parallel_loop3A_545 = arith.index_cast %parallel_loop3A_246 : i32 to index
        %parallel_loop3A_546 = arith.index_cast %parallel_loop3A_250 : i32 to index
        %parallel_loop3A_547 = arith.index_cast %parallel_loop3A_544 : i32 to index
        %parallel_loop3A_548 = tpu.vector_load %arg8[%parallel_loop3A_545, %parallel_loop3A_546, %parallel_loop3A_547] {strides = array<i32>} : memref<4x8x768xf32, #tpu.memory_space<vmem>>, vector<1x1x16xf32>,
        %parallel_loop3A_549 = vector.shape_cast %parallel_loop3A_548 : vector<1x1x16xf32> to vector<16xf32>
        %parallel_loop3A_550 = vector.shape_cast %parallel_loop3A_368 : vector<16xf32> to vector<1x1x16xf32>
        tpu.vector_store %arg8[%parallel_loop3A_545, %parallel_loop3A_546, %parallel_loop3A_547], %parallel_loop3A_550 {add = true, strides = array<i32>} : memref<4x8x768xf32, #tpu.memory_space<vmem>>, vector<1x1x16xf32>,
        %parallel_loop3A_551 = arith.constant 304 : i32
        %parallel_loop3A_552 = arith.addi %parallel_loop3A_254, %parallel_loop3A_551 : i32
        %parallel_loop3A_553 = arith.index_cast %parallel_loop3A_246 : i32 to index
        %parallel_loop3A_554 = arith.index_cast %parallel_loop3A_250 : i32 to index
        %parallel_loop3A_555 = arith.index_cast %parallel_loop3A_552 : i32 to index
        %parallel_loop3A_556 = tpu.vector_load %arg8[%parallel_loop3A_553, %parallel_loop3A_554, %parallel_loop3A_555] {strides = array<i32>} : memref<4x8x768xf32, #tpu.memory_space<vmem>>, vector<1x1x16xf32>,
        %parallel_loop3A_557 = vector.shape_cast %parallel_loop3A_556 : vector<1x1x16xf32> to vector<16xf32>
        %parallel_loop3A_558 = vector.shape_cast %parallel_loop3A_374 : vector<16xf32> to vector<1x1x16xf32>
        tpu.vector_store %arg8[%parallel_loop3A_553, %parallel_loop3A_554, %parallel_loop3A_555], %parallel_loop3A_558 {add = true, strides = array<i32>} : memref<4x8x768xf32, #tpu.memory_space<vmem>>, vector<1x1x16xf32>,
        %parallel_loop3A_559 = arith.constant 320 : i32
        %parallel_loop3A_560 = arith.addi %parallel_loop3A_254, %parallel_loop3A_559 : i32
        %parallel_loop3A_561 = arith.index_cast %parallel_loop3A_246 : i32 to index
        %parallel_loop3A_562 = arith.index_cast %parallel_loop3A_250 : i32 to index
        %parallel_loop3A_563 = arith.index_cast %parallel_loop3A_560 : i32 to index
        %parallel_loop3A_564 = tpu.vector_load %arg8[%parallel_loop3A_561, %parallel_loop3A_562, %parallel_loop3A_563] {strides = array<i32>} : memref<4x8x768xf32, #tpu.memory_space<vmem>>, vector<1x1x16xf32>,
        %parallel_loop3A_565 = vector.shape_cast %parallel_loop3A_564 : vector<1x1x16xf32> to vector<16xf32>
        %parallel_loop3A_566 = vector.shape_cast %parallel_loop3A_380 : vector<16xf32> to vector<1x1x16xf32>
        tpu.vector_store %arg8[%parallel_loop3A_561, %parallel_loop3A_562, %parallel_loop3A_563], %parallel_loop3A_566 {add = true, strides = array<i32>} : memref<4x8x768xf32, #tpu.memory_space<vmem>>, vector<1x1x16xf32>,
        %parallel_loop3A_567 = arith.constant 336 : i32
        %parallel_loop3A_568 = arith.addi %parallel_loop3A_254, %parallel_loop3A_567 : i32
        %parallel_loop3A_569 = arith.index_cast %parallel_loop3A_246 : i32 to index
        %parallel_loop3A_570 = arith.index_cast %parallel_loop3A_250 : i32 to index
        %parallel_loop3A_571 = arith.index_cast %parallel_loop3A_568 : i32 to index
        %parallel_loop3A_572 = tpu.vector_load %arg8[%parallel_loop3A_569, %parallel_loop3A_570, %parallel_loop3A_571] {strides = array<i32>} : memref<4x8x768xf32, #tpu.memory_space<vmem>>, vector<1x1x16xf32>,
        %parallel_loop3A_573 = vector.shape_cast %parallel_loop3A_572 : vector<1x1x16xf32> to vector<16xf32>
        %parallel_loop3A_574 = vector.shape_cast %parallel_loop3A_386 : vector<16xf32> to vector<1x1x16xf32>
        tpu.vector_store %arg8[%parallel_loop3A_569, %parallel_loop3A_570, %parallel_loop3A_571], %parallel_loop3A_574 {add = true, strides = array<i32>} : memref<4x8x768xf32, #tpu.memory_space<vmem>>, vector<1x1x16xf32>,
        %parallel_loop3A_575 = arith.constant 352 : i32
        %parallel_loop3A_576 = arith.addi %parallel_loop3A_254, %parallel_loop3A_575 : i32
        %parallel_loop3A_577 = arith.index_cast %parallel_loop3A_246 : i32 to index
        %parallel_loop3A_578 = arith.index_cast %parallel_loop3A_250 : i32 to index
        %parallel_loop3A_579 = arith.index_cast %parallel_loop3A_576 : i32 to index
        %parallel_loop3A_580 = tpu.vector_load %arg8[%parallel_loop3A_577, %parallel_loop3A_578, %parallel_loop3A_579] {strides = array<i32>} : memref<4x8x768xf32, #tpu.memory_space<vmem>>, vector<1x1x16xf32>,
        %parallel_loop3A_581 = vector.shape_cast %parallel_loop3A_580 : vector<1x1x16xf32> to vector<16xf32>
        %parallel_loop3A_582 = vector.shape_cast %parallel_loop3A_392 : vector<16xf32> to vector<1x1x16xf32>
        tpu.vector_store %arg8[%parallel_loop3A_577, %parallel_loop3A_578, %parallel_loop3A_579], %parallel_loop3A_582 {add = true, strides = array<i32>} : memref<4x8x768xf32, #tpu.memory_space<vmem>>, vector<1x1x16xf32>,
        %parallel_loop3A_583 = arith.constant 368 : i32
        %parallel_loop3A_584 = arith.addi %parallel_loop3A_254, %parallel_loop3A_583 : i32
        %parallel_loop3A_585 = arith.index_cast %parallel_loop3A_246 : i32 to index
        %parallel_loop3A_586 = arith.index_cast %parallel_loop3A_250 : i32 to index
        %parallel_loop3A_587 = arith.index_cast %parallel_loop3A_584 : i32 to index
        %parallel_loop3A_588 = tpu.vector_load %arg8[%parallel_loop3A_585, %parallel_loop3A_586, %parallel_loop3A_587] {strides = array<i32>} : memref<4x8x768xf32, #tpu.memory_space<vmem>>, vector<1x1x16xf32>,
        %parallel_loop3A_589 = vector.shape_cast %parallel_loop3A_588 : vector<1x1x16xf32> to vector<16xf32>
        %parallel_loop3A_590 = vector.shape_cast %parallel_loop3A_398 : vector<16xf32> to vector<1x1x16xf32>
        tpu.vector_store %arg8[%parallel_loop3A_585, %parallel_loop3A_586, %parallel_loop3A_587], %parallel_loop3A_590 {add = true, strides = array<i32>} : memref<4x8x768xf32, #tpu.memory_space<vmem>>, vector<1x1x16xf32>,
      } {sc.loop_unroll_factor = 2 : i64, sc.parallel_access}
      %mul3A_235 = arith.constant 8 : i32
      %mul3A_236 = arith.muli %add3A_196, %mul3A_235 : i32
      %add3A_237 = arith.addi %mul3A_2, %mul3A_236 : i32
      %dma_start3A_238 = arith.constant 0 : i32
      %dma_start3A_239 = arith.constant 0 : i32
      %dma_start3A_240 = tpu.memref_slice %arg4[%dma_start3A_238, %add3A_237, %dma_start3A_239] : memref<4x8192x768xf32, #tpu.memory_space<hbm>> -> memref<4x8x768xf32, #tpu.memory_space<hbm>>
      %dma_start3A_241 = arith.constant 0 : i32
      %dma_start3A_242 = arith.constant 0 : i32
      %dma_start3A_243 = tpu.memref_slice %arg4[%dma_start3A_241, %add3A_237, %dma_start3A_242] : memref<4x8192x768xf32, #tpu.memory_space<hbm>> -> memref<4x8x768xf32, #tpu.memory_space<hbm>>
      tpu.enqueue_dma source(%arg8 : memref<4x8x768xf32, #tpu.memory_space<vmem>>) target(%dma_start3A_243 : memref<4x8x768xf32, #tpu.memory_space<hbm>>) target_semaphore(%arg20 : memref<!tpu.dma_semaphore, #tpu.memory_space<semaphore_mem>>)
    }
    %scan3A_28 = arith.constant 8 : i32
    %add3A_29 = arith.constant 240 : i32
    %add3A_30 = arith.addi %mul3A_2, %add3A_29 : i32
    %dma_wait3A = arith.constant 0 : i32
    %dma_wait3A_31 = arith.constant 0 : i32
    %dma_wait3A_32 = tpu.memref_slice %arg4[%dma_wait3A, %add3A_30, %dma_wait3A_31] : memref<4x8192x768xf32, #tpu.memory_space<hbm>> -> memref<4x8x768xf32, #tpu.memory_space<hbm>>
    %dma_wait3A_33 = arith.constant 0 : i32
    %dma_wait3A_34 = arith.constant 0 : i32
    %dma_wait3A_35 = tpu.memref_slice %arg4[%dma_wait3A_33, %add3A_30, %dma_wait3A_34] : memref<4x8192x768xf32, #tpu.memory_space<hbm>> -> memref<4x8x768xf32, #tpu.memory_space<hbm>>
    tpu.wait_dma2 semaphore(%arg19 : memref<!tpu.dma_semaphore, #tpu.memory_space<semaphore_mem>>) src(%arg7 : memref<4x8x768xf32, #tpu.memory_space<vmem>>) dst(%dma_wait3A_35 : memref<4x8x768xf32, #tpu.memory_space<hbm>>)
    %add3A_36 = arith.constant 248 : i32
    %add3A_37 = arith.addi %mul3A_2, %add3A_36 : i32
    %dma_wait3A_38 = arith.constant 0 : i32
    %dma_wait3A_39 = arith.constant 0 : i32
    %dma_wait3A_40 = tpu.memref_slice %arg4[%dma_wait3A_38, %add3A_37, %dma_wait3A_39] : memref<4x8192x768xf32, #tpu.memory_space<hbm>> -> memref<4x8x768xf32, #tpu.memory_space<hbm>>
    %dma_wait3A_41 = arith.constant 0 : i32
    %dma_wait3A_42 = arith.constant 0 : i32
    %dma_wait3A_43 = tpu.memref_slice %arg4[%dma_wait3A_41, %add3A_37, %dma_wait3A_42] : memref<4x8192x768xf32, #tpu.memory_space<hbm>> -> memref<4x8x768xf32, #tpu.memory_space<hbm>>
    tpu.wait_dma2 semaphore(%arg20 : memref<!tpu.dma_semaphore, #tpu.memory_space<semaphore_mem>>) src(%arg8 : memref<4x8x768xf32, #tpu.memory_space<vmem>>) dst(%dma_wait3A_43 : memref<4x8x768xf32, #tpu.memory_space<hbm>>)
    return
  }
}

</mosaic_0001>

<sc_bundles>
// kernel: kernel.3.cloned.1.call-start
scs
__scs_entry_jumppad:
0x0: {  	(pc) =	sbr.rel $0x88, $3  }
0x1: {  	(tag) =	ssettag $0x0;
	lr =	simm.s32 $0x1  }
0x2: {  	[smem:$0x3F9F] =	sst lr;
	_ =	strace $0xD0000000  }
0x3: {  	_ = 	snop  }
0x4: {  	_ = 	snop  }
0x5: {  	_ = 	snop  }
0x6: {  	_ = 	snop  }
0x7: {  	_ = 	snop  }
__scs_overlays_trampoline_lowered:
0x8: {  	[smem:$0x3FAE] =	sst s0  }
0x9: {  	[smem:$0x3FAF] =	sst s1  }
0xa: {  	[smem:$0x3FB0] =	sst s2  }
0xb: {  	[smem:$0x3FB1] =	sst s3  }
0xc: {  	[smem:$0x3FB2] =	sst s4  }
0xd: {  	[smem:$0x3FB3] =	sst s5  }
0xe: {  	[smem:$0x3FB4] =	sst s6  }
0xf: {  	[smem:$0x3FB5] =	sst s7  }
0x10: {  	[smem:$0x3FB6] =	sst s8  }
0x11: {  	[smem:$0x3FB7] =	sst s9;
	s0 =	simm.s32 @!p0 $0x0  }
0x12: {  	s1 =	sld [smem:$0x3F9D];
	s0 =	simm.s32 @p0 $0x1  }
0x13: {  	[smem:$0x3FB8] =	sst s0;
	s0 =	simm.s32 @!p1 $0x0  }
0x14: {  	s2 =	sld [smem:$0x3F9C];
	s0 =	simm.s32 @p1 $0x1  }
0x15: {  	[smem:$0x3FB9] =	sst s0;
	s0 =	simm.s32 @!p2 $0x0  }
0x16: {  	s3 =	sld [smem:$0x3FDB];
	s0 =	simm.s32 @p2 $0x1  }
0x17: {  	s4 =	simm.s32 $0x1BF5;
	[smem:$0x3FBB] =	sst s0  }
0x18: {  	s0 =	sld [smem:$0x3F9E];
	_ =	swait.ge [sflag:s4], $0x0  }
0x19: {  	s7 =	sld [smem:$0x3F9F]  }
0x1a: {  	s8 =	sadd.s32 $0xFFFFE003, lr  }
0x1b: {  	s9 =	sadd.s32 $0xFFFFFEF7, lr;
	s5 =	simm.s32 $0xFFFFFFFF;
	p2 =	slt.u32 s8, $0xFFFFF086  }
0x1c: {  	p1 =	slt.u32 s9, $0xF7A;
	s5 =	simm.s32 @!p2 $0x0  }
0x1d: {  	s5 =	simm.s32 @p1 $0x1;
	p0 =	seq.s32 s7, s2  }
0x1e: {  	s7 =	smul.u32 @!p0 $0xF7A, s2;
	p2 =	seq.s32 @!p0 s5, $0x0  }
0x1f: {  	s9 =	smul.u32 $0xF7A, s1;
	s8 =	simm.s32 @!p0 $0x1BF5;
	p2 =	por !p2, p0  }
0x20: {  	[sflag:s8] =	ssyncset.s32 @!p0 $0xFFFFF086;
	s6 =	sadd.s32 @!p0 s3, s7;
	s7 =	simm.s32 @!p0 $0x108  }
0x21: {  	s3 =	sadd.s32 s3, s9;
	s6 =	sadd.s32 @!p0 $0x88, s6;
	s7 =	simm.s32 @p2 $0x1082  }
0x22: {  	[simem:s7], [sflag:s8] =	dma.local @!p0 [hbm:s6], $0xF7A  }
0x23: {  	s9 =	sor.u32 $0xD0000000, s2;
	s6 =	simm.s32 $0x108;
	_ =	swait.ge @!p0 [sflag:s8], $0x0  }
0x24: {  	s3 =	sadd.s32 $0x88, s3;
	s6 =	simm.s32 @!p1 $0x1082;
	[sflag:s4] =	ssyncset.s32 $0xFFFFF086  }
0x25: {  	[simem:s6], [sflag:s4] =	dma.local [hbm:s3], $0xF7A  }
0x26: {  	[smem:$0x3F9F] =	sst s1;
	(tag) =	ssettag s2;
	_ =	strace s9  }
0x27: {  	s1 =	sld [smem:$0x3FAF]  }
0x28: {  	s2 =	sld [smem:$0x3FB0]  }
0x29: {  	s4 =	sld [smem:$0x3FB2]  }
0x2a: {  	p0 =	seq.s32 s5, $0x0;
	s5 =	sld [smem:$0x3FB3]  }
0x2b: {  	s6 =	sld [smem:$0x3FB4]  }
0x2c: {  	s7 =	sld [smem:$0x3FB5]  }
0x2d: {  	s3 =	simm.s32 $0x108;
	s8 =	sld [smem:$0x3FB6]  }
0x2e: {  	s3 =	simm.s32 @!p0 $0x1082;
	s9 =	sld [smem:$0x3FB7]  }
0x2f: {  	lr =	sadd.s32 s0, s3;
	s0 =	sld [smem:$0x3FAE]  }
0x30: {  	s3 =	sld [smem:$0x3FB1]  }
0x31: {  	[smem:$0x3FBA] =	sst s10  }
0x32: {  	s10 =	sld [smem:$0x3FB8];
	_ =	sdelay $0x3  }
0x33: {  	p0 =	seq.s32 s10, $0x1;
	s10 =	sld [smem:$0x3FBA];
	_ =	sdelay $0x3  }
0x34: {  	[smem:$0x3FBA] =	sst s10  }
0x35: {  	s10 =	sld [smem:$0x3FB9];
	_ =	sdelay $0x3  }
0x36: {  	p1 =	seq.s32 s10, $0x1;
	s10 =	sld [smem:$0x3FBA];
	_ =	sdelay $0x3  }
0x37: {  	[smem:$0x3FBA] =	sst s10  }
0x38: {  	s10 =	sld [smem:$0x3FBB]  }
0x39: {  	_ = 	snop;
	(pc) =	sbr.ind lr, $3  }
0x3a: {  	_ = 	snop  }
0x3b: {  	_ = 	snop  }
0x3c: {  	p2 =	seq.s32 s10, $0x1;
	s10 =	sld [smem:$0x3FBA]  }
0x3d: {  	_ =	shalt  }
0x3e: {  	_ =	shalt  }
0x3f: {  	_ =	shalt  }
0x40: {  	_ =	shalt  }
0x41: {  	_ =	shalt  }
0x42: {  	_ =	shalt  }
0x43: {  	_ =	shalt  }
0x44: {  	_ =	shalt  }
0x45: {  	_ =	shalt  }
0x46: {  	_ =	shalt  }
0x47: {  	_ =	shalt  }
0x48: {  	_ =	shalt  }
0x49: {  	_ =	shalt  }
0x4a: {  	_ =	shalt  }
0x4b: {  	_ =	shalt  }
0x4c: {  	_ =	shalt  }
0x4d: {  	_ =	shalt  }
0x4e: {  	_ =	shalt  }
0x4f: {  	_ =	shalt  }
0x50: {  	_ =	shalt  }
0x51: {  	_ =	shalt  }
0x52: {  	_ =	shalt  }
0x53: {  	_ =	shalt  }
0x54: {  	_ =	shalt  }
0x55: {  	_ =	shalt  }
0x56: {  	_ =	shalt  }
0x57: {  	_ =	shalt  }
0x58: {  	_ =	shalt  }
0x59: {  	_ =	shalt  }
0x5a: {  	_ =	shalt  }
0x5b: {  	_ =	shalt  }
0x5c: {  	_ =	shalt  }
0x5d: {  	_ =	shalt  }
0x5e: {  	_ =	shalt  }
0x5f: {  	_ =	shalt  }
0x60: {  	_ =	shalt  }
0x61: {  	_ =	shalt  }
0x62: {  	_ =	shalt  }
0x63: {  	_ =	shalt  }
0x64: {  	_ =	shalt  }
0x65: {  	_ =	shalt  }
0x66: {  	_ =	shalt  }
0x67: {  	_ =	shalt  }
0x68: {  	_ =	shalt  }
0x69: {  	_ =	shalt  }
0x6a: {  	_ =	shalt  }
0x6b: {  	_ =	shalt  }
0x6c: {  	_ =	shalt  }
0x6d: {  	_ =	shalt  }
0x6e: {  	_ =	shalt  }
0x6f: {  	_ =	shalt  }
0x70: {  	_ =	shalt  }
0x71: {  	_ =	shalt  }
0x72: {  	_ =	shalt  }
0x73: {  	_ =	shalt  }
0x74: {  	_ =	shalt  }
0x75: {  	_ =	shalt  }
0x76: {  	_ =	shalt  }
0x77: {  	_ =	shalt  }
0x78: {  	_ =	shalt  }
0x79: {  	_ =	shalt  }
0x7a: {  	_ =	shalt  }
0x7b: {  	_ =	shalt  }
0x7c: {  	_ =	shalt  }
0x7d: {  	_ =	shalt  }
0x7e: {  	_ =	shalt  }
0x7f: {  	_ =	shalt  }
0x80: {  	_ =	shalt  }
0x81: {  	_ =	shalt  }
0x82: {  	_ =	shalt  }
0x83: {  	_ =	shalt  }
0x84: {  	_ =	shalt  }
0x85: {  	_ =	shalt  }
0x86: {  	_ =	shalt  }
0x87: {  	_ =	shalt  }
.Lfunc_end0:
.L_simem_size_0:
called_computation_lowered:
.L_overlay_start_0:
0x88: {  	s2 =	sld [smem:$0x3FD9]  }
0x89: {  	s3 =	sld [smem:$0x3FFE];
	_ =	sdelay $0x1  }
0x8a: {  	s1 =	srdreg.scid  }
0x8b: {  	s0 =	sand.u32 $0x1, s1  }
0x8c: {  	s18 =	sshll.u32 s0, $0xA;
	s2 =	sadd.s32 s3, s2  }
0x8d: {  	s2 =	sadd.s32 s2, s18  }
0x8e: {  	[smem:$0x3FC6] =	sst s2  }
0x8f: {  	_ = 	snop  }
0x90: {  	s2 =	sld [smem:$0x3FC9]  }
0x91: {  	s19 =	sld [smem:$0x3FC8]  }
0x92: {  	s4 =	sld [smem:$0x3FD0];
	(tm) =	ssettm $0x1  }
0x93: {  	s5 =	sld [smem:$0x3FFB];
	_ =	sdelay $0x3  }
0x94: {  	_ =	strace s5  }
0x95: {  	s5 =	sld [smem:$0x3FFC];
	_ =	sdelay $0x3  }
0x96: {  	_ =	strace s5  }
0x97: {  	s5 =	sld [smem:$0x3FFD];
	_ =	sdelay $0x3  }
0x98: {  	_ =	strace s5  }
0x99: {  	_ =	strace $0x8FFFFFFF  }
0x9a: {  	s20 =	sld [smem:$0x3FDB];
	_ =	sdelay $0x1  }
0x9b: {  	s6 =	simm.s32 $_scs_section_size  }
0x9c: {  	s7 =	simm.s32 $_size__tile_overlayer_lowered;
	s8 =	simm.s32 $_tile_overlayer_lowered  }
0x9d: {  	s23 =	simm.s32 $0x1BFF;
	s22 =	sshll.u32 s8, $0x1;
	s5 =	sadd.s32 s6, s20  }
0x9e: {  	s9 =	simm.s32 $0x0;
	s21 =	sshll.u32 s7, $0x1;
	s7 =	sadd.s32 s22, s5  }
0x9f: {  	[timem:s9], [sflag:s23] =	dma.local [hbm:s7], s21  }
0xa0: {  	_ =	swait.ge [sflag:s23], s21  }
0xa1: {  	s6 =	ssub.s32 $0x0, s21;
	[sflag:s23] =	ssyncset.done $0x0  }
0xa2: {  	[sflag:s23] =	ssyncadd.s32 s6;
	_ =	sdelay $0x1  }
0xa3: {  	s24 =	simm.s32 $0x1B8B  }
0xa4: {  	_ =	swait.ge [sflag:s24], $0x1  }
0xa5: {  	[sflag:s24] =	ssyncset.done $0x0  }
0xa6: {  	s25 =	simm.s32 $0x1B8E;
	[sflag:s24] =	ssyncadd.s32 $0xFFFFFFFF  }
0xa7: {  	s26 =	simm.s32 $execute0_lowered;
	[smem:$0x3FD2] =	sst s25  }
0xa8: {  	s6 =	sshll.u32 s26, $0x1;
	_ =	strace $0x80000046;
	[dreg:$0x1] =	wrdreg $0xFFFFFFFF  }
0xa9: {  	s28 =	simm.s32 $_size_execute0_lowered;
	s5 =	sadd.s32 s5, s6;
	[dreg:$0x0] =	wrdreg $0x0  }
0xaa: {  	s6 =	sshll.u32 s28, $0x1;
	[dreg:$0x2] =	wrdreg s5  }
0xab: {  	[dreg:$0x3] =	wrdreg s6  }
0xac: {  	[dreg:$0x4] =	wrdreg $0xC0  }
0xad: {  	_ =	task [dreg:s9], $0x5FFFF  }
0xae: {  	[dreg:$0x1] =	wrdreg $0xFFFFFFFF  }
0xaf: {  	[dreg:$0x0] =	wrdreg $0x60  }
0xb0: {  	[dreg:$0x2] =	wrdreg s2  }
0xb1: {  	[dreg:$0x3] =	wrdreg s19  }
0xb2: {  	[dreg:$0x4] =	wrdreg s4  }
0xb3: {  	[dreg:$0x5] =	wrdreg $0x9  }
0xb4: {  	_ =	task.clear_ibuf [dreg:s9], $0x6FFFF;
	_ =	strace $0x90000046  }
0xb5: {  	s29 =	simm.s32 $0x9;
	_ =	strace $0x80000048  }
0xb6: {  	_ =	swait.ge [sflag:s29], $0x1  }
0xb7: {  	[sflag:s29] =	ssyncadd.s32 $0xFFFFFFFF  }
0xb8: {  	_ =	strace $0x90000048  }
0xb9: {  	_ =	sfence  }
0xba: {  	s30 =	sld [smem:$0x0];
	_ =	sdelay $0x2  }
0xbb: {  	s31 =	sshll.u32 s1, $0xD;
	s1 =	sshrl.u32 s1, $0x2  }
0xbc: {  	s3 =	sand.u32 $0x4000, s31;
	s1 =	sadd.s32 s1, s30  }
0xbd: {  	s0 =	sor.u32 s3, s0;
	s1 =	sshll.u32 s1, $0x11  }
0xbe: {  	s0 =	sor.u32 s1, s0  }
0xbf: {  	s0 =	sadd.s32 $0x8F2B, s0  }
0xc0: {  	[sflag:s0] =	ssyncadd.remote.s32 $0x1  }
0xc1: {  	_ =	sfence.sel $0xFFFF  }
0xc2: {  	[dreg:$0x0] =	wrdreg $0xFFFFFFFF;
	(pc) =	sbr.abs _section_cstart, $3  }
0xc3: {  	[dreg:$0x1] =	wrdreg $0xFFFFFFFF  }
0xc4: {  	_ =	task.clear_ibuf [dreg:s9], $0x2FFFF;
	_ =	strace $0x9FFFFFFF  }
0xc5: {  	(tm) =	ssettm $0x7FFFFFFF  }
tec
execute0_lowered:
.L_overlay_start_1:
0x0: {  	(tag) =	ssettag $0x1  }
0x1: {  	s0 =	srdreg.scid;
	s1 =	rddreg [dreg:$0x0]  }
0x2: {  	s2 =	stileid.u32;
	s3 =	rddreg [dreg:$0x1]  }
0x3: {  	s4 =	rddreg [dreg:$0x2];
	s7 =	simm.s32 $0x0;
	s14 =	simm.s32 $0x1800  }
0x4: {  	s15 =	simm.s32 $0x600000;
	s16 =	simm.s32 $0x6000;
	s17 =	simm.s32 $0x19800  }
0x5: {  	s18 =	simm.s32 $0x5;
	s19 =	simm.s32 $0xC000;
	s0 =	sand.u32 $0x1, s0  }
0x6: {  	s20 =	simm.s32 $0x1;
	s2 =	sshll.u32 s2, $0x9;
	s5 =	sshll.u32 s0, $0x8  }
0x7: {  	s21 =	simm.s32 $0x6;
	s0 =	ssub.s32 $0x2, s0;
	s5 =	sor.u32 s5, s2  }
0x8: {  	s22 =	simm.s32 $0x12000;
	s8 =	sshrl.u32 s0, $0x1;
	s6 =	sshrl.u32 s5, $0x3  }
0x9: {  	s23 =	simm.s32 $0x2;
	s0 =	ssub.s32 s0, s8;
	s29 =	smul.u32 $0x300, s6  }
0xa: {  	s24 =	simm.s32 $0x7;
	[smem:$0x7FF] =	sst s7;
	s0 =	smax.u32 s0, $0x1  }
0xb: {  	_ =	strace $0x80000047;
	[dreg:$0x7] =	wrdreg s0;
	s2 =	sadd.s32 s3, s29  }
0xc: {  	s25 =	simm.s32 $0x3;
	s30 =	sadd.s32 s1, s29;
	[dreg:$0x5] =	wrdreg s2  }
0xd: {  	s26 =	simm.s32 $0x4;
	[dreg:$0x4] =	wrdreg s30;
	s31 =	sadd.s32 $0x300, s30  }
0xe: {  	s8 =	simm.s32 $0x0;
	s11 =	sor.u32 $0x5, s6;
	[dreg:$0x6] =	wrdreg s31  }
.LBB2_1:
0xf: {  	[dreg:$0x8] =	wrdreg s8  }
0x10: {  	s0 =	rddreg [dreg:$0x5];
	s2 =	simm.s32 $0x18000  }
0x11: {  	[tilespmem:s2], [sflag:$0x5] =	stream.linear.gather [hbm4b:s0+s7], $0x1800, $0x38;
	[tilespmem:$0x1B000] =	vst v63  }
0x12: {  	s29 =	rddreg [dreg:$0x4]  }
0x13: {  	[tilespmem:s7], [sflag:$0x1] =	stream.strided.gather [hbm4b:s29+s14], $0x6000, s15, s14, $0x38;
	[tilespmem:$0x1B000] =	vst v63  }
0x14: {  	s30 =	rddreg [dreg:$0x6];
	s31 =	simm.s32 $0x0  }
0x15: {  	[tilespmem:s16], [sflag:$0x2] =	stream.strided.gather [hbm4b:s30+s14], $0x6000, s15, s14, $0x38;
	[tilespmem:$0x1B000] =	vst v63  }
.LBB2_2:
0x16: {  	s2 =	sshll.u32 s31, $0x2  }
0x17: {  	s0 =	sor.u32 s2, s6  }
0x18: {  	s0 =	smul.u32 $0x300, s0;
	_ =	sdelay $0x1  }
0x19: {  	s10 =	sor.u32 $0x300, s0  }
0x1a: {  	s8 =	sadd.s32 s3, s10  }
0x1b: {  	[tilespmem:s17], [sflag:$0x6] =	stream.linear.gather [hbm4b:s8+s7], $0x1800, $0x38;
	[tilespmem:$0x1B000] =	vst v63  }
0x1c: {  	_ =	swait.ge [sflag:s18], $0x1800  }
0x1d: {  	p0 =	seq.s32 s31, $0x0;
	[sflag:s18] =	ssyncset.done $0x0  }
0x1e: {  	s8 =	simm.s32 @!p0 $0x9;
	[sflag:s18] =	ssyncadd.s32 $0xFFFFE800  }
0x1f: {  	_ =	swait.ge @!p0 [sflag:s8], $0x6000  }
0x20: {  	s9 =	sadd.s32 $0x600, s0;
	[sflag:s8] =	ssyncset.done @!p0 $0x0  }
0x21: {  	s12 =	sadd.s32 s1, s9;
	[sflag:s8] =	ssyncadd.s32 @!p0 $0xFFFFA000  }
0x22: {  	[tilespmem:s19], [sflag:$0x3] =	stream.strided.gather [hbm4b:s12+s14], $0x6000, s15, s14, $0x38;
	[tilespmem:$0x1B000] =	vst v63  }
0x23: {  	_ =	swait.ge [sflag:s20], $0x6000  }
0x24: {  	s13 =	simm.s32 $0x0;
	[sflag:s20] =	ssyncset.done $0x0  }
0x25: {  	s8 =	sand.u32 $0x380, s13;
	[sflag:s20] =	ssyncadd.s32 $0xFFFFA000  }
0x26: {  	v0 =	vld [tilespmem:s8+$0x18000]  }
0x27: {  	v1 =	vld [tilespmem:s8+$0x18010]  }
0x28: {  	v2 =	vld [tilespmem:s8+$0x18020]  }
0x29: {  	v3 =	vld [tilespmem:s8+$0x18030]  }
0x2a: {  	v4 =	vld [tilespmem:s8+$0x18040]  }
0x2b: {  	v5 =	vld [tilespmem:s8+$0x18050]  }
0x2c: {  	v6 =	vld [tilespmem:s8+$0x18060]  }
0x2d: {  	v7 =	vld [tilespmem:s8+$0x18070]  }
0x2e: {  	v8 =	vld [tilespmem:s8+$0x18400]  }
0x2f: {  	v9 =	vld [tilespmem:s8+$0x18410]  }
0x30: {  	v10 =	vld [tilespmem:s8+$0x18420]  }
0x31: {  	v11 =	vld [tilespmem:s8+$0x18430]  }
0x32: {  	v12 =	vld [tilespmem:s8+$0x18440]  }
0x33: {  	v13 =	vld [tilespmem:s8+$0x18450]  }
0x34: {  	v14 =	vld [tilespmem:s8+$0x18460]  }
0x35: {  	v15 =	vld [tilespmem:s8+$0x18470]  }
0x36: {  	v16 =	vld [tilespmem:s8+$0x18800]  }
0x37: {  	v17 =	vld [tilespmem:s8+$0x18810]  }
0x38: {  	v18 =	vld [tilespmem:s8+$0x18820]  }
0x39: {  	v19 =	vld [tilespmem:s8+$0x18830]  }
0x3a: {  	v20 =	vld [tilespmem:s8+$0x18840]  }
0x3b: {  	v21 =	vld [tilespmem:s8+$0x18850]  }
0x3c: {  	v22 =	vld [tilespmem:s8+$0x18860]  }
0x3d: {  	v23 =	vld [tilespmem:s8+$0x18870]  }
0x3e: {  	v51 =	vld [tilespmem:s8+$0x18C30]  }
0x3f: {  	v52 =	vld [tilespmem:s8+$0x18C40]  }
0x40: {  	v53 =	vld [tilespmem:s8+$0x18C50]  }
0x41: {  	v54 =	vld [tilespmem:s8+$0x18C60]  }
0x42: {  	v55 =	vld [tilespmem:s8+$0x18C70]  }
0x43: {  	v56 =	vld [tilespmem:s8+$0x19000]  }
0x44: {  	v57 =	vld [tilespmem:s8+$0x19010]  }
0x45: {  	v58 =	vld [tilespmem:s8+$0x19020]  }
0x46: {  	v59 =	vld [tilespmem:s8+$0x19030]  }
0x47: {  	v60 =	vld [tilespmem:s8+$0x19040]  }
0x48: {  	v61 =	vld [tilespmem:s8+$0x19050]  }
0x49: {  	v62 =	vld [tilespmem:s8+$0x19060]  }
0x4a: {  	v63 =	vld [tilespmem:s8+$0x19070]  }
0x4b: {  	v24 =	vld [tilespmem:s8+$0x19400]  }
0x4c: {  	v25 =	vld [tilespmem:s8+$0x19410]  }
0x4d: {  	s12 =	simm.s32 $0x0;
	v26 =	vld [tilespmem:s8+$0x19420]  }
0x4e: {  	s12 =	smul.u32 $0x6000, s12;
	v27 =	vld [tilespmem:s8+$0x19430]  }
0x4f: {  	v28 =	vld [tilespmem:s8+$0x19440]  }
0x50: {  	s12 =	sshra.s32 s12, $0x2;
	v29 =	vld [tilespmem:s8+$0x19450]  }
0x51: {  	s12 =	sor.u32 s8, s12;
	v30 =	vld [tilespmem:s8+$0x19460]  }
0x52: {  	[tilespmem:s12+$0x0] =	vst.add.f32.msk $0xffff, v0  }
0x53: {  	s28 =	sor.u32 $0x10, s12;
	v0 =	vld [tilespmem:s8+$0x19470]  }
0x54: {  	[tilespmem:s28+$0x0] =	vst.add.f32.msk $0xffff, v1  }
0x55: {  	s28 =	sor.u32 $0x20, s12;
	v1 =	vld [tilespmem:s8+$0x18C00]  }
0x56: {  	[tilespmem:s28+$0x0] =	vst.add.f32.msk $0xffff, v2  }
0x57: {  	s28 =	sor.u32 $0x30, s12;
	v2 =	vld [tilespmem:s8+$0x18C10]  }
0x58: {  	[tilespmem:s28+$0x0] =	vst.add.f32.msk $0xffff, v3  }
0x59: {  	v3 =	vld [tilespmem:s8+$0x18C20]  }
0x5a: {  	[tilespmem:s12+$0xC30] =	vst.add.f32.msk $0xffff, v51  }
0x5b: {  	[tilespmem:s12+$0xC40] =	vst.add.f32.msk $0xffff, v52  }
0x5c: {  	[tilespmem:s12+$0xC50] =	vst.add.f32.msk $0xffff, v53  }
0x5d: {  	[tilespmem:s12+$0xC60] =	vst.add.f32.msk $0xffff, v54  }
0x5e: {  	[tilespmem:s12+$0xC70] =	vst.add.f32.msk $0xffff, v55  }
0x5f: {  	[tilespmem:s12+$0x1000] =	vst.add.f32.msk $0xffff, v56  }
0x60: {  	[tilespmem:s12+$0x1010] =	vst.add.f32.msk $0xffff, v57  }
0x61: {  	[tilespmem:s12+$0x1020] =	vst.add.f32.msk $0xffff, v58  }
0x62: {  	[tilespmem:s12+$0x1030] =	vst.add.f32.msk $0xffff, v59  }
0x63: {  	[tilespmem:s12+$0x1040] =	vst.add.f32.msk $0xffff, v60  }
0x64: {  	[tilespmem:s12+$0x1050] =	vst.add.f32.msk $0xffff, v61  }
0x65: {  	[tilespmem:s12+$0x1060] =	vst.add.f32.msk $0xffff, v62  }
0x66: {  	[tilespmem:s12+$0x1070] =	vst.add.f32.msk $0xffff, v63  }
0x67: {  	[tilespmem:s12+$0x1400] =	vst.add.f32.msk $0xffff, v24  }
0x68: {  	[tilespmem:s12+$0x1410] =	vst.add.f32.msk $0xffff, v25  }
0x69: {  	[tilespmem:s12+$0x1420] =	vst.add.f32.msk $0xffff, v26  }
0x6a: {  	[tilespmem:s12+$0x1430] =	vst.add.f32.msk $0xffff, v27  }
0x6b: {  	[tilespmem:s12+$0x1440] =	vst.add.f32.msk $0xffff, v28  }
0x6c: {  	[tilespmem:s12+$0x1450] =	vst.add.f32.msk $0xffff, v29  }
0x6d: {  	s28 =	sor.u32 $0x40, s12;
	[tilespmem:s12+$0x1460] =	vst.add.f32.msk $0xffff, v30  }
0x6e: {  	[tilespmem:s28+$0x0] =	vst.add.f32.msk $0xffff, v4;
	s28 =	sor.u32 $0x50, s12  }
0x6f: {  	[tilespmem:s28+$0x0] =	vst.add.f32.msk $0xffff, v5;
	s28 =	sor.u32 $0x60, s12  }
0x70: {  	[tilespmem:s28+$0x0] =	vst.add.f32.msk $0xffff, v6  }
0x71: {  	s28 =	sor.u32 $0x70, s12;
	[tilespmem:s12+$0xC00] =	vst.add.f32.msk $0xffff, v1  }
0x72: {  	[tilespmem:s28+$0x0] =	vst.add.f32.msk $0xffff, v7  }
0x73: {  	s28 =	sor.u32 $0x400, s12;
	[tilespmem:s12+$0xC10] =	vst.add.f32.msk $0xffff, v2  }
0x74: {  	[tilespmem:s28+$0x0] =	vst.add.f32.msk $0xffff, v8  }
0x75: {  	s28 =	sor.u32 $0x410, s12;
	[tilespmem:s12+$0xC20] =	vst.add.f32.msk $0xffff, v3  }
0x76: {  	[tilespmem:s28+$0x0] =	vst.add.f32.msk $0xffff, v9;
	s28 =	sor.u32 $0x420, s12  }
0x77: {  	[tilespmem:s28+$0x0] =	vst.add.f32.msk $0xffff, v10;
	s28 =	sor.u32 $0x430, s12  }
0x78: {  	[tilespmem:s28+$0x0] =	vst.add.f32.msk $0xffff, v11;
	s28 =	sor.u32 $0x440, s12  }
0x79: {  	[tilespmem:s28+$0x0] =	vst.add.f32.msk $0xffff, v12;
	s28 =	sor.u32 $0x450, s12  }
0x7a: {  	[tilespmem:s28+$0x0] =	vst.add.f32.msk $0xffff, v13;
	s28 =	sor.u32 $0x460, s12  }
0x7b: {  	[tilespmem:s28+$0x0] =	vst.add.f32.msk $0xffff, v14;
	s28 =	sor.u32 $0x470, s12  }
0x7c: {  	[tilespmem:s28+$0x0] =	vst.add.f32.msk $0xffff, v15  }
0x7d: {  	[tilespmem:s12+$0x870] =	vst.add.f32.msk $0xffff, v23  }
0x7e: {  	[tilespmem:s12+$0x800] =	vst.add.f32.msk $0xffff, v16  }
0x7f: {  	[tilespmem:s12+$0x810] =	vst.add.f32.msk $0xffff, v17  }
0x80: {  	[tilespmem:s12+$0x820] =	vst.add.f32.msk $0xffff, v18  }
0x81: {  	[tilespmem:s12+$0x830] =	vst.add.f32.msk $0xffff, v19  }
0x82: {  	[tilespmem:s12+$0x840] =	vst.add.f32.msk $0xffff, v20  }
0x83: {  	s30 =	sshll.u32 s31, $0x5;
	[tilespmem:s12+$0x850] =	vst.add.f32.msk $0xffff, v21  }
0x84: {  	s29 =	simm.s32 $0x80;
	s8 =	sadd.s32 s5, s30;
	s28 =	simm.s32 $0x0;
	[tilespmem:s12+$0x860] =	vst.add.f32.msk $0xffff, v22  }
.LBB2_3:
0x85: {  	s30 =	sand.u32 $0x380, s29;
	[tilespmem:s12+$0x1470] =	vst.add.f32.msk $0xffff, v0  }
0x86: {  	v0 =	vld [tilespmem:s30+$0x18000]  }
0x87: {  	v1 =	vld [tilespmem:s30+$0x18010]  }
0x88: {  	v2 =	vld [tilespmem:s30+$0x18020]  }
0x89: {  	v3 =	vld [tilespmem:s30+$0x18030]  }
0x8a: {  	v4 =	vld [tilespmem:s30+$0x18040]  }
0x8b: {  	v5 =	vld [tilespmem:s30+$0x18050]  }
0x8c: {  	v6 =	vld [tilespmem:s30+$0x18060]  }
0x8d: {  	v7 =	vld [tilespmem:s30+$0x18070]  }
0x8e: {  	v8 =	vld [tilespmem:s30+$0x18400]  }
0x8f: {  	v9 =	vld [tilespmem:s30+$0x18410]  }
0x90: {  	v10 =	vld [tilespmem:s30+$0x18420]  }
0x91: {  	v11 =	vld [tilespmem:s30+$0x18430]  }
0x92: {  	v12 =	vld [tilespmem:s30+$0x18440]  }
0x93: {  	v13 =	vld [tilespmem:s30+$0x18450]  }
0x94: {  	v14 =	vld [tilespmem:s30+$0x18460]  }
0x95: {  	v15 =	vld [tilespmem:s30+$0x18470]  }
0x96: {  	v16 =	vld [tilespmem:s30+$0x18800]  }
0x97: {  	v17 =	vld [tilespmem:s30+$0x18810]  }
0x98: {  	s28 =	sadd.s32 $0x2, s28;
	v18 =	vld [tilespmem:s30+$0x18820]  }
0x99: {  	s12 =	sshrl.u32 s28, $0x4;
	p1 =	slt.u32 s28, $0x3E;
	v19 =	vld [tilespmem:s30+$0x18830]  }
0x9a: {  	s12 =	smul.u32 $0x6000, s12;
	v20 =	vld [tilespmem:s30+$0x18840]  }
0x9b: {  	v21 =	vld [tilespmem:s30+$0x18850]  }
0x9c: {  	s12 =	sshra.s32 s12, $0x2;
	v22 =	vld [tilespmem:s30+$0x18860]  }
0x9d: {  	s12 =	sor.u32 s30, s12;
	v23 =	vld [tilespmem:s30+$0x18870]  }
0x9e: {  	s13 =	sor.u32 $0x10, s12;
	[tilespmem:s12+$0x0] =	vst.add.f32.msk $0xffff, v0  }
0x9f: {  	[tilespmem:s13+$0x0] =	vst.add.f32.msk $0xffff, v1;
	s13 =	sor.u32 $0x20, s12  }
0xa0: {  	[tilespmem:s13+$0x0] =	vst.add.f32.msk $0xffff, v2;
	s13 =	sor.u32 $0x30, s12  }
0xa1: {  	[tilespmem:s13+$0x0] =	vst.add.f32.msk $0xffff, v3;
	s13 =	sor.u32 $0x40, s12  }
0xa2: {  	[tilespmem:s13+$0x0] =	vst.add.f32.msk $0xffff, v4;
	s13 =	sor.u32 $0x50, s12  }
0xa3: {  	[tilespmem:s13+$0x0] =	vst.add.f32.msk $0xffff, v5;
	s13 =	sor.u32 $0x60, s12  }
0xa4: {  	[tilespmem:s13+$0x0] =	vst.add.f32.msk $0xffff, v6;
	s13 =	sor.u32 $0x70, s12  }
0xa5: {  	[tilespmem:s13+$0x0] =	vst.add.f32.msk $0xffff, v7;
	s13 =	sor.u32 $0x400, s12  }
0xa6: {  	[tilespmem:s13+$0x0] =	vst.add.f32.msk $0xffff, v8;
	s13 =	sor.u32 $0x410, s12  }
0xa7: {  	[tilespmem:s13+$0x0] =	vst.add.f32.msk $0xffff, v9;
	s13 =	sor.u32 $0x420, s12  }
0xa8: {  	[tilespmem:s13+$0x0] =	vst.add.f32.msk $0xffff, v10;
	s13 =	sor.u32 $0x430, s12  }
0xa9: {  	[tilespmem:s13+$0x0] =	vst.add.f32.msk $0xffff, v11;
	s13 =	sor.u32 $0x440, s12  }
0xaa: {  	[tilespmem:s13+$0x0] =	vst.add.f32.msk $0xffff, v12;
	s13 =	sor.u32 $0x450, s12  }
0xab: {  	[tilespmem:s13+$0x0] =	vst.add.f32.msk $0xffff, v13;
	s13 =	sor.u32 $0x460, s12  }
0xac: {  	[tilespmem:s13+$0x0] =	vst.add.f32.msk $0xffff, v14;
	s13 =	sor.u32 $0x470, s12  }
0xad: {  	[tilespmem:s13+$0x0] =	vst.add.f32.msk $0xffff, v15  }
0xae: {  	[tilespmem:s12+$0x870] =	vst.add.f32.msk $0xffff, v23  }
0xaf: {  	v1 =	vld [tilespmem:s30+$0x18C00]  }
0xb0: {  	v2 =	vld [tilespmem:s30+$0x18C10]  }
0xb1: {  	v3 =	vld [tilespmem:s30+$0x18C20]  }
0xb2: {  	v4 =	vld [tilespmem:s30+$0x18C30]  }
0xb3: {  	v5 =	vld [tilespmem:s30+$0x18C40]  }
0xb4: {  	v6 =	vld [tilespmem:s30+$0x18C50]  }
0xb5: {  	v7 =	vld [tilespmem:s30+$0x18C60]  }
0xb6: {  	v8 =	vld [tilespmem:s30+$0x18C70]  }
0xb7: {  	v9 =	vld [tilespmem:s30+$0x19000]  }
0xb8: {  	v10 =	vld [tilespmem:s30+$0x19010]  }
0xb9: {  	v11 =	vld [tilespmem:s30+$0x19020]  }
0xba: {  	v12 =	vld [tilespmem:s30+$0x19030]  }
0xbb: {  	v13 =	vld [tilespmem:s30+$0x19040]  }
0xbc: {  	v14 =	vld [tilespmem:s30+$0x19050]  }
0xbd: {  	v15 =	vld [tilespmem:s30+$0x19060]  }
0xbe: {  	v23 =	vld [tilespmem:s30+$0x19070]  }
0xbf: {  	v24 =	vld [tilespmem:s30+$0x19400]  }
0xc0: {  	v25 =	vld [tilespmem:s30+$0x19410]  }
0xc1: {  	v26 =	vld [tilespmem:s30+$0x19420]  }
0xc2: {  	v27 =	vld [tilespmem:s30+$0x19430]  }
0xc3: {  	v28 =	vld [tilespmem:s30+$0x19440]  }
0xc4: {  	v29 =	vld [tilespmem:s30+$0x19450]  }
0xc5: {  	v30 =	vld [tilespmem:s30+$0x19460]  }
0xc6: {  	v0 =	vld [tilespmem:s30+$0x19470]  }
0xc7: {  	[tilespmem:s12+$0x800] =	vst.add.f32.msk $0xffff, v16  }
0xc8: {  	[tilespmem:s12+$0x810] =	vst.add.f32.msk $0xffff, v17  }
0xc9: {  	[tilespmem:s12+$0x820] =	vst.add.f32.msk $0xffff, v18  }
0xca: {  	[tilespmem:s12+$0x830] =	vst.add.f32.msk $0xffff, v19  }
0xcb: {  	[tilespmem:s12+$0x840] =	vst.add.f32.msk $0xffff, v20  }
0xcc: {  	[tilespmem:s12+$0x850] =	vst.add.f32.msk $0xffff, v21  }
0xcd: {  	[tilespmem:s12+$0x860] =	vst.add.f32.msk $0xffff, v22  }
0xce: {  	[tilespmem:s12+$0xC00] =	vst.add.f32.msk $0xffff, v1  }
0xcf: {  	[tilespmem:s12+$0xC10] =	vst.add.f32.msk $0xffff, v2  }
0xd0: {  	[tilespmem:s12+$0xC20] =	vst.add.f32.msk $0xffff, v3  }
0xd1: {  	[tilespmem:s12+$0xC30] =	vst.add.f32.msk $0xffff, v4  }
0xd2: {  	[tilespmem:s12+$0xC40] =	vst.add.f32.msk $0xffff, v5  }
0xd3: {  	[tilespmem:s12+$0xC50] =	vst.add.f32.msk $0xffff, v6  }
0xd4: {  	[tilespmem:s12+$0xC60] =	vst.add.f32.msk $0xffff, v7  }
0xd5: {  	[tilespmem:s12+$0xC70] =	vst.add.f32.msk $0xffff, v8  }
0xd6: {  	[tilespmem:s12+$0x1000] =	vst.add.f32.msk $0xffff, v9  }
0xd7: {  	[tilespmem:s12+$0x1010] =	vst.add.f32.msk $0xffff, v10  }
0xd8: {  	[tilespmem:s12+$0x1020] =	vst.add.f32.msk $0xffff, v11  }
0xd9: {  	[tilespmem:s12+$0x1030] =	vst.add.f32.msk $0xffff, v12  }
0xda: {  	[tilespmem:s12+$0x1040] =	vst.add.f32.msk $0xffff, v13  }
0xdb: {  	[tilespmem:s12+$0x1050] =	vst.add.f32.msk $0xffff, v14  }
0xdc: {  	[tilespmem:s12+$0x1060] =	vst.add.f32.msk $0xffff, v15  }
0xdd: {  	[tilespmem:s12+$0x1070] =	vst.add.f32.msk $0xffff, v23  }
0xde: {  	[tilespmem:s12+$0x1400] =	vst.add.f32.msk $0xffff, v24  }
0xdf: {  	[tilespmem:s12+$0x1410] =	vst.add.f32.msk $0xffff, v25  }
.Ltmp0:
0xe0: {  	[tilespmem:s12+$0x1420] =	vst.add.f32.msk $0xffff, v26;
	(pc) =	sbr.rel @p1 .LBB2_3-.Ltmp0, $4  }
0xe1: {  	[tilespmem:s12+$0x1430] =	vst.add.f32.msk $0xffff, v27  }
0xe2: {  	[tilespmem:s12+$0x1440] =	vst.add.f32.msk $0xffff, v28  }
0xe3: {  	[tilespmem:s12+$0x1450] =	vst.add.f32.msk $0xffff, v29  }
0xe4: {  	s29 =	sadd.s32 $0x80, s29;
	[tilespmem:s12+$0x1460] =	vst.add.f32.msk $0xffff, v30  }
0xe5: {  	s8 =	sshrl.u32 s8, $0x3  }
0xe6: {  	s8 =	smul.u32 $0x300, s8;
	_ =	sdelay $0x1  }
0xe7: {  	[tilespmem:s12+$0x1470] =	vst.add.f32.msk $0xffff, v0;
	s8 =	sadd.s32 s4, s8  }
0xe8: {  	[hbm4b:s8+s14] =	stream.strided.scatter [tilespmem:s7], [sflag:$0x7], $0x6000, s15, s14, $0x38;
	[tilespmem:$0x1B000] =	vst v63  }
0xe9: {  	s29 =	sadd.s32 s3, s9;
	s30 =	simm.s32 $0x18000  }
0xea: {  	[tilespmem:s30], [sflag:$0x5] =	stream.linear.gather [hbm4b:s29+s7], $0x1800, $0x38;
	[tilespmem:$0x1B000] =	vst v63  }
0xeb: {  	_ =	swait.ge [sflag:s21], $0x1800  }
0xec: {  	[sflag:s21] =	ssyncset.done $0x0  }
0xed: {  	s8 =	simm.s32 @!p0 $0xA;
	[sflag:s21] =	ssyncadd.s32 $0xFFFFE800  }
0xee: {  	_ =	swait.ge @!p0 [sflag:s8], $0x6000  }
0xef: {  	s0 =	sadd.s32 $0x900, s0;
	[sflag:s8] =	ssyncset.done @!p0 $0x0  }
0xf0: {  	s13 =	sadd.s32 s1, s0;
	[sflag:s8] =	ssyncadd.s32 @!p0 $0xFFFFA000  }
0xf1: {  	[tilespmem:s22], [sflag:$0x4] =	stream.strided.gather [hbm4b:s13+s14], $0x6000, s15, s14, $0x38;
	[tilespmem:$0x1B000] =	vst v63  }
0xf2: {  	_ =	swait.ge [sflag:s23], $0x6000  }
0xf3: {  	s29 =	simm.s32 $0x0;
	[sflag:s23] =	ssyncset.done $0x0  }
0xf4: {  	s8 =	sand.u32 $0x380, s29;
	[sflag:s23] =	ssyncadd.s32 $0xFFFFA000  }
0xf5: {  	v1 =	vld [tilespmem:s8+$0x1A400]  }
0xf6: {  	v2 =	vld [tilespmem:s8+$0x1A410]  }
0xf7: {  	v3 =	vld [tilespmem:s8+$0x1A420]  }
0xf8: {  	v4 =	vld [tilespmem:s8+$0x1A430]  }
0xf9: {  	v5 =	vld [tilespmem:s8+$0x1A440]  }
0xfa: {  	v6 =	vld [tilespmem:s8+$0x1A450]  }
0xfb: {  	v7 =	vld [tilespmem:s8+$0x1A460]  }
0xfc: {  	v8 =	vld [tilespmem:s8+$0x1A470]  }
0xfd: {  	v9 =	vld [tilespmem:s8+$0x1A800]  }
0xfe: {  	v10 =	vld [tilespmem:s8+$0x1A810]  }
0xff: {  	v11 =	vld [tilespmem:s8+$0x1A820]  }
0x100: {  	v12 =	vld [tilespmem:s8+$0x1A830]  }
0x101: {  	v13 =	vld [tilespmem:s8+$0x1A840]  }
0x102: {  	v14 =	vld [tilespmem:s8+$0x1A850]  }
0x103: {  	v15 =	vld [tilespmem:s8+$0x1A860]  }
0x104: {  	v16 =	vld [tilespmem:s8+$0x1A870]  }
0x105: {  	v17 =	vld [tilespmem:s8+$0x1AC00]  }
0x106: {  	v18 =	vld [tilespmem:s8+$0x1AC10]  }
0x107: {  	v19 =	vld [tilespmem:s8+$0x1AC20]  }
0x108: {  	v20 =	vld [tilespmem:s8+$0x1AC70]  }
0x109: {  	v21 =	vld [tilespmem:s8+$0x1AC30]  }
0x10a: {  	v22 =	vld [tilespmem:s8+$0x1AC40]  }
0x10b: {  	v23 =	vld [tilespmem:s8+$0x1AC50]  }
0x10c: {  	v0 =	vld [tilespmem:s8+$0x1AC60]  }
0x10d: {  	v63 =	vld [tilespmem:s8+$0x19800]  }
0x10e: {  	v24 =	vld [tilespmem:s8+$0x19810]  }
0x10f: {  	v25 =	vld [tilespmem:s8+$0x19820]  }
0x110: {  	v26 =	vld [tilespmem:s8+$0x19830]  }
0x111: {  	v27 =	vld [tilespmem:s8+$0x19840]  }
0x112: {  	v28 =	vld [tilespmem:s8+$0x19850]  }
0x113: {  	v29 =	vld [tilespmem:s8+$0x19860]  }
0x114: {  	v30 =	vld [tilespmem:s8+$0x19870]  }
0x115: {  	v31 =	vld [tilespmem:s8+$0x19C00]  }
0x116: {  	v32 =	vld [tilespmem:s8+$0x19C10]  }
0x117: {  	v33 =	vld [tilespmem:s8+$0x19C20]  }
0x118: {  	v34 =	vld [tilespmem:s8+$0x19C30]  }
0x119: {  	v35 =	vld [tilespmem:s8+$0x19C40]  }
0x11a: {  	v36 =	vld [tilespmem:s8+$0x19C50]  }
0x11b: {  	v37 =	vld [tilespmem:s8+$0x19C60]  }
0x11c: {  	v38 =	vld [tilespmem:s8+$0x19C70]  }
0x11d: {  	v39 =	vld [tilespmem:s8+$0x1A000]  }
0x11e: {  	v40 =	vld [tilespmem:s8+$0x1A010]  }
0x11f: {  	v41 =	vld [tilespmem:s8+$0x1A020]  }
0x120: {  	s30 =	simm.s32 $0x0;
	v42 =	vld [tilespmem:s8+$0x1A030]  }
0x121: {  	s12 =	smul.u32 $0x6000, s30;
	v43 =	vld [tilespmem:s8+$0x1A040]  }
0x122: {  	v44 =	vld [tilespmem:s8+$0x1A050]  }
0x123: {  	s12 =	sshra.s32 s12, $0x2;
	v45 =	vld [tilespmem:s8+$0x1A060]  }
0x124: {  	s12 =	sor.u32 s8, s12;
	v46 =	vld [tilespmem:s8+$0x1A070]  }
0x125: {  	[tilespmem:s12+$0x7470] =	vst.add.f32.msk $0xffff, v20  }
0x126: {  	[tilespmem:s12+$0x6000] =	vst.add.f32.msk $0xffff, v63  }
0x127: {  	[tilespmem:s12+$0x6010] =	vst.add.f32.msk $0xffff, v24  }
0x128: {  	[tilespmem:s12+$0x6020] =	vst.add.f32.msk $0xffff, v25  }
0x129: {  	[tilespmem:s12+$0x6030] =	vst.add.f32.msk $0xffff, v26  }
0x12a: {  	[tilespmem:s12+$0x6040] =	vst.add.f32.msk $0xffff, v27  }
0x12b: {  	[tilespmem:s12+$0x6050] =	vst.add.f32.msk $0xffff, v28  }
0x12c: {  	[tilespmem:s12+$0x6060] =	vst.add.f32.msk $0xffff, v29  }
0x12d: {  	[tilespmem:s12+$0x6070] =	vst.add.f32.msk $0xffff, v30  }
0x12e: {  	[tilespmem:s12+$0x6400] =	vst.add.f32.msk $0xffff, v31  }
0x12f: {  	[tilespmem:s12+$0x6410] =	vst.add.f32.msk $0xffff, v32  }
0x130: {  	[tilespmem:s12+$0x6420] =	vst.add.f32.msk $0xffff, v33  }
0x131: {  	[tilespmem:s12+$0x6430] =	vst.add.f32.msk $0xffff, v34  }
0x132: {  	[tilespmem:s12+$0x6440] =	vst.add.f32.msk $0xffff, v35  }
0x133: {  	[tilespmem:s12+$0x6450] =	vst.add.f32.msk $0xffff, v36  }
0x134: {  	[tilespmem:s12+$0x6460] =	vst.add.f32.msk $0xffff, v37  }
0x135: {  	[tilespmem:s12+$0x6470] =	vst.add.f32.msk $0xffff, v38  }
0x136: {  	[tilespmem:s12+$0x6800] =	vst.add.f32.msk $0xffff, v39  }
0x137: {  	[tilespmem:s12+$0x6810] =	vst.add.f32.msk $0xffff, v40  }
0x138: {  	[tilespmem:s12+$0x6820] =	vst.add.f32.msk $0xffff, v41  }
0x139: {  	[tilespmem:s12+$0x6830] =	vst.add.f32.msk $0xffff, v42  }
0x13a: {  	[tilespmem:s12+$0x6840] =	vst.add.f32.msk $0xffff, v43  }
0x13b: {  	[tilespmem:s12+$0x6850] =	vst.add.f32.msk $0xffff, v44  }
0x13c: {  	[tilespmem:s12+$0x6860] =	vst.add.f32.msk $0xffff, v45  }
0x13d: {  	[tilespmem:s12+$0x6870] =	vst.add.f32.msk $0xffff, v46  }
0x13e: {  	[tilespmem:s12+$0x6C00] =	vst.add.f32.msk $0xffff, v1  }
0x13f: {  	[tilespmem:s12+$0x6C10] =	vst.add.f32.msk $0xffff, v2  }
0x140: {  	[tilespmem:s12+$0x6C20] =	vst.add.f32.msk $0xffff, v3  }
0x141: {  	[tilespmem:s12+$0x6C30] =	vst.add.f32.msk $0xffff, v4  }
0x142: {  	[tilespmem:s12+$0x6C40] =	vst.add.f32.msk $0xffff, v5  }
0x143: {  	[tilespmem:s12+$0x6C50] =	vst.add.f32.msk $0xffff, v6  }
0x144: {  	[tilespmem:s12+$0x6C60] =	vst.add.f32.msk $0xffff, v7  }
0x145: {  	[tilespmem:s12+$0x6C70] =	vst.add.f32.msk $0xffff, v8  }
0x146: {  	[tilespmem:s12+$0x7000] =	vst.add.f32.msk $0xffff, v9  }
0x147: {  	[tilespmem:s12+$0x7010] =	vst.add.f32.msk $0xffff, v10  }
0x148: {  	[tilespmem:s12+$0x7020] =	vst.add.f32.msk $0xffff, v11  }
0x149: {  	[tilespmem:s12+$0x7030] =	vst.add.f32.msk $0xffff, v12  }
0x14a: {  	[tilespmem:s12+$0x7040] =	vst.add.f32.msk $0xffff, v13  }
0x14b: {  	[tilespmem:s12+$0x7050] =	vst.add.f32.msk $0xffff, v14  }
0x14c: {  	[tilespmem:s12+$0x7060] =	vst.add.f32.msk $0xffff, v15  }
0x14d: {  	[tilespmem:s12+$0x7070] =	vst.add.f32.msk $0xffff, v16  }
0x14e: {  	[tilespmem:s12+$0x7400] =	vst.add.f32.msk $0xffff, v17  }
0x14f: {  	[tilespmem:s12+$0x7410] =	vst.add.f32.msk $0xffff, v18  }
0x150: {  	[tilespmem:s12+$0x7420] =	vst.add.f32.msk $0xffff, v19  }
0x151: {  	[tilespmem:s12+$0x7430] =	vst.add.f32.msk $0xffff, v21  }
0x152: {  	[tilespmem:s12+$0x7440] =	vst.add.f32.msk $0xffff, v22  }
0x153: {  	s28 =	simm.s32 $0x80;
	s8 =	simm.s32 $0x0;
	[tilespmem:s12+$0x7450] =	vst.add.f32.msk $0xffff, v23  }
.LBB2_5:
0x154: {  	s29 =	sand.u32 $0x380, s28;
	[tilespmem:s12+$0x7460] =	vst.add.f32.msk $0xffff, v0  }
0x155: {  	v1 =	vld [tilespmem:s29+$0x1A400]  }
0x156: {  	v2 =	vld [tilespmem:s29+$0x1A410]  }
0x157: {  	v3 =	vld [tilespmem:s29+$0x1A420]  }
0x158: {  	v4 =	vld [tilespmem:s29+$0x1A430]  }
0x159: {  	v5 =	vld [tilespmem:s29+$0x1A440]  }
0x15a: {  	v6 =	vld [tilespmem:s29+$0x1A450]  }
0x15b: {  	v7 =	vld [tilespmem:s29+$0x1A460]  }
0x15c: {  	v8 =	vld [tilespmem:s29+$0x1A470]  }
0x15d: {  	v9 =	vld [tilespmem:s29+$0x1A800]  }
0x15e: {  	v10 =	vld [tilespmem:s29+$0x1A810]  }
0x15f: {  	v11 =	vld [tilespmem:s29+$0x1A820]  }
0x160: {  	v12 =	vld [tilespmem:s29+$0x1A830]  }
0x161: {  	v13 =	vld [tilespmem:s29+$0x1A840]  }
0x162: {  	v14 =	vld [tilespmem:s29+$0x1A850]  }
0x163: {  	v15 =	vld [tilespmem:s29+$0x1A860]  }
0x164: {  	v16 =	vld [tilespmem:s29+$0x1A870]  }
0x165: {  	v17 =	vld [tilespmem:s29+$0x1AC00]  }
0x166: {  	v18 =	vld [tilespmem:s29+$0x1AC10]  }
0x167: {  	s8 =	sadd.s32 $0x2, s8;
	v19 =	vld [tilespmem:s29+$0x1AC20]  }
0x168: {  	s12 =	sshrl.u32 s8, $0x4;
	p0 =	slt.u32 s8, $0x3E;
	v23 =	vld [tilespmem:s29+$0x1AC70]  }
0x169: {  	s12 =	smul.u32 $0x6000, s12;
	v20 =	vld [tilespmem:s29+$0x1AC30]  }
0x16a: {  	v21 =	vld [tilespmem:s29+$0x1AC40]  }
0x16b: {  	s12 =	sshra.s32 s12, $0x2;
	v22 =	vld [tilespmem:s29+$0x1AC50]  }
0x16c: {  	s12 =	sor.u32 s29, s12;
	v0 =	vld [tilespmem:s29+$0x1AC60]  }
0x16d: {  	[tilespmem:s12+$0x7470] =	vst.add.f32.msk $0xffff, v23  }
0x16e: {  	v23 =	vld [tilespmem:s29+$0x19800]  }
0x16f: {  	v24 =	vld [tilespmem:s29+$0x19810]  }
0x170: {  	v25 =	vld [tilespmem:s29+$0x19820]  }
0x171: {  	v26 =	vld [tilespmem:s29+$0x19830]  }
0x172: {  	v27 =	vld [tilespmem:s29+$0x19840]  }
0x173: {  	v28 =	vld [tilespmem:s29+$0x19850]  }
0x174: {  	v29 =	vld [tilespmem:s29+$0x19860]  }
0x175: {  	v30 =	vld [tilespmem:s29+$0x19870]  }
0x176: {  	v31 =	vld [tilespmem:s29+$0x19C00]  }
0x177: {  	v32 =	vld [tilespmem:s29+$0x19C10]  }
0x178: {  	v33 =	vld [tilespmem:s29+$0x19C20]  }
0x179: {  	v34 =	vld [tilespmem:s29+$0x19C30]  }
0x17a: {  	v35 =	vld [tilespmem:s29+$0x19C40]  }
0x17b: {  	v36 =	vld [tilespmem:s29+$0x19C50]  }
0x17c: {  	v37 =	vld [tilespmem:s29+$0x19C60]  }
0x17d: {  	v38 =	vld [tilespmem:s29+$0x19C70]  }
0x17e: {  	v39 =	vld [tilespmem:s29+$0x1A000]  }
0x17f: {  	v40 =	vld [tilespmem:s29+$0x1A010]  }
0x180: {  	v41 =	vld [tilespmem:s29+$0x1A020]  }
0x181: {  	v42 =	vld [tilespmem:s29+$0x1A030]  }
0x182: {  	v43 =	vld [tilespmem:s29+$0x1A040]  }
0x183: {  	v44 =	vld [tilespmem:s29+$0x1A050]  }
0x184: {  	v45 =	vld [tilespmem:s29+$0x1A060]  }
0x185: {  	v46 =	vld [tilespmem:s29+$0x1A070]  }
0x186: {  	[tilespmem:s12+$0x6000] =	vst.add.f32.msk $0xffff, v23  }
0x187: {  	[tilespmem:s12+$0x6010] =	vst.add.f32.msk $0xffff, v24  }
0x188: {  	[tilespmem:s12+$0x6020] =	vst.add.f32.msk $0xffff, v25  }
0x189: {  	[tilespmem:s12+$0x6030] =	vst.add.f32.msk $0xffff, v26  }
0x18a: {  	[tilespmem:s12+$0x6040] =	vst.add.f32.msk $0xffff, v27  }
0x18b: {  	[tilespmem:s12+$0x6050] =	vst.add.f32.msk $0xffff, v28  }
0x18c: {  	[tilespmem:s12+$0x6060] =	vst.add.f32.msk $0xffff, v29  }
0x18d: {  	[tilespmem:s12+$0x6070] =	vst.add.f32.msk $0xffff, v30  }
0x18e: {  	[tilespmem:s12+$0x6400] =	vst.add.f32.msk $0xffff, v31  }
0x18f: {  	[tilespmem:s12+$0x6410] =	vst.add.f32.msk $0xffff, v32  }
0x190: {  	[tilespmem:s12+$0x6420] =	vst.add.f32.msk $0xffff, v33  }
0x191: {  	[tilespmem:s12+$0x6430] =	vst.add.f32.msk $0xffff, v34  }
0x192: {  	[tilespmem:s12+$0x6440] =	vst.add.f32.msk $0xffff, v35  }
0x193: {  	[tilespmem:s12+$0x6450] =	vst.add.f32.msk $0xffff, v36  }
0x194: {  	[tilespmem:s12+$0x6460] =	vst.add.f32.msk $0xffff, v37  }
0x195: {  	[tilespmem:s12+$0x6470] =	vst.add.f32.msk $0xffff, v38  }
0x196: {  	[tilespmem:s12+$0x6800] =	vst.add.f32.msk $0xffff, v39  }
0x197: {  	[tilespmem:s12+$0x6810] =	vst.add.f32.msk $0xffff, v40  }
0x198: {  	[tilespmem:s12+$0x6820] =	vst.add.f32.msk $0xffff, v41  }
0x199: {  	[tilespmem:s12+$0x6830] =	vst.add.f32.msk $0xffff, v42  }
0x19a: {  	[tilespmem:s12+$0x6840] =	vst.add.f32.msk $0xffff, v43  }
0x19b: {  	[tilespmem:s12+$0x6850] =	vst.add.f32.msk $0xffff, v44  }
0x19c: {  	[tilespmem:s12+$0x6860] =	vst.add.f32.msk $0xffff, v45  }
0x19d: {  	[tilespmem:s12+$0x6870] =	vst.add.f32.msk $0xffff, v46  }
0x19e: {  	[tilespmem:s12+$0x6C00] =	vst.add.f32.msk $0xffff, v1  }
0x19f: {  	[tilespmem:s12+$0x6C10] =	vst.add.f32.msk $0xffff, v2  }
0x1a0: {  	[tilespmem:s12+$0x6C20] =	vst.add.f32.msk $0xffff, v3  }
0x1a1: {  	[tilespmem:s12+$0x6C30] =	vst.add.f32.msk $0xffff, v4  }
0x1a2: {  	[tilespmem:s12+$0x6C40] =	vst.add.f32.msk $0xffff, v5  }
0x1a3: {  	[tilespmem:s12+$0x6C50] =	vst.add.f32.msk $0xffff, v6  }
0x1a4: {  	[tilespmem:s12+$0x6C60] =	vst.add.f32.msk $0xffff, v7  }
0x1a5: {  	[tilespmem:s12+$0x6C70] =	vst.add.f32.msk $0xffff, v8  }
0x1a6: {  	[tilespmem:s12+$0x7000] =	vst.add.f32.msk $0xffff, v9  }
0x1a7: {  	[tilespmem:s12+$0x7010] =	vst.add.f32.msk $0xffff, v10  }
0x1a8: {  	[tilespmem:s12+$0x7020] =	vst.add.f32.msk $0xffff, v11  }
0x1a9: {  	[tilespmem:s12+$0x7030] =	vst.add.f32.msk $0xffff, v12  }
0x1aa: {  	[tilespmem:s12+$0x7040] =	vst.add.f32.msk $0xffff, v13  }
0x1ab: {  	[tilespmem:s12+$0x7050] =	vst.add.f32.msk $0xffff, v14  }
0x1ac: {  	[tilespmem:s12+$0x7060] =	vst.add.f32.msk $0xffff, v15  }
0x1ad: {  	[tilespmem:s12+$0x7070] =	vst.add.f32.msk $0xffff, v16  }
0x1ae: {  	[tilespmem:s12+$0x7400] =	vst.add.f32.msk $0xffff, v17  }
.Ltmp1:
0x1af: {  	[tilespmem:s12+$0x7410] =	vst.add.f32.msk $0xffff, v18;
	(pc) =	sbr.rel @p0 .LBB2_5-.Ltmp1, $4  }
0x1b0: {  	[tilespmem:s12+$0x7420] =	vst.add.f32.msk $0xffff, v19  }
0x1b1: {  	[tilespmem:s12+$0x7430] =	vst.add.f32.msk $0xffff, v20  }
0x1b2: {  	[tilespmem:s12+$0x7440] =	vst.add.f32.msk $0xffff, v21  }
0x1b3: {  	s28 =	sadd.s32 $0x80, s28;
	[tilespmem:s12+$0x7450] =	vst.add.f32.msk $0xffff, v22  }
0x1b4: {  	[tilespmem:s12+$0x7460] =	vst.add.f32.msk $0xffff, v0;
	s8 =	sadd.s32 s4, s10  }
0x1b5: {  	[hbm4b:s8+s14] =	stream.strided.scatter [tilespmem:s16], [sflag:$0x8], $0x6000, s15, s14, $0x38;
	[tilespmem:$0x1B000] =	vst v63  }
0x1b6: {  	s13 =	sadd.s32 s3, s0  }
0x1b7: {  	[tilespmem:s17], [sflag:$0x6] =	stream.linear.gather [hbm4b:s13+s7], $0x1800, $0x38;
	[tilespmem:$0x1B000] =	vst v63  }
0x1b8: {  	_ =	swait.ge [sflag:s18], $0x1800  }
0x1b9: {  	p0 =	seq.s32 s31, $0x7;
	s8 =	sadd.s32 $0x4, s2;
	[sflag:s18] =	ssyncset.done $0x0  }
0x1ba: {  	s8 =	sadd.s32 @!p0 s6, s8;
	[sflag:s18] =	ssyncadd.s32 $0xFFFFE800  }
0x1bb: {  	s10 =	smul.u32 @!p0 $0x300, s8;
	_ =	swait.ge [sflag:s24], $0x6000  }
0x1bc: {  	s12 =	simm.s32 @!p0 $0x1800;
	s28 =	simm.s32 @!p0 $0x0;
	[sflag:s24] =	ssyncset.done $0x0  }
0x1bd: {  	s13 =	simm.s32 @!p0 $0x600000;
	s8 =	sadd.s32 @!p0 s1, s10;
	[sflag:s24] =	ssyncadd.s32 $0xFFFFA000  }
0x1be: {  	[tilespmem:s28], [sflag:$0x1] =	stream.strided.gather @!p0 [hbm4b:s8+s12], $0x6000, s13, s12, $0x38;
	[tilespmem:$0x1B000] =	vst v63  }
0x1bf: {  	_ =	swait.ge [sflag:s25], $0x6000  }
0x1c0: {  	s29 =	simm.s32 $0x0;
	[sflag:s25] =	ssyncset.done $0x0  }
0x1c1: {  	s8 =	sand.u32 $0x380, s29;
	[sflag:s25] =	ssyncadd.s32 $0xFFFFA000  }
0x1c2: {  	v1 =	vld [tilespmem:s8+$0x18C00]  }
0x1c3: {  	v2 =	vld [tilespmem:s8+$0x18C10]  }
0x1c4: {  	v3 =	vld [tilespmem:s8+$0x18C20]  }
0x1c5: {  	v4 =	vld [tilespmem:s8+$0x18C30]  }
0x1c6: {  	v5 =	vld [tilespmem:s8+$0x18C40]  }
0x1c7: {  	v6 =	vld [tilespmem:s8+$0x18C50]  }
0x1c8: {  	v7 =	vld [tilespmem:s8+$0x18C60]  }
0x1c9: {  	v8 =	vld [tilespmem:s8+$0x18C70]  }
0x1ca: {  	v9 =	vld [tilespmem:s8+$0x19000]  }
0x1cb: {  	v10 =	vld [tilespmem:s8+$0x19010]  }
0x1cc: {  	v11 =	vld [tilespmem:s8+$0x19020]  }
0x1cd: {  	v12 =	vld [tilespmem:s8+$0x19030]  }
0x1ce: {  	v13 =	vld [tilespmem:s8+$0x19040]  }
0x1cf: {  	v14 =	vld [tilespmem:s8+$0x19050]  }
0x1d0: {  	v15 =	vld [tilespmem:s8+$0x19060]  }
0x1d1: {  	v16 =	vld [tilespmem:s8+$0x19070]  }
0x1d2: {  	v17 =	vld [tilespmem:s8+$0x19400]  }
0x1d3: {  	v18 =	vld [tilespmem:s8+$0x19410]  }
0x1d4: {  	v19 =	vld [tilespmem:s8+$0x19420]  }
0x1d5: {  	v20 =	vld [tilespmem:s8+$0x19470]  }
0x1d6: {  	v21 =	vld [tilespmem:s8+$0x19430]  }
0x1d7: {  	v22 =	vld [tilespmem:s8+$0x19440]  }
0x1d8: {  	v23 =	vld [tilespmem:s8+$0x19450]  }
0x1d9: {  	v0 =	vld [tilespmem:s8+$0x19460]  }
0x1da: {  	v63 =	vld [tilespmem:s8+$0x18000]  }
0x1db: {  	v24 =	vld [tilespmem:s8+$0x18010]  }
0x1dc: {  	v25 =	vld [tilespmem:s8+$0x18020]  }
0x1dd: {  	v26 =	vld [tilespmem:s8+$0x18030]  }
0x1de: {  	v27 =	vld [tilespmem:s8+$0x18040]  }
0x1df: {  	v28 =	vld [tilespmem:s8+$0x18050]  }
0x1e0: {  	v29 =	vld [tilespmem:s8+$0x18060]  }
0x1e1: {  	v30 =	vld [tilespmem:s8+$0x18070]  }
0x1e2: {  	v31 =	vld [tilespmem:s8+$0x18400]  }
0x1e3: {  	v32 =	vld [tilespmem:s8+$0x18410]  }
0x1e4: {  	v33 =	vld [tilespmem:s8+$0x18420]  }
0x1e5: {  	v34 =	vld [tilespmem:s8+$0x18430]  }
0x1e6: {  	v35 =	vld [tilespmem:s8+$0x18440]  }
0x1e7: {  	v36 =	vld [tilespmem:s8+$0x18450]  }
0x1e8: {  	v37 =	vld [tilespmem:s8+$0x18460]  }
0x1e9: {  	v38 =	vld [tilespmem:s8+$0x18470]  }
0x1ea: {  	v39 =	vld [tilespmem:s8+$0x18800]  }
0x1eb: {  	v40 =	vld [tilespmem:s8+$0x18810]  }
0x1ec: {  	v41 =	vld [tilespmem:s8+$0x18820]  }
0x1ed: {  	s30 =	simm.s32 $0x0;
	v42 =	vld [tilespmem:s8+$0x18830]  }
0x1ee: {  	s12 =	smul.u32 $0x6000, s30;
	v43 =	vld [tilespmem:s8+$0x18840]  }
0x1ef: {  	v44 =	vld [tilespmem:s8+$0x18850]  }
0x1f0: {  	s12 =	sshra.s32 s12, $0x2;
	v45 =	vld [tilespmem:s8+$0x18860]  }
0x1f1: {  	s12 =	sor.u32 s8, s12;
	v46 =	vld [tilespmem:s8+$0x18870]  }
0x1f2: {  	[tilespmem:s12+$0xD470] =	vst.add.f32.msk $0xffff, v20  }
0x1f3: {  	[tilespmem:s12+$0xC000] =	vst.add.f32.msk $0xffff, v63  }
0x1f4: {  	[tilespmem:s12+$0xC010] =	vst.add.f32.msk $0xffff, v24  }
0x1f5: {  	[tilespmem:s12+$0xC020] =	vst.add.f32.msk $0xffff, v25  }
0x1f6: {  	[tilespmem:s12+$0xC030] =	vst.add.f32.msk $0xffff, v26  }
0x1f7: {  	[tilespmem:s12+$0xC040] =	vst.add.f32.msk $0xffff, v27  }
0x1f8: {  	[tilespmem:s12+$0xC050] =	vst.add.f32.msk $0xffff, v28  }
0x1f9: {  	[tilespmem:s12+$0xC060] =	vst.add.f32.msk $0xffff, v29  }
0x1fa: {  	[tilespmem:s12+$0xC070] =	vst.add.f32.msk $0xffff, v30  }
0x1fb: {  	[tilespmem:s12+$0xC400] =	vst.add.f32.msk $0xffff, v31  }
0x1fc: {  	[tilespmem:s12+$0xC410] =	vst.add.f32.msk $0xffff, v32  }
0x1fd: {  	[tilespmem:s12+$0xC420] =	vst.add.f32.msk $0xffff, v33  }
0x1fe: {  	[tilespmem:s12+$0xC430] =	vst.add.f32.msk $0xffff, v34  }
0x1ff: {  	[tilespmem:s12+$0xC440] =	vst.add.f32.msk $0xffff, v35  }
0x200: {  	[tilespmem:s12+$0xC450] =	vst.add.f32.msk $0xffff, v36  }
0x201: {  	[tilespmem:s12+$0xC460] =	vst.add.f32.msk $0xffff, v37  }
0x202: {  	[tilespmem:s12+$0xC470] =	vst.add.f32.msk $0xffff, v38  }
0x203: {  	[tilespmem:s12+$0xC800] =	vst.add.f32.msk $0xffff, v39  }
0x204: {  	[tilespmem:s12+$0xC810] =	vst.add.f32.msk $0xffff, v40  }
0x205: {  	[tilespmem:s12+$0xC820] =	vst.add.f32.msk $0xffff, v41  }
0x206: {  	[tilespmem:s12+$0xC830] =	vst.add.f32.msk $0xffff, v42  }
0x207: {  	[tilespmem:s12+$0xC840] =	vst.add.f32.msk $0xffff, v43  }
0x208: {  	[tilespmem:s12+$0xC850] =	vst.add.f32.msk $0xffff, v44  }
0x209: {  	[tilespmem:s12+$0xC860] =	vst.add.f32.msk $0xffff, v45  }
0x20a: {  	[tilespmem:s12+$0xC870] =	vst.add.f32.msk $0xffff, v46  }
0x20b: {  	[tilespmem:s12+$0xCC00] =	vst.add.f32.msk $0xffff, v1  }
0x20c: {  	[tilespmem:s12+$0xCC10] =	vst.add.f32.msk $0xffff, v2  }
0x20d: {  	[tilespmem:s12+$0xCC20] =	vst.add.f32.msk $0xffff, v3  }
0x20e: {  	[tilespmem:s12+$0xCC30] =	vst.add.f32.msk $0xffff, v4  }
0x20f: {  	[tilespmem:s12+$0xCC40] =	vst.add.f32.msk $0xffff, v5  }
0x210: {  	[tilespmem:s12+$0xCC50] =	vst.add.f32.msk $0xffff, v6  }
0x211: {  	[tilespmem:s12+$0xCC60] =	vst.add.f32.msk $0xffff, v7  }
0x212: {  	[tilespmem:s12+$0xCC70] =	vst.add.f32.msk $0xffff, v8  }
0x213: {  	[tilespmem:s12+$0xD000] =	vst.add.f32.msk $0xffff, v9  }
0x214: {  	[tilespmem:s12+$0xD010] =	vst.add.f32.msk $0xffff, v10  }
0x215: {  	[tilespmem:s12+$0xD020] =	vst.add.f32.msk $0xffff, v11  }
0x216: {  	[tilespmem:s12+$0xD030] =	vst.add.f32.msk $0xffff, v12  }
0x217: {  	[tilespmem:s12+$0xD040] =	vst.add.f32.msk $0xffff, v13  }
0x218: {  	[tilespmem:s12+$0xD050] =	vst.add.f32.msk $0xffff, v14  }
0x219: {  	[tilespmem:s12+$0xD060] =	vst.add.f32.msk $0xffff, v15  }
0x21a: {  	[tilespmem:s12+$0xD070] =	vst.add.f32.msk $0xffff, v16  }
0x21b: {  	[tilespmem:s12+$0xD400] =	vst.add.f32.msk $0xffff, v17  }
0x21c: {  	[tilespmem:s12+$0xD410] =	vst.add.f32.msk $0xffff, v18  }
0x21d: {  	[tilespmem:s12+$0xD420] =	vst.add.f32.msk $0xffff, v19  }
0x21e: {  	[tilespmem:s12+$0xD430] =	vst.add.f32.msk $0xffff, v21  }
0x21f: {  	[tilespmem:s12+$0xD440] =	vst.add.f32.msk $0xffff, v22  }
0x220: {  	s28 =	simm.s32 $0x80;
	s8 =	simm.s32 $0x0;
	[tilespmem:s12+$0xD450] =	vst.add.f32.msk $0xffff, v23  }
.LBB2_7:
0x221: {  	s29 =	sand.u32 $0x380, s28;
	[tilespmem:s12+$0xD460] =	vst.add.f32.msk $0xffff, v0  }
0x222: {  	v1 =	vld [tilespmem:s29+$0x18C00]  }
0x223: {  	v2 =	vld [tilespmem:s29+$0x18C10]  }
0x224: {  	v3 =	vld [tilespmem:s29+$0x18C20]  }
0x225: {  	v4 =	vld [tilespmem:s29+$0x18C30]  }
0x226: {  	v5 =	vld [tilespmem:s29+$0x18C40]  }
0x227: {  	v6 =	vld [tilespmem:s29+$0x18C50]  }
0x228: {  	v7 =	vld [tilespmem:s29+$0x18C60]  }
0x229: {  	v8 =	vld [tilespmem:s29+$0x18C70]  }
0x22a: {  	v9 =	vld [tilespmem:s29+$0x19000]  }
0x22b: {  	v10 =	vld [tilespmem:s29+$0x19010]  }
0x22c: {  	v11 =	vld [tilespmem:s29+$0x19020]  }
0x22d: {  	v12 =	vld [tilespmem:s29+$0x19030]  }
0x22e: {  	v13 =	vld [tilespmem:s29+$0x19040]  }
0x22f: {  	v14 =	vld [tilespmem:s29+$0x19050]  }
0x230: {  	v15 =	vld [tilespmem:s29+$0x19060]  }
0x231: {  	v16 =	vld [tilespmem:s29+$0x19070]  }
0x232: {  	v17 =	vld [tilespmem:s29+$0x19400]  }
0x233: {  	v18 =	vld [tilespmem:s29+$0x19410]  }
0x234: {  	s8 =	sadd.s32 $0x2, s8;
	v19 =	vld [tilespmem:s29+$0x19420]  }
0x235: {  	s12 =	sshrl.u32 s8, $0x4;
	p1 =	slt.u32 s8, $0x3E;
	v23 =	vld [tilespmem:s29+$0x19470]  }
0x236: {  	s12 =	smul.u32 $0x6000, s12;
	v20 =	vld [tilespmem:s29+$0x19430]  }
0x237: {  	v21 =	vld [tilespmem:s29+$0x19440]  }
0x238: {  	s12 =	sshra.s32 s12, $0x2;
	v22 =	vld [tilespmem:s29+$0x19450]  }
0x239: {  	s12 =	sor.u32 s29, s12;
	v0 =	vld [tilespmem:s29+$0x19460]  }
0x23a: {  	[tilespmem:s12+$0xD470] =	vst.add.f32.msk $0xffff, v23  }
0x23b: {  	v23 =	vld [tilespmem:s29+$0x18000]  }
0x23c: {  	v24 =	vld [tilespmem:s29+$0x18010]  }
0x23d: {  	v25 =	vld [tilespmem:s29+$0x18020]  }
0x23e: {  	v26 =	vld [tilespmem:s29+$0x18030]  }
0x23f: {  	v27 =	vld [tilespmem:s29+$0x18040]  }
0x240: {  	v28 =	vld [tilespmem:s29+$0x18050]  }
0x241: {  	v29 =	vld [tilespmem:s29+$0x18060]  }
0x242: {  	v30 =	vld [tilespmem:s29+$0x18070]  }
0x243: {  	v31 =	vld [tilespmem:s29+$0x18400]  }
0x244: {  	v32 =	vld [tilespmem:s29+$0x18410]  }
0x245: {  	v33 =	vld [tilespmem:s29+$0x18420]  }
0x246: {  	v34 =	vld [tilespmem:s29+$0x18430]  }
0x247: {  	v35 =	vld [tilespmem:s29+$0x18440]  }
0x248: {  	v36 =	vld [tilespmem:s29+$0x18450]  }
0x249: {  	v37 =	vld [tilespmem:s29+$0x18460]  }
0x24a: {  	v38 =	vld [tilespmem:s29+$0x18470]  }
0x24b: {  	v39 =	vld [tilespmem:s29+$0x18800]  }
0x24c: {  	v40 =	vld [tilespmem:s29+$0x18810]  }
0x24d: {  	v41 =	vld [tilespmem:s29+$0x18820]  }
0x24e: {  	v42 =	vld [tilespmem:s29+$0x18830]  }
0x24f: {  	v43 =	vld [tilespmem:s29+$0x18840]  }
0x250: {  	v44 =	vld [tilespmem:s29+$0x18850]  }
0x251: {  	v45 =	vld [tilespmem:s29+$0x18860]  }
0x252: {  	v46 =	vld [tilespmem:s29+$0x18870]  }
0x253: {  	[tilespmem:s12+$0xC000] =	vst.add.f32.msk $0xffff, v23  }
0x254: {  	[tilespmem:s12+$0xC010] =	vst.add.f32.msk $0xffff, v24  }
0x255: {  	[tilespmem:s12+$0xC020] =	vst.add.f32.msk $0xffff, v25  }
0x256: {  	[tilespmem:s12+$0xC030] =	vst.add.f32.msk $0xffff, v26  }
0x257: {  	[tilespmem:s12+$0xC040] =	vst.add.f32.msk $0xffff, v27  }
0x258: {  	[tilespmem:s12+$0xC050] =	vst.add.f32.msk $0xffff, v28  }
0x259: {  	[tilespmem:s12+$0xC060] =	vst.add.f32.msk $0xffff, v29  }
0x25a: {  	[tilespmem:s12+$0xC070] =	vst.add.f32.msk $0xffff, v30  }
0x25b: {  	[tilespmem:s12+$0xC400] =	vst.add.f32.msk $0xffff, v31  }
0x25c: {  	[tilespmem:s12+$0xC410] =	vst.add.f32.msk $0xffff, v32  }
0x25d: {  	[tilespmem:s12+$0xC420] =	vst.add.f32.msk $0xffff, v33  }
0x25e: {  	[tilespmem:s12+$0xC430] =	vst.add.f32.msk $0xffff, v34  }
0x25f: {  	[tilespmem:s12+$0xC440] =	vst.add.f32.msk $0xffff, v35  }
0x260: {  	[tilespmem:s12+$0xC450] =	vst.add.f32.msk $0xffff, v36  }
0x261: {  	[tilespmem:s12+$0xC460] =	vst.add.f32.msk $0xffff, v37  }
0x262: {  	[tilespmem:s12+$0xC470] =	vst.add.f32.msk $0xffff, v38  }
0x263: {  	[tilespmem:s12+$0xC800] =	vst.add.f32.msk $0xffff, v39  }
0x264: {  	[tilespmem:s12+$0xC810] =	vst.add.f32.msk $0xffff, v40  }
0x265: {  	[tilespmem:s12+$0xC820] =	vst.add.f32.msk $0xffff, v41  }
0x266: {  	[tilespmem:s12+$0xC830] =	vst.add.f32.msk $0xffff, v42  }
0x267: {  	[tilespmem:s12+$0xC840] =	vst.add.f32.msk $0xffff, v43  }
0x268: {  	[tilespmem:s12+$0xC850] =	vst.add.f32.msk $0xffff, v44  }
0x269: {  	[tilespmem:s12+$0xC860] =	vst.add.f32.msk $0xffff, v45  }
0x26a: {  	[tilespmem:s12+$0xC870] =	vst.add.f32.msk $0xffff, v46  }
0x26b: {  	[tilespmem:s12+$0xCC00] =	vst.add.f32.msk $0xffff, v1  }
0x26c: {  	[tilespmem:s12+$0xCC10] =	vst.add.f32.msk $0xffff, v2  }
0x26d: {  	[tilespmem:s12+$0xCC20] =	vst.add.f32.msk $0xffff, v3  }
0x26e: {  	[tilespmem:s12+$0xCC30] =	vst.add.f32.msk $0xffff, v4  }
0x26f: {  	[tilespmem:s12+$0xCC40] =	vst.add.f32.msk $0xffff, v5  }
0x270: {  	[tilespmem:s12+$0xCC50] =	vst.add.f32.msk $0xffff, v6  }
0x271: {  	[tilespmem:s12+$0xCC60] =	vst.add.f32.msk $0xffff, v7  }
0x272: {  	[tilespmem:s12+$0xCC70] =	vst.add.f32.msk $0xffff, v8  }
0x273: {  	[tilespmem:s12+$0xD000] =	vst.add.f32.msk $0xffff, v9  }
0x274: {  	[tilespmem:s12+$0xD010] =	vst.add.f32.msk $0xffff, v10  }
0x275: {  	[tilespmem:s12+$0xD020] =	vst.add.f32.msk $0xffff, v11  }
0x276: {  	[tilespmem:s12+$0xD030] =	vst.add.f32.msk $0xffff, v12  }
0x277: {  	[tilespmem:s12+$0xD040] =	vst.add.f32.msk $0xffff, v13  }
0x278: {  	[tilespmem:s12+$0xD050] =	vst.add.f32.msk $0xffff, v14  }
0x279: {  	[tilespmem:s12+$0xD060] =	vst.add.f32.msk $0xffff, v15  }
0x27a: {  	[tilespmem:s12+$0xD070] =	vst.add.f32.msk $0xffff, v16  }
0x27b: {  	[tilespmem:s12+$0xD400] =	vst.add.f32.msk $0xffff, v17  }
.Ltmp2:
0x27c: {  	[tilespmem:s12+$0xD410] =	vst.add.f32.msk $0xffff, v18;
	(pc) =	sbr.rel @p1 .LBB2_7-.Ltmp2, $4  }
0x27d: {  	[tilespmem:s12+$0xD420] =	vst.add.f32.msk $0xffff, v19  }
0x27e: {  	[tilespmem:s12+$0xD430] =	vst.add.f32.msk $0xffff, v20  }
0x27f: {  	[tilespmem:s12+$0xD440] =	vst.add.f32.msk $0xffff, v21  }
0x280: {  	s28 =	sadd.s32 $0x80, s28;
	[tilespmem:s12+$0xD450] =	vst.add.f32.msk $0xffff, v22  }
0x281: {  	[tilespmem:s12+$0xD460] =	vst.add.f32.msk $0xffff, v0;
	s8 =	sadd.s32 s4, s9  }
0x282: {  	[hbm4b:s8+s14] =	stream.strided.scatter [tilespmem:s19], [sflag:$0x9], $0x6000, s15, s14, $0x38;
	[tilespmem:$0x1B000] =	vst v63  }
0x283: {  	s8 =	simm.s32 @p0 $0x6  }
0x284: {  	_ =	swait.ge @p0 [sflag:s8], $0x1800  }
0x285: {  	[sflag:s8] =	ssyncset.done @p0 $0x0  }
0x286: {  	[sflag:s8] =	ssyncadd.s32 @p0 $0xFFFFE800;
	s8 =	simm.s32 @p0 $0x8  }
0x287: {  	_ =	swait.ge @p0 [sflag:s8], $0x6000  }
0x288: {  	s9 =	simm.s32 @!p0 $0x0;
	[sflag:s8] =	ssyncset.done @p0 $0x0  }
0x289: {  	[sflag:s8] =	ssyncadd.s32 @p0 $0xFFFFA000;
	s8 =	sadd.s32 @!p0 s3, s10;
	s10 =	simm.s32 @!p0 $0x18000  }
0x28a: {  	[tilespmem:s10], [sflag:$0x5] =	stream.linear.gather @!p0 [hbm4b:s8+s9], $0x1800, $0x38;
	[tilespmem:$0x1B000] =	vst v63  }
0x28b: {  	s8 =	simm.s32 @!p0 $0x6  }
0x28c: {  	_ =	swait.ge @!p0 [sflag:s8], $0x1800  }
0x28d: {  	s2 =	sadd.s32 @!p0 s2, s11;
	[sflag:s8] =	ssyncset.done @!p0 $0x0  }
0x28e: {  	s2 =	smul.u32 @!p0 $0x300, s2;
	[sflag:s8] =	ssyncadd.s32 @!p0 $0xFFFFE800;
	s8 =	simm.s32 @!p0 $0x8  }
0x28f: {  	_ =	swait.ge @!p0 [sflag:s8], $0x6000  }
0x290: {  	s2 =	sadd.s32 @!p0 s1, s2;
	s9 =	simm.s32 @!p0 $0x600000;
	[sflag:s8] =	ssyncset.done @!p0 $0x0  }
0x291: {  	s10 =	simm.s32 @!p0 $0x6000;
	[sflag:s8] =	ssyncadd.s32 @!p0 $0xFFFFA000;
	s8 =	simm.s32 @!p0 $0x1800  }
0x292: {  	[tilespmem:s10], [sflag:$0x2] =	stream.strided.gather @!p0 [hbm4b:s2+s8], $0x6000, s9, s8, $0x38;
	[tilespmem:$0x1B000] =	vst v63  }
0x293: {  	_ =	swait.ge [sflag:s26], $0x6000  }
0x294: {  	s9 =	simm.s32 $0x0;
	[sflag:s26] =	ssyncset.done $0x0  }
0x295: {  	s8 =	sand.u32 $0x380, s9;
	[sflag:s26] =	ssyncadd.s32 $0xFFFFA000  }
0x296: {  	v0 =	vld [tilespmem:s8+$0x19800]  }
0x297: {  	v1 =	vld [tilespmem:s8+$0x19810]  }
0x298: {  	v2 =	vld [tilespmem:s8+$0x19820]  }
0x299: {  	v3 =	vld [tilespmem:s8+$0x19830]  }
0x29a: {  	v4 =	vld [tilespmem:s8+$0x19840]  }
0x29b: {  	v5 =	vld [tilespmem:s8+$0x19850]  }
0x29c: {  	v6 =	vld [tilespmem:s8+$0x19860]  }
0x29d: {  	v7 =	vld [tilespmem:s8+$0x19870]  }
0x29e: {  	v8 =	vld [tilespmem:s8+$0x19C00]  }
0x29f: {  	v9 =	vld [tilespmem:s8+$0x19C10]  }
0x2a0: {  	v10 =	vld [tilespmem:s8+$0x19C20]  }
0x2a1: {  	v11 =	vld [tilespmem:s8+$0x19C30]  }
0x2a2: {  	v12 =	vld [tilespmem:s8+$0x19C40]  }
0x2a3: {  	v13 =	vld [tilespmem:s8+$0x19C50]  }
0x2a4: {  	v14 =	vld [tilespmem:s8+$0x19C60]  }
0x2a5: {  	v15 =	vld [tilespmem:s8+$0x19C70]  }
0x2a6: {  	v16 =	vld [tilespmem:s8+$0x1A000]  }
0x2a7: {  	v17 =	vld [tilespmem:s8+$0x1A010]  }
0x2a8: {  	v18 =	vld [tilespmem:s8+$0x1A020]  }
0x2a9: {  	v19 =	vld [tilespmem:s8+$0x1A030]  }
0x2aa: {  	v20 =	vld [tilespmem:s8+$0x1A040]  }
0x2ab: {  	v21 =	vld [tilespmem:s8+$0x1A050]  }
0x2ac: {  	v22 =	vld [tilespmem:s8+$0x1A060]  }
0x2ad: {  	v23 =	vld [tilespmem:s8+$0x1A070]  }
0x2ae: {  	v50 =	vld [tilespmem:s8+$0x1A430]  }
0x2af: {  	v51 =	vld [tilespmem:s8+$0x1A440]  }
0x2b0: {  	v52 =	vld [tilespmem:s8+$0x1A450]  }
0x2b1: {  	v53 =	vld [tilespmem:s8+$0x1A460]  }
0x2b2: {  	v54 =	vld [tilespmem:s8+$0x1A470]  }
0x2b3: {  	v55 =	vld [tilespmem:s8+$0x1A800]  }
0x2b4: {  	v56 =	vld [tilespmem:s8+$0x1A810]  }
0x2b5: {  	v57 =	vld [tilespmem:s8+$0x1A820]  }
0x2b6: {  	v58 =	vld [tilespmem:s8+$0x1A830]  }
0x2b7: {  	v59 =	vld [tilespmem:s8+$0x1A840]  }
0x2b8: {  	v60 =	vld [tilespmem:s8+$0x1A850]  }
0x2b9: {  	v61 =	vld [tilespmem:s8+$0x1A860]  }
0x2ba: {  	v62 =	vld [tilespmem:s8+$0x1A870]  }
0x2bb: {  	v63 =	vld [tilespmem:s8+$0x1AC00]  }
0x2bc: {  	v24 =	vld [tilespmem:s8+$0x1AC10]  }
0x2bd: {  	s10 =	simm.s32 $0x0;
	v25 =	vld [tilespmem:s8+$0x1AC20]  }
0x2be: {  	s2 =	smul.u32 $0x6000, s10;
	v26 =	vld [tilespmem:s8+$0x1AC30]  }
0x2bf: {  	v27 =	vld [tilespmem:s8+$0x1AC40]  }
0x2c0: {  	s2 =	sshra.s32 s2, $0x2;
	v28 =	vld [tilespmem:s8+$0x1AC50]  }
0x2c1: {  	s9 =	sor.u32 s8, s2;
	v29 =	vld [tilespmem:s8+$0x1AC60]  }
0x2c2: {  	s2 =	sadd.s32 $0x12000, s9;
	[tilespmem:s9+$0x12000] =	vst.add.f32.msk $0xffff, v0  }
0x2c3: {  	s12 =	sor.u32 $0x10, s2;
	v0 =	vld [tilespmem:s8+$0x1AC70]  }
0x2c4: {  	[tilespmem:s12+$0x0] =	vst.add.f32.msk $0xffff, v1  }
0x2c5: {  	s13 =	sor.u32 $0x20, s2;
	v1 =	vld [tilespmem:s8+$0x1A400]  }
0x2c6: {  	[tilespmem:s13+$0x0] =	vst.add.f32.msk $0xffff, v2  }
0x2c7: {  	s28 =	sor.u32 $0x30, s2;
	v2 =	vld [tilespmem:s8+$0x1A410]  }
0x2c8: {  	[tilespmem:s28+$0x0] =	vst.add.f32.msk $0xffff, v3  }
0x2c9: {  	s29 =	sor.u32 $0x40, s2;
	v3 =	vld [tilespmem:s8+$0x1A420]  }
0x2ca: {  	s30 =	sor.u32 $0x50, s2;
	[tilespmem:s29+$0x0] =	vst.add.f32.msk $0xffff, v4  }
0x2cb: {  	s12 =	sor.u32 $0x60, s2;
	[tilespmem:s30+$0x0] =	vst.add.f32.msk $0xffff, v5  }
0x2cc: {  	[tilespmem:s12+$0x0] =	vst.add.f32.msk $0xffff, v6  }
0x2cd: {  	s13 =	sor.u32 $0x70, s2;
	[tilespmem:s9+$0x12C00] =	vst.add.f32.msk $0xffff, v1  }
0x2ce: {  	[tilespmem:s13+$0x0] =	vst.add.f32.msk $0xffff, v7  }
0x2cf: {  	[tilespmem:s2+$0xC10] =	vst.add.f32.msk $0xffff, v2  }
0x2d0: {  	[tilespmem:s2+$0xC30] =	vst.add.f32.msk $0xffff, v50  }
0x2d1: {  	[tilespmem:s2+$0xC40] =	vst.add.f32.msk $0xffff, v51  }
0x2d2: {  	[tilespmem:s2+$0xC50] =	vst.add.f32.msk $0xffff, v52  }
0x2d3: {  	[tilespmem:s2+$0xC60] =	vst.add.f32.msk $0xffff, v53  }
0x2d4: {  	s28 =	sor.u32 $0x400, s2;
	[tilespmem:s2+$0xC70] =	vst.add.f32.msk $0xffff, v54  }
0x2d5: {  	[tilespmem:s28+$0x0] =	vst.add.f32.msk $0xffff, v8  }
0x2d6: {  	s29 =	sor.u32 $0x410, s2;
	[tilespmem:s2+$0xC20] =	vst.add.f32.msk $0xffff, v3  }
0x2d7: {  	[tilespmem:s29+$0x0] =	vst.add.f32.msk $0xffff, v9  }
0x2d8: {  	s30 =	sor.u32 $0x420, s2;
	[tilespmem:s9+$0x13000] =	vst.add.f32.msk $0xffff, v55  }
0x2d9: {  	[tilespmem:s30+$0x0] =	vst.add.f32.msk $0xffff, v10  }
0x2da: {  	[tilespmem:s2+$0x1010] =	vst.add.f32.msk $0xffff, v56  }
0x2db: {  	[tilespmem:s2+$0x1020] =	vst.add.f32.msk $0xffff, v57  }
0x2dc: {  	[tilespmem:s2+$0x1030] =	vst.add.f32.msk $0xffff, v58  }
0x2dd: {  	[tilespmem:s2+$0x1040] =	vst.add.f32.msk $0xffff, v59  }
0x2de: {  	[tilespmem:s2+$0x1050] =	vst.add.f32.msk $0xffff, v60  }
0x2df: {  	[tilespmem:s2+$0x1060] =	vst.add.f32.msk $0xffff, v61  }
0x2e0: {  	s12 =	sor.u32 $0x430, s2;
	[tilespmem:s2+$0x1070] =	vst.add.f32.msk $0xffff, v62  }
0x2e1: {  	[tilespmem:s12+$0x0] =	vst.add.f32.msk $0xffff, v11  }
0x2e2: {  	s13 =	sor.u32 $0x440, s2;
	[tilespmem:s9+$0x13400] =	vst.add.f32.msk $0xffff, v63  }
0x2e3: {  	[tilespmem:s13+$0x0] =	vst.add.f32.msk $0xffff, v12  }
0x2e4: {  	[tilespmem:s2+$0x1410] =	vst.add.f32.msk $0xffff, v24  }
0x2e5: {  	[tilespmem:s2+$0x1420] =	vst.add.f32.msk $0xffff, v25  }
0x2e6: {  	[tilespmem:s2+$0x1430] =	vst.add.f32.msk $0xffff, v26  }
0x2e7: {  	[tilespmem:s2+$0x1440] =	vst.add.f32.msk $0xffff, v27  }
0x2e8: {  	[tilespmem:s2+$0x1450] =	vst.add.f32.msk $0xffff, v28  }
0x2e9: {  	s28 =	sor.u32 $0x450, s2;
	[tilespmem:s2+$0x1460] =	vst.add.f32.msk $0xffff, v29  }
0x2ea: {  	s29 =	sor.u32 $0x460, s2;
	[tilespmem:s28+$0x0] =	vst.add.f32.msk $0xffff, v13  }
0x2eb: {  	s30 =	sor.u32 $0x470, s2;
	[tilespmem:s29+$0x0] =	vst.add.f32.msk $0xffff, v14  }
0x2ec: {  	[tilespmem:s30+$0x0] =	vst.add.f32.msk $0xffff, v15  }
0x2ed: {  	[tilespmem:s9+$0x12800] =	vst.add.f32.msk $0xffff, v16  }
0x2ee: {  	[tilespmem:s2+$0x870] =	vst.add.f32.msk $0xffff, v23  }
0x2ef: {  	[tilespmem:s2+$0x810] =	vst.add.f32.msk $0xffff, v17  }
0x2f0: {  	[tilespmem:s2+$0x820] =	vst.add.f32.msk $0xffff, v18  }
0x2f1: {  	[tilespmem:s2+$0x830] =	vst.add.f32.msk $0xffff, v19  }
0x2f2: {  	[tilespmem:s2+$0x840] =	vst.add.f32.msk $0xffff, v20  }
0x2f3: {  	[tilespmem:s2+$0x850] =	vst.add.f32.msk $0xffff, v21  }
0x2f4: {  	s8 =	simm.s32 $0x0;
	s9 =	simm.s32 $0x80;
	[tilespmem:s2+$0x860] =	vst.add.f32.msk $0xffff, v22  }
.LBB2_9:
0x2f5: {  	s10 =	sand.u32 $0x380, s9;
	[tilespmem:s2+$0x1470] =	vst.add.f32.msk $0xffff, v0  }
0x2f6: {  	v0 =	vld [tilespmem:s10+$0x19800]  }
0x2f7: {  	v1 =	vld [tilespmem:s10+$0x19810]  }
0x2f8: {  	v2 =	vld [tilespmem:s10+$0x19820]  }
0x2f9: {  	v3 =	vld [tilespmem:s10+$0x19830]  }
0x2fa: {  	v4 =	vld [tilespmem:s10+$0x19840]  }
0x2fb: {  	v5 =	vld [tilespmem:s10+$0x19850]  }
0x2fc: {  	v6 =	vld [tilespmem:s10+$0x19860]  }
0x2fd: {  	v7 =	vld [tilespmem:s10+$0x19870]  }
0x2fe: {  	v8 =	vld [tilespmem:s10+$0x19C00]  }
0x2ff: {  	v9 =	vld [tilespmem:s10+$0x19C10]  }
0x300: {  	v10 =	vld [tilespmem:s10+$0x19C20]  }
0x301: {  	v11 =	vld [tilespmem:s10+$0x19C30]  }
0x302: {  	v12 =	vld [tilespmem:s10+$0x19C40]  }
0x303: {  	v13 =	vld [tilespmem:s10+$0x19C50]  }
0x304: {  	v14 =	vld [tilespmem:s10+$0x19C60]  }
0x305: {  	v15 =	vld [tilespmem:s10+$0x19C70]  }
0x306: {  	v16 =	vld [tilespmem:s10+$0x1A000]  }
0x307: {  	s8 =	sadd.s32 $0x2, s8;
	v17 =	vld [tilespmem:s10+$0x1A010]  }
0x308: {  	s2 =	sshrl.u32 s8, $0x4;
	p0 =	slt.u32 s8, $0x3E;
	v18 =	vld [tilespmem:s10+$0x1A020]  }
0x309: {  	s2 =	smul.u32 $0x6000, s2;
	v19 =	vld [tilespmem:s10+$0x1A030]  }
0x30a: {  	v20 =	vld [tilespmem:s10+$0x1A040]  }
0x30b: {  	s2 =	sshra.s32 s2, $0x2;
	v21 =	vld [tilespmem:s10+$0x1A050]  }
0x30c: {  	s12 =	sor.u32 s10, s2;
	v22 =	vld [tilespmem:s10+$0x1A060]  }
0x30d: {  	s2 =	sadd.s32 $0x12000, s12;
	v23 =	vld [tilespmem:s10+$0x1A070]  }
0x30e: {  	s13 =	sor.u32 $0x10, s2;
	[tilespmem:s12+$0x12000] =	vst.add.f32.msk $0xffff, v0  }
0x30f: {  	[tilespmem:s13+$0x0] =	vst.add.f32.msk $0xffff, v1;
	s13 =	sor.u32 $0x20, s2  }
0x310: {  	[tilespmem:s13+$0x0] =	vst.add.f32.msk $0xffff, v2;
	s13 =	sor.u32 $0x30, s2  }
0x311: {  	[tilespmem:s13+$0x0] =	vst.add.f32.msk $0xffff, v3;
	s13 =	sor.u32 $0x40, s2  }
0x312: {  	[tilespmem:s13+$0x0] =	vst.add.f32.msk $0xffff, v4;
	s13 =	sor.u32 $0x50, s2  }
0x313: {  	[tilespmem:s13+$0x0] =	vst.add.f32.msk $0xffff, v5;
	s13 =	sor.u32 $0x60, s2  }
0x314: {  	[tilespmem:s13+$0x0] =	vst.add.f32.msk $0xffff, v6;
	s13 =	sor.u32 $0x70, s2  }
0x315: {  	[tilespmem:s13+$0x0] =	vst.add.f32.msk $0xffff, v7;
	s13 =	sor.u32 $0x400, s2  }
0x316: {  	[tilespmem:s13+$0x0] =	vst.add.f32.msk $0xffff, v8;
	s13 =	sor.u32 $0x410, s2  }
0x317: {  	[tilespmem:s13+$0x0] =	vst.add.f32.msk $0xffff, v9;
	s13 =	sor.u32 $0x420, s2  }
0x318: {  	[tilespmem:s13+$0x0] =	vst.add.f32.msk $0xffff, v10;
	s13 =	sor.u32 $0x430, s2  }
0x319: {  	[tilespmem:s13+$0x0] =	vst.add.f32.msk $0xffff, v11;
	s13 =	sor.u32 $0x440, s2  }
0x31a: {  	[tilespmem:s13+$0x0] =	vst.add.f32.msk $0xffff, v12;
	s13 =	sor.u32 $0x450, s2  }
0x31b: {  	[tilespmem:s13+$0x0] =	vst.add.f32.msk $0xffff, v13;
	s13 =	sor.u32 $0x460, s2  }
0x31c: {  	[tilespmem:s13+$0x0] =	vst.add.f32.msk $0xffff, v14;
	s13 =	sor.u32 $0x470, s2  }
0x31d: {  	[tilespmem:s13+$0x0] =	vst.add.f32.msk $0xffff, v15  }
0x31e: {  	[tilespmem:s12+$0x12800] =	vst.add.f32.msk $0xffff, v16  }
0x31f: {  	[tilespmem:s2+$0x870] =	vst.add.f32.msk $0xffff, v23  }
0x320: {  	v1 =	vld [tilespmem:s10+$0x1A400]  }
0x321: {  	v2 =	vld [tilespmem:s10+$0x1A410]  }
0x322: {  	v3 =	vld [tilespmem:s10+$0x1A420]  }
0x323: {  	v4 =	vld [tilespmem:s10+$0x1A430]  }
0x324: {  	v5 =	vld [tilespmem:s10+$0x1A440]  }
0x325: {  	v6 =	vld [tilespmem:s10+$0x1A450]  }
0x326: {  	v7 =	vld [tilespmem:s10+$0x1A460]  }
0x327: {  	v8 =	vld [tilespmem:s10+$0x1A470]  }
0x328: {  	v9 =	vld [tilespmem:s10+$0x1A800]  }
0x329: {  	v10 =	vld [tilespmem:s10+$0x1A810]  }
0x32a: {  	v11 =	vld [tilespmem:s10+$0x1A820]  }
0x32b: {  	v12 =	vld [tilespmem:s10+$0x1A830]  }
0x32c: {  	v13 =	vld [tilespmem:s10+$0x1A840]  }
0x32d: {  	v14 =	vld [tilespmem:s10+$0x1A850]  }
0x32e: {  	v15 =	vld [tilespmem:s10+$0x1A860]  }
0x32f: {  	v16 =	vld [tilespmem:s10+$0x1A870]  }
0x330: {  	v23 =	vld [tilespmem:s10+$0x1AC00]  }
0x331: {  	v24 =	vld [tilespmem:s10+$0x1AC10]  }
0x332: {  	v25 =	vld [tilespmem:s10+$0x1AC20]  }
0x333: {  	v26 =	vld [tilespmem:s10+$0x1AC30]  }
0x334: {  	v27 =	vld [tilespmem:s10+$0x1AC40]  }
0x335: {  	v28 =	vld [tilespmem:s10+$0x1AC50]  }
0x336: {  	v29 =	vld [tilespmem:s10+$0x1AC60]  }
0x337: {  	v0 =	vld [tilespmem:s10+$0x1AC70]  }
0x338: {  	[tilespmem:s2+$0x810] =	vst.add.f32.msk $0xffff, v17  }
0x339: {  	[tilespmem:s2+$0x820] =	vst.add.f32.msk $0xffff, v18  }
0x33a: {  	[tilespmem:s2+$0x830] =	vst.add.f32.msk $0xffff, v19  }
0x33b: {  	[tilespmem:s2+$0x840] =	vst.add.f32.msk $0xffff, v20  }
0x33c: {  	[tilespmem:s2+$0x850] =	vst.add.f32.msk $0xffff, v21  }
0x33d: {  	[tilespmem:s2+$0x860] =	vst.add.f32.msk $0xffff, v22  }
0x33e: {  	[tilespmem:s12+$0x12C00] =	vst.add.f32.msk $0xffff, v1  }
0x33f: {  	[tilespmem:s2+$0xC10] =	vst.add.f32.msk $0xffff, v2  }
0x340: {  	[tilespmem:s2+$0xC20] =	vst.add.f32.msk $0xffff, v3  }
0x341: {  	[tilespmem:s2+$0xC30] =	vst.add.f32.msk $0xffff, v4  }
0x342: {  	[tilespmem:s2+$0xC40] =	vst.add.f32.msk $0xffff, v5  }
0x343: {  	[tilespmem:s2+$0xC50] =	vst.add.f32.msk $0xffff, v6  }
0x344: {  	[tilespmem:s2+$0xC60] =	vst.add.f32.msk $0xffff, v7  }
0x345: {  	[tilespmem:s2+$0xC70] =	vst.add.f32.msk $0xffff, v8  }
0x346: {  	[tilespmem:s12+$0x13000] =	vst.add.f32.msk $0xffff, v9  }
0x347: {  	[tilespmem:s2+$0x1010] =	vst.add.f32.msk $0xffff, v10  }
0x348: {  	[tilespmem:s2+$0x1020] =	vst.add.f32.msk $0xffff, v11  }
0x349: {  	[tilespmem:s2+$0x1030] =	vst.add.f32.msk $0xffff, v12  }
0x34a: {  	[tilespmem:s2+$0x1040] =	vst.add.f32.msk $0xffff, v13  }
0x34b: {  	[tilespmem:s2+$0x1050] =	vst.add.f32.msk $0xffff, v14  }
0x34c: {  	[tilespmem:s2+$0x1060] =	vst.add.f32.msk $0xffff, v15  }
0x34d: {  	[tilespmem:s2+$0x1070] =	vst.add.f32.msk $0xffff, v16  }
0x34e: {  	[tilespmem:s12+$0x13400] =	vst.add.f32.msk $0xffff, v23  }
0x34f: {  	[tilespmem:s2+$0x1410] =	vst.add.f32.msk $0xffff, v24  }
.Ltmp3:
0x350: {  	[tilespmem:s2+$0x1420] =	vst.add.f32.msk $0xffff, v25;
	(pc) =	sbr.rel @p0 .LBB2_9-.Ltmp3, $4  }
0x351: {  	[tilespmem:s2+$0x1430] =	vst.add.f32.msk $0xffff, v26  }
0x352: {  	[tilespmem:s2+$0x1440] =	vst.add.f32.msk $0xffff, v27  }
0x353: {  	[tilespmem:s2+$0x1450] =	vst.add.f32.msk $0xffff, v28  }
0x354: {  	s9 =	sadd.s32 $0x80, s9;
	[tilespmem:s2+$0x1460] =	vst.add.f32.msk $0xffff, v29  }
0x355: {  	s31 =	sadd.s32 $0x1, s31  }
0x356: {  	p0 =	sne.s32 s31, $0x8  }
.Ltmp4:
0x357: {  	_ = 	snop;
	(pc) =	sbr.rel @p0 .LBB2_2-.Ltmp4, $3  }
0x358: {  	_ =	sdelay $0x1  }
0x359: {  	[tilespmem:s2+$0x1470] =	vst.add.f32.msk $0xffff, v0;
	s0 =	sadd.s32 s4, s0  }
0x35a: {  	[hbm4b:s0+s14] =	stream.strided.scatter [tilespmem:s22], [sflag:$0xA], $0x6000, s15, s14, $0x38;
	[tilespmem:$0x1B000] =	vst v63  }
0x35b: {  	s0 =	simm.s32 $0x9  }
0x35c: {  	_ =	swait.ge [sflag:s0], $0x6000  }
0x35d: {  	[sflag:s0] =	ssyncset.done $0x0  }
0x35e: {  	s2 =	simm.s32 $0xA;
	[sflag:s0] =	ssyncadd.s32 $0xFFFFA000  }
0x35f: {  	_ =	swait.ge [sflag:s2], $0x6000  }
0x360: {  	s8 =	rddreg [dreg:$0x8]  }
0x361: {  	s31 =	rddreg [dreg:$0x7];
	s8 =	sadd.s32 $0x1, s8  }
0x362: {  	p0 =	sne.s32 s8, s31  }
.Ltmp5:
0x363: {  	_ = 	snop;
	(pc) =	sbr.rel @p0 .LBB2_1-.Ltmp5, $3  }
0x364: {  	_ =	sdelay $0x1  }
0x365: {  	[sflag:s2] =	ssyncset.done $0x0  }
0x366: {  	[sflag:s2] =	ssyncadd.s32 $0xFFFFA000  }
0x367: {  	_ =	sfence.sel $0x180000  }
0x368: {  	[bflag:$0x0] =	sbarrier.arrive $0xFFFF  }
0x369: {  	_ =	strace $0x90000047  }
0x36a: {  	s0 =	stileid.u32;
	[bflag:$0x2] =	sbarrier.arrive $0xFFFF  }
0x36b: {  	p0 =	sne.s32 s0, $0x0;
	s0 =	rddreg [dreg:$0x3]  }
0x36c: {  	s0 =	sadd.s32 @!p0 $0x100000, s0  }
0x36d: {  	[sflag:s0] =	ssyncadd.tile.s32 @!p0 $0x1;
	_ =	shalt  }
.Lfunc_end2:
_tile_overlayer_lowered:
.L_overlay_start_2:
0x36e: {  	(tag) =	ssettag $0x2  }
0x36f: {  	s0 =	rddreg [dreg:$0x0];
	s2 =	stileid.u32  }
0x370: {  	s1 =	rddreg [dreg:$0x1];
	p0 =	sne.s32 s2, $0x0  }
0x371: {  	s3 =	rddreg [dreg:$0x2];
	[bflag:$0x3] =	sbarrier.arrive $0xFFFF;
	s2 =	simm.s32 @!p0 $0x1C0B  }
0x372: {  	[timem:s3], [sflag:s2] =	dma.local @!p0 [hbm:s0], s1  }
0x373: {  	s0 =	simm.s32 @!p0 $0xB  }
0x374: {  	_ =	swait.ge @!p0 [sflag:s0], s1  }
0x375: {  	s1 =	ssub.s32 @!p0 $0x0, s1;
	[sflag:s0] =	ssyncset.done @!p0 $0x0  }
0x376: {  	[sflag:s0] =	ssyncadd.s32 @!p0 s1  }
0x377: {  	[bflag:$0x3] =	sbarrier.arrive $0xFFFF  }
0x378: {  	_ =	shalt  }

</sc_bundles>
